<compile_context>
chip_gen: v7x
topology: tpu7x:2x2x1
jax: 0.10.2.dev20260603
libtpu: 0.0.44.dev20260713+nightly
codegen_flags: <defaults>
</compile_context>

<pallas_src>
import functools

import jax
import jax.numpy as jnp
from jax import lax
from jax.experimental import pallas as pl
from jax.experimental.pallas import tpu as pltpu
from jax.experimental.pallas import tpu_sc as plsc

_NC = 2
_NS = 16
_NW = _NC * _NS
_K = 1


@functools.lru_cache(maxsize=None)
def _build_gather(nb, s, d):
    pairs_per_w = nb // _NW // 2
    s2 = 2 * s
    mesh = plsc.VectorSubcoreMesh(core_axis_name="c", subcore_axis_name="s")

    @functools.partial(
        pl.kernel,
        out_type=jax.ShapeDtypeStruct((nb, s, d), jnp.float32),
        mesh=mesh,
        scratch_types=[
            pltpu.VMEM((pairs_per_w, s2), jnp.int32),
            pltpu.VMEM((8, s2, d), jnp.float32),
            pltpu.SemaphoreType.DMA((8,)),
            pltpu.SemaphoreType.DMA((8,)),
        ],
    )
    def gather_kernel(table_hbm, idx_hbm, out_hbm, idx_v, rows_v, gsem, ssem):
        wid = lax.axis_index("s") * _NC + lax.axis_index("c")
        base = wid * pairs_per_w
        pltpu.sync_copy(idx_hbm.at[pl.ds(base, pairs_per_w)], idx_v)
        for p in range(7):
            pltpu.async_copy(table_hbm.at[idx_v.at[p]], rows_v.at[p], gsem.at[p])

        @pl.loop(0, pairs_per_w, step=8)
        def round_(r):
            for sub in range(8):
                c = r + sub
                slot = sub
                prev = (sub - 1) % 8
                @pl.when(c + 7 < pairs_per_w)
                def _():
                    @pl.when(c >= 1)
                    def _():
                        for h in range(2):
                            pltpu.make_async_copy(
                                rows_v.at[prev].at[pl.ds(h * s, s)],
                                out_hbm.at[base],
                                ssem.at[prev],
                            ).wait()

                    pltpu.async_copy(
                        table_hbm.at[idx_v.at[c + 7]], rows_v.at[prev], gsem.at[prev]
                    )

                pltpu.make_async_copy(
                    table_hbm.at[idx_v.at[c]], rows_v.at[slot], gsem.at[slot]
                ).wait()

                for h in range(2):
                    pltpu.async_copy(
                        rows_v.at[slot].at[pl.ds(h * s, s)],
                        out_hbm.at[2 * (base + c) + h],
                        ssem.at[slot],
                    )

        for slot in range(8):
            for h in range(2):
                pltpu.make_async_copy(
                    rows_v.at[slot].at[pl.ds(h * s, s)],
                    out_hbm.at[base],
                    ssem.at[slot],
                ).wait()

    return gather_kernel


def kernel(words_ids, table):
    b, s = words_ids.shape
    v, d = table.shape
    nb = b // _K
    idx = words_ids.reshape(_K, nb // 2, 2 * s).astype(jnp.int32)
    return _build_gather(nb, s, d)(table, idx[0])

# --- scband reference (transcript-rebuilt; emitter-appended) ---
"""Pipeline reference for scband-embedding-layer-52578989638380 (READ-ONLY COPY).

The authoritative reference and input builder live on the scoring server;
editing this copy changes nothing except your own understanding.
"""

import jax, jax.numpy as jnp
import numpy as np

VOCAB = 100000
EMB = 128
BATCH = 4096
SEQ = 50

def setup_inputs(seed: int = 0) -> dict:
    key = jax.random.key(seed)
    k_idx, k_tab = jax.random.split(key)
    words_ids = jax.random.randint(k_idx, (BATCH, SEQ), 0, VOCAB, dtype=jnp.int64 if jax.config.jax_enable_x64 else jnp.int32)
    # nn.Embedding default init: N(0, 1)
    table = jax.random.normal(k_tab, (VOCAB, EMB), dtype=jnp.float32)
    return {"words_ids": words_ids, "table": table}

def reference(words_ids, table):
    # Faithful to nn.Embedding forward: gather rows by index
    return jnp.take(table, words_ids, axis=0)

if __name__ == "__main__":
    import jax
    _d = setup_inputs()
    print(jax.jit(kernel)(*tuple(_d.values())))

</pallas_src>

<mosaic_0001>
#map = affine_map<(d0, d1) -> (0, 0)>
#map1 = affine_map<(d0, d1) -> (0, 0, 0)>
module attributes {stable_mosaic.version = 14 : i64} {
  func.func @gather_kernel(%arg0: i32, %arg1: i32, %arg2: memref<100000x128xf32, #tpu.memory_space<hbm>>, %arg3: memref<2048x100xi32, #tpu.memory_space<hbm>>, %arg4: memref<4096x50x128xf32, #tpu.memory_space<hbm>>, %arg5: memref<64x100xi32, #tpu.memory_space<vmem>>, %arg6: memref<8x100x128xf32, #tpu.memory_space<vmem>>, %arg7: memref<8x!tpu.dma_semaphore, #tpu.memory_space<semaphore_mem>>, %arg8: memref<8x!tpu.dma_semaphore, #tpu.memory_space<semaphore_mem>>) attributes {dimension_semantics = [#tpu.dimension_semantics<core_parallel>, #tpu.dimension_semantics<subcore_parallel>], iteration_bounds = array<i64: 2, 16>, scalar_prefetch = 0 : i64, scratch_operands = 4 : i64, tpu.core_type = #tpu.core_type<sc_vector_subcore>, window_params = [{transform_indices = #map}, {transform_indices = #map}, {transform_indices = #map1}]} {
    %mul3A = arith.constant 2 : i32
    %mul3A_0 = arith.muli %arg1, %mul3A : i32
    %add3A = arith.addi %mul3A_0, %arg0 : i32
    %mul3A_1 = arith.constant 64 : i32
    %mul3A_2 = arith.muli %add3A, %mul3A_1 : i32
    "tpu.region"() ({
      %run_scoped3A = tpu.sem_alloc : memref<!tpu.dma_semaphore, #tpu.memory_space<semaphore_mem>>
      %dma_start3A_526 = arith.constant 0 : i32
      %dma_start3A_527 = tpu.memref_slice %arg3[%mul3A_2, %dma_start3A_526] : memref<2048x100xi32, #tpu.memory_space<hbm>> -> memref<64x100xi32, #tpu.memory_space<hbm>>
      %dma_start3A_528 = arith.constant 0 : i32
      %dma_start3A_529 = tpu.memref_slice %arg3[%mul3A_2, %dma_start3A_528] : memref<2048x100xi32, #tpu.memory_space<hbm>> -> memref<64x100xi32, #tpu.memory_space<hbm>>
      tpu.enqueue_dma source(%dma_start3A_529 : memref<64x100xi32, #tpu.memory_space<hbm>>) target(%arg5 : memref<64x100xi32, #tpu.memory_space<vmem>>) target_semaphore(%run_scoped3A : memref<!tpu.dma_semaphore, #tpu.memory_space<semaphore_mem>>)
      %dma_wait3A_530 = arith.constant 0 : i32
      %dma_wait3A_531 = tpu.memref_slice %arg3[%mul3A_2, %dma_wait3A_530] : memref<2048x100xi32, #tpu.memory_space<hbm>> -> memref<64x100xi32, #tpu.memory_space<hbm>>
      %dma_wait3A_532 = arith.constant 0 : i32
      %dma_wait3A_533 = tpu.memref_slice %arg3[%mul3A_2, %dma_wait3A_532] : memref<2048x100xi32, #tpu.memory_space<hbm>> -> memref<64x100xi32, #tpu.memory_space<hbm>>
      tpu.wait_dma2 semaphore(%run_scoped3A : memref<!tpu.dma_semaphore, #tpu.memory_space<semaphore_mem>>) src(%dma_wait3A_533 : memref<64x100xi32, #tpu.memory_space<hbm>>) dst(%arg5 : memref<64x100xi32, #tpu.memory_space<vmem>>)
      tpu.yield
    }) : () -> ()
    %dma_start3A = arith.constant 0 : i32
    %dma_start3A_3 = arith.constant 0 : i32
    %dma_start3A_4 = arith.constant 0 : i32
    %dma_start3A_5 = arith.constant 0 : i32
    %dma_start3A_6 = arith.constant 0 : i32
    %dma_start3A_7 = tpu.memref_slice %arg6[%dma_start3A_3, %dma_start3A_5, %dma_start3A_6] : memref<8x100x128xf32, #tpu.memory_space<vmem>> -> memref<1x100x128xf32, #tpu.memory_space<vmem>>
    %dma_start3A_8 = tpu.memref_squeeze %dma_start3A_7 : memref<1x100x128xf32, #tpu.memory_space<vmem>> -> memref<100x128xf32, #tpu.memory_space<vmem>>
    %dma_start3A_9 = arith.constant 0 : i32
    %dma_start3A_10 = tpu.memref_slice %arg5[%dma_start3A, %dma_start3A_9] : memref<64x100xi32, #tpu.memory_space<vmem>> -> memref<1x100xi32, #tpu.memory_space<vmem>>
    %dma_start3A_11 = tpu.memref_squeeze %dma_start3A_10 : memref<1x100xi32, #tpu.memory_space<vmem>> -> memref<100xi32, #tpu.memory_space<vmem>>
    %dma_start3A_12 = arith.constant 0 : i32
    %dma_start3A_13 = arith.constant 0 : i32
    %dma_start3A_14 = tpu.memref_slice %arg2[%dma_start3A_12, %dma_start3A_13] : memref<100000x128xf32, #tpu.memory_space<hbm>> -> memref<100000x128xf32, #tpu.memory_space<hbm>>
    %dma_start3A_15 = tpu.memref_slice %arg7[%dma_start3A_4] : memref<8x!tpu.dma_semaphore, #tpu.memory_space<semaphore_mem>> -> memref<1x!tpu.dma_semaphore, #tpu.memory_space<semaphore_mem>>
    %dma_start3A_16 = tpu.memref_squeeze %dma_start3A_15 : memref<1x!tpu.dma_semaphore, #tpu.memory_space<semaphore_mem>> -> memref<!tpu.dma_semaphore, #tpu.memory_space<semaphore_mem>>
    tpu.enqueue_indirect_dma source(%dma_start3A_14 : memref<100000x128xf32, #tpu.memory_space<hbm>>) target(%dma_start3A_8 : memref<100x128xf32, #tpu.memory_space<vmem>>) offsets(%dma_start3A_11 : memref<100xi32, #tpu.memory_space<vmem>>) semaphore(%dma_start3A_16 : memref<!tpu.dma_semaphore, #tpu.memory_space<semaphore_mem>>)
    %dma_start3A_17 = arith.constant 1 : i32
    %dma_start3A_18 = arith.constant 1 : i32
    %dma_start3A_19 = arith.constant 1 : i32
    %dma_start3A_20 = arith.constant 0 : i32
    %dma_start3A_21 = arith.constant 0 : i32
    %dma_start3A_22 = tpu.memref_slice %arg6[%dma_start3A_18, %dma_start3A_20, %dma_start3A_21] : memref<8x100x128xf32, #tpu.memory_space<vmem>> -> memref<1x100x128xf32, #tpu.memory_space<vmem>>
    %dma_start3A_23 = tpu.memref_squeeze %dma_start3A_22 : memref<1x100x128xf32, #tpu.memory_space<vmem>> -> memref<100x128xf32, #tpu.memory_space<vmem>>
    %dma_start3A_24 = arith.constant 0 : i32
    %dma_start3A_25 = tpu.memref_slice %arg5[%dma_start3A_17, %dma_start3A_24] : memref<64x100xi32, #tpu.memory_space<vmem>> -> memref<1x100xi32, #tpu.memory_space<vmem>>
    %dma_start3A_26 = tpu.memref_squeeze %dma_start3A_25 : memref<1x100xi32, #tpu.memory_space<vmem>> -> memref<100xi32, #tpu.memory_space<vmem>>
    %dma_start3A_27 = arith.constant 0 : i32
    %dma_start3A_28 = arith.constant 0 : i32
    %dma_start3A_29 = tpu.memref_slice %arg2[%dma_start3A_27, %dma_start3A_28] : memref<100000x128xf32, #tpu.memory_space<hbm>> -> memref<100000x128xf32, #tpu.memory_space<hbm>>
    %dma_start3A_30 = tpu.memref_slice %arg7[%dma_start3A_19] : memref<8x!tpu.dma_semaphore, #tpu.memory_space<semaphore_mem>> -> memref<1x!tpu.dma_semaphore, #tpu.memory_space<semaphore_mem>>
    %dma_start3A_31 = tpu.memref_squeeze %dma_start3A_30 : memref<1x!tpu.dma_semaphore, #tpu.memory_space<semaphore_mem>> -> memref<!tpu.dma_semaphore, #tpu.memory_space<semaphore_mem>>
    tpu.enqueue_indirect_dma source(%dma_start3A_29 : memref<100000x128xf32, #tpu.memory_space<hbm>>) target(%dma_start3A_23 : memref<100x128xf32, #tpu.memory_space<vmem>>) offsets(%dma_start3A_26 : memref<100xi32, #tpu.memory_space<vmem>>) semaphore(%dma_start3A_31 : memref<!tpu.dma_semaphore, #tpu.memory_space<semaphore_mem>>)
    %dma_start3A_32 = arith.constant 2 : i32
    %dma_start3A_33 = arith.constant 2 : i32
    %dma_start3A_34 = arith.constant 2 : i32
    %dma_start3A_35 = arith.constant 0 : i32
    %dma_start3A_36 = arith.constant 0 : i32
    %dma_start3A_37 = tpu.memref_slice %arg6[%dma_start3A_33, %dma_start3A_35, %dma_start3A_36] : memref<8x100x128xf32, #tpu.memory_space<vmem>> -> memref<1x100x128xf32, #tpu.memory_space<vmem>>
    %dma_start3A_38 = tpu.memref_squeeze %dma_start3A_37 : memref<1x100x128xf32, #tpu.memory_space<vmem>> -> memref<100x128xf32, #tpu.memory_space<vmem>>
    %dma_start3A_39 = arith.constant 0 : i32
    %dma_start3A_40 = tpu.memref_slice %arg5[%dma_start3A_32, %dma_start3A_39] : memref<64x100xi32, #tpu.memory_space<vmem>> -> memref<1x100xi32, #tpu.memory_space<vmem>>
    %dma_start3A_41 = tpu.memref_squeeze %dma_start3A_40 : memref<1x100xi32, #tpu.memory_space<vmem>> -> memref<100xi32, #tpu.memory_space<vmem>>
    %dma_start3A_42 = arith.constant 0 : i32
    %dma_start3A_43 = arith.constant 0 : i32
    %dma_start3A_44 = tpu.memref_slice %arg2[%dma_start3A_42, %dma_start3A_43] : memref<100000x128xf32, #tpu.memory_space<hbm>> -> memref<100000x128xf32, #tpu.memory_space<hbm>>
    %dma_start3A_45 = tpu.memref_slice %arg7[%dma_start3A_34] : memref<8x!tpu.dma_semaphore, #tpu.memory_space<semaphore_mem>> -> memref<1x!tpu.dma_semaphore, #tpu.memory_space<semaphore_mem>>
    %dma_start3A_46 = tpu.memref_squeeze %dma_start3A_45 : memref<1x!tpu.dma_semaphore, #tpu.memory_space<semaphore_mem>> -> memref<!tpu.dma_semaphore, #tpu.memory_space<semaphore_mem>>
    tpu.enqueue_indirect_dma source(%dma_start3A_44 : memref<100000x128xf32, #tpu.memory_space<hbm>>) target(%dma_start3A_38 : memref<100x128xf32, #tpu.memory_space<vmem>>) offsets(%dma_start3A_41 : memref<100xi32, #tpu.memory_space<vmem>>) semaphore(%dma_start3A_46 : memref<!tpu.dma_semaphore, #tpu.memory_space<semaphore_mem>>)
    %dma_start3A_47 = arith.constant 3 : i32
    %dma_start3A_48 = arith.constant 3 : i32
    %dma_start3A_49 = arith.constant 3 : i32
    %dma_start3A_50 = arith.constant 0 : i32
    %dma_start3A_51 = arith.constant 0 : i32
    %dma_start3A_52 = tpu.memref_slice %arg6[%dma_start3A_48, %dma_start3A_50, %dma_start3A_51] : memref<8x100x128xf32, #tpu.memory_space<vmem>> -> memref<1x100x128xf32, #tpu.memory_space<vmem>>
    %dma_start3A_53 = tpu.memref_squeeze %dma_start3A_52 : memref<1x100x128xf32, #tpu.memory_space<vmem>> -> memref<100x128xf32, #tpu.memory_space<vmem>>
    %dma_start3A_54 = arith.constant 0 : i32
    %dma_start3A_55 = tpu.memref_slice %arg5[%dma_start3A_47, %dma_start3A_54] : memref<64x100xi32, #tpu.memory_space<vmem>> -> memref<1x100xi32, #tpu.memory_space<vmem>>
    %dma_start3A_56 = tpu.memref_squeeze %dma_start3A_55 : memref<1x100xi32, #tpu.memory_space<vmem>> -> memref<100xi32, #tpu.memory_space<vmem>>
    %dma_start3A_57 = arith.constant 0 : i32
    %dma_start3A_58 = arith.constant 0 : i32
    %dma_start3A_59 = tpu.memref_slice %arg2[%dma_start3A_57, %dma_start3A_58] : memref<100000x128xf32, #tpu.memory_space<hbm>> -> memref<100000x128xf32, #tpu.memory_space<hbm>>
    %dma_start3A_60 = tpu.memref_slice %arg7[%dma_start3A_49] : memref<8x!tpu.dma_semaphore, #tpu.memory_space<semaphore_mem>> -> memref<1x!tpu.dma_semaphore, #tpu.memory_space<semaphore_mem>>
    %dma_start3A_61 = tpu.memref_squeeze %dma_start3A_60 : memref<1x!tpu.dma_semaphore, #tpu.memory_space<semaphore_mem>> -> memref<!tpu.dma_semaphore, #tpu.memory_space<semaphore_mem>>
    tpu.enqueue_indirect_dma source(%dma_start3A_59 : memref<100000x128xf32, #tpu.memory_space<hbm>>) target(%dma_start3A_53 : memref<100x128xf32, #tpu.memory_space<vmem>>) offsets(%dma_start3A_56 : memref<100xi32, #tpu.memory_space<vmem>>) semaphore(%dma_start3A_61 : memref<!tpu.dma_semaphore, #tpu.memory_space<semaphore_mem>>)
    %dma_start3A_62 = arith.constant 4 : i32
    %dma_start3A_63 = arith.constant 4 : i32
    %dma_start3A_64 = arith.constant 4 : i32
    %dma_start3A_65 = arith.constant 0 : i32
    %dma_start3A_66 = arith.constant 0 : i32
    %dma_start3A_67 = tpu.memref_slice %arg6[%dma_start3A_63, %dma_start3A_65, %dma_start3A_66] : memref<8x100x128xf32, #tpu.memory_space<vmem>> -> memref<1x100x128xf32, #tpu.memory_space<vmem>>
    %dma_start3A_68 = tpu.memref_squeeze %dma_start3A_67 : memref<1x100x128xf32, #tpu.memory_space<vmem>> -> memref<100x128xf32, #tpu.memory_space<vmem>>
    %dma_start3A_69 = arith.constant 0 : i32
    %dma_start3A_70 = tpu.memref_slice %arg5[%dma_start3A_62, %dma_start3A_69] : memref<64x100xi32, #tpu.memory_space<vmem>> -> memref<1x100xi32, #tpu.memory_space<vmem>>
    %dma_start3A_71 = tpu.memref_squeeze %dma_start3A_70 : memref<1x100xi32, #tpu.memory_space<vmem>> -> memref<100xi32, #tpu.memory_space<vmem>>
    %dma_start3A_72 = arith.constant 0 : i32
    %dma_start3A_73 = arith.constant 0 : i32
    %dma_start3A_74 = tpu.memref_slice %arg2[%dma_start3A_72, %dma_start3A_73] : memref<100000x128xf32, #tpu.memory_space<hbm>> -> memref<100000x128xf32, #tpu.memory_space<hbm>>
    %dma_start3A_75 = tpu.memref_slice %arg7[%dma_start3A_64] : memref<8x!tpu.dma_semaphore, #tpu.memory_space<semaphore_mem>> -> memref<1x!tpu.dma_semaphore, #tpu.memory_space<semaphore_mem>>
    %dma_start3A_76 = tpu.memref_squeeze %dma_start3A_75 : memref<1x!tpu.dma_semaphore, #tpu.memory_space<semaphore_mem>> -> memref<!tpu.dma_semaphore, #tpu.memory_space<semaphore_mem>>
    tpu.enqueue_indirect_dma source(%dma_start3A_74 : memref<100000x128xf32, #tpu.memory_space<hbm>>) target(%dma_start3A_68 : memref<100x128xf32, #tpu.memory_space<vmem>>) offsets(%dma_start3A_71 : memref<100xi32, #tpu.memory_space<vmem>>) semaphore(%dma_start3A_76 : memref<!tpu.dma_semaphore, #tpu.memory_space<semaphore_mem>>)
    %dma_start3A_77 = arith.constant 5 : i32
    %dma_start3A_78 = arith.constant 5 : i32
    %dma_start3A_79 = arith.constant 5 : i32
    %dma_start3A_80 = arith.constant 0 : i32
    %dma_start3A_81 = arith.constant 0 : i32
    %dma_start3A_82 = tpu.memref_slice %arg6[%dma_start3A_78, %dma_start3A_80, %dma_start3A_81] : memref<8x100x128xf32, #tpu.memory_space<vmem>> -> memref<1x100x128xf32, #tpu.memory_space<vmem>>
    %dma_start3A_83 = tpu.memref_squeeze %dma_start3A_82 : memref<1x100x128xf32, #tpu.memory_space<vmem>> -> memref<100x128xf32, #tpu.memory_space<vmem>>
    %dma_start3A_84 = arith.constant 0 : i32
    %dma_start3A_85 = tpu.memref_slice %arg5[%dma_start3A_77, %dma_start3A_84] : memref<64x100xi32, #tpu.memory_space<vmem>> -> memref<1x100xi32, #tpu.memory_space<vmem>>
    %dma_start3A_86 = tpu.memref_squeeze %dma_start3A_85 : memref<1x100xi32, #tpu.memory_space<vmem>> -> memref<100xi32, #tpu.memory_space<vmem>>
    %dma_start3A_87 = arith.constant 0 : i32
    %dma_start3A_88 = arith.constant 0 : i32
    %dma_start3A_89 = tpu.memref_slice %arg2[%dma_start3A_87, %dma_start3A_88] : memref<100000x128xf32, #tpu.memory_space<hbm>> -> memref<100000x128xf32, #tpu.memory_space<hbm>>
    %dma_start3A_90 = tpu.memref_slice %arg7[%dma_start3A_79] : memref<8x!tpu.dma_semaphore, #tpu.memory_space<semaphore_mem>> -> memref<1x!tpu.dma_semaphore, #tpu.memory_space<semaphore_mem>>
    %dma_start3A_91 = tpu.memref_squeeze %dma_start3A_90 : memref<1x!tpu.dma_semaphore, #tpu.memory_space<semaphore_mem>> -> memref<!tpu.dma_semaphore, #tpu.memory_space<semaphore_mem>>
    tpu.enqueue_indirect_dma source(%dma_start3A_89 : memref<100000x128xf32, #tpu.memory_space<hbm>>) target(%dma_start3A_83 : memref<100x128xf32, #tpu.memory_space<vmem>>) offsets(%dma_start3A_86 : memref<100xi32, #tpu.memory_space<vmem>>) semaphore(%dma_start3A_91 : memref<!tpu.dma_semaphore, #tpu.memory_space<semaphore_mem>>)
    %dma_start3A_92 = arith.constant 6 : i32
    %dma_start3A_93 = arith.constant 6 : i32
    %dma_start3A_94 = arith.constant 6 : i32
    %dma_start3A_95 = arith.constant 0 : i32
    %dma_start3A_96 = arith.constant 0 : i32
    %dma_start3A_97 = tpu.memref_slice %arg6[%dma_start3A_93, %dma_start3A_95, %dma_start3A_96] : memref<8x100x128xf32, #tpu.memory_space<vmem>> -> memref<1x100x128xf32, #tpu.memory_space<vmem>>
    %dma_start3A_98 = tpu.memref_squeeze %dma_start3A_97 : memref<1x100x128xf32, #tpu.memory_space<vmem>> -> memref<100x128xf32, #tpu.memory_space<vmem>>
    %dma_start3A_99 = arith.constant 0 : i32
    %dma_start3A_100 = tpu.memref_slice %arg5[%dma_start3A_92, %dma_start3A_99] : memref<64x100xi32, #tpu.memory_space<vmem>> -> memref<1x100xi32, #tpu.memory_space<vmem>>
    %dma_start3A_101 = tpu.memref_squeeze %dma_start3A_100 : memref<1x100xi32, #tpu.memory_space<vmem>> -> memref<100xi32, #tpu.memory_space<vmem>>
    %dma_start3A_102 = arith.constant 0 : i32
    %dma_start3A_103 = arith.constant 0 : i32
    %dma_start3A_104 = tpu.memref_slice %arg2[%dma_start3A_102, %dma_start3A_103] : memref<100000x128xf32, #tpu.memory_space<hbm>> -> memref<100000x128xf32, #tpu.memory_space<hbm>>
    %dma_start3A_105 = tpu.memref_slice %arg7[%dma_start3A_94] : memref<8x!tpu.dma_semaphore, #tpu.memory_space<semaphore_mem>> -> memref<1x!tpu.dma_semaphore, #tpu.memory_space<semaphore_mem>>
    %dma_start3A_106 = tpu.memref_squeeze %dma_start3A_105 : memref<1x!tpu.dma_semaphore, #tpu.memory_space<semaphore_mem>> -> memref<!tpu.dma_semaphore, #tpu.memory_space<semaphore_mem>>
    tpu.enqueue_indirect_dma source(%dma_start3A_104 : memref<100000x128xf32, #tpu.memory_space<hbm>>) target(%dma_start3A_98 : memref<100x128xf32, #tpu.memory_space<vmem>>) offsets(%dma_start3A_101 : memref<100xi32, #tpu.memory_space<vmem>>) semaphore(%dma_start3A_106 : memref<!tpu.dma_semaphore, #tpu.memory_space<semaphore_mem>>)
    %scan3A = arith.constant 0 : i32
    %scan3A_107 = arith.constant 8 : i32
    %scan3A_108 = arith.addi %scan3A, %scan3A_107 : i32
    %scan3A_109 = arith.constant 1 : i32
    scf.for %scan3A_526 = %scan3A to %scan3A_108 step %scan3A_109  : i32 {
      %mul3A_527 = arith.constant 8 : i32
      %mul3A_528 = arith.muli %scan3A_526, %mul3A_527 : i32
      %add3A_529 = arith.constant 0 : i32
      %add3A_530 = arith.addi %add3A_529, %mul3A_528 : i32
      %add3A_531 = arith.constant 0 : i32
      %add3A_532 = arith.addi %add3A_530, %add3A_531 : i32
      %add3A_533 = arith.constant 7 : i32
      %add3A_534 = arith.addi %add3A_532, %add3A_533 : i32
      %lt3A = arith.constant 64 : i32
      %lt3A_535 = arith.cmpi slt, %add3A_534, %lt3A : i32
      %convert_element_type3A = arith.extui %lt3A_535 : i1 to i32
      %cond3A = arith.constant 0 : i32
      %cond3A_536 = arith.cmpi ne, %convert_element_type3A, %cond3A : i32
      scf.if %cond3A_536 {
        %ge3A = arith.constant 1 : i32
        %ge3A_1208 = arith.cmpi sge, %add3A_532, %ge3A : i32
        %convert_element_type3A_1209 = arith.extui %ge3A_1208 : i1 to i32
        %cond3A_1210 = arith.constant 0 : i32
        %cond3A_1211 = arith.cmpi ne, %convert_element_type3A_1209, %cond3A_1210 : i32
        scf.if %cond3A_1211 {
          %dma_wait3A_1228 = arith.constant 7 : i32
          %dma_wait3A_1229 = arith.constant 7 : i32
          %dma_wait3A_1230 = arith.constant 0 : i32
          %dma_wait3A_1231 = arith.constant 0 : i32
          %dma_wait3A_1232 = tpu.memref_slice %arg6[%dma_wait3A_1228, %dma_wait3A_1230, %dma_wait3A_1231] : memref<8x100x128xf32, #tpu.memory_space<vmem>> -> memref<1x100x128xf32, #tpu.memory_space<vmem>>
          %dma_wait3A_1233 = tpu.memref_squeeze %dma_wait3A_1232 : memref<1x100x128xf32, #tpu.memory_space<vmem>> -> memref<100x128xf32, #tpu.memory_space<vmem>>
          %dma_wait3A_1234 = arith.constant 0 : i32
          %dma_wait3A_1235 = arith.constant 0 : i32
          %dma_wait3A_1236 = tpu.memref_slice %dma_wait3A_1233[%dma_wait3A_1234, %dma_wait3A_1235] : memref<100x128xf32, #tpu.memory_space<vmem>> -> memref<50x128xf32, #tpu.memory_space<vmem>>
          %dma_wait3A_1237 = arith.constant 0 : i32
          %dma_wait3A_1238 = arith.constant 0 : i32
          %dma_wait3A_1239 = tpu.memref_slice %arg4[%mul3A_2, %dma_wait3A_1237, %dma_wait3A_1238] : memref<4096x50x128xf32, #tpu.memory_space<hbm>> -> memref<1x50x128xf32, #tpu.memory_space<hbm>>
          %dma_wait3A_1240 = tpu.memref_squeeze %dma_wait3A_1239 : memref<1x50x128xf32, #tpu.memory_space<hbm>> -> memref<50x128xf32, #tpu.memory_space<hbm>>
          %dma_wait3A_1241 = tpu.memref_slice %arg8[%dma_wait3A_1229] : memref<8x!tpu.dma_semaphore, #tpu.memory_space<semaphore_mem>> -> memref<1x!tpu.dma_semaphore, #tpu.memory_space<semaphore_mem>>
          %dma_wait3A_1242 = tpu.memref_squeeze %dma_wait3A_1241 : memref<1x!tpu.dma_semaphore, #tpu.memory_space<semaphore_mem>> -> memref<!tpu.dma_semaphore, #tpu.memory_space<semaphore_mem>>
          %dma_wait3A_1243 = arith.constant 0 : i32
          %dma_wait3A_1244 = arith.constant 0 : i32
          %dma_wait3A_1245 = tpu.memref_slice %arg4[%mul3A_2, %dma_wait3A_1243, %dma_wait3A_1244] : memref<4096x50x128xf32, #tpu.memory_space<hbm>> -> memref<1x50x128xf32, #tpu.memory_space<hbm>>
          %dma_wait3A_1246 = tpu.memref_squeeze %dma_wait3A_1245 : memref<1x50x128xf32, #tpu.memory_space<hbm>> -> memref<50x128xf32, #tpu.memory_space<hbm>>
          %dma_wait3A_1247 = arith.constant 0 : i32
          %dma_wait3A_1248 = arith.constant 0 : i32
          %dma_wait3A_1249 = tpu.memref_slice %arg6[%dma_wait3A_1228, %dma_wait3A_1247, %dma_wait3A_1248] : memref<8x100x128xf32, #tpu.memory_space<vmem>> -> memref<1x100x128xf32, #tpu.memory_space<vmem>>
          %dma_wait3A_1250 = tpu.memref_squeeze %dma_wait3A_1249 : memref<1x100x128xf32, #tpu.memory_space<vmem>> -> memref<100x128xf32, #tpu.memory_space<vmem>>
          %dma_wait3A_1251 = arith.constant 0 : i32
          %dma_wait3A_1252 = arith.constant 0 : i32
          %dma_wait3A_1253 = tpu.memref_slice %dma_wait3A_1250[%dma_wait3A_1251, %dma_wait3A_1252] : memref<100x128xf32, #tpu.memory_space<vmem>> -> memref<50x128xf32, #tpu.memory_space<vmem>>
          tpu.wait_dma2 semaphore(%dma_wait3A_1242 : memref<!tpu.dma_semaphore, #tpu.memory_space<semaphore_mem>>) src(%dma_wait3A_1253 : memref<50x128xf32, #tpu.memory_space<vmem>>) dst(%dma_wait3A_1246 : memref<50x128xf32, #tpu.memory_space<hbm>>)
          %dma_wait3A_1254 = arith.constant 7 : i32
          %dma_wait3A_1255 = arith.constant 7 : i32
          %dma_wait3A_1256 = arith.constant 0 : i32
          %dma_wait3A_1257 = arith.constant 0 : i32
          %dma_wait3A_1258 = tpu.memref_slice %arg6[%dma_wait3A_1254, %dma_wait3A_1256, %dma_wait3A_1257] : memref<8x100x128xf32, #tpu.memory_space<vmem>> -> memref<1x100x128xf32, #tpu.memory_space<vmem>>
          %dma_wait3A_1259 = tpu.memref_squeeze %dma_wait3A_1258 : memref<1x100x128xf32, #tpu.memory_space<vmem>> -> memref<100x128xf32, #tpu.memory_space<vmem>>
          %dma_wait3A_1260 = arith.constant 50 : i32
          %dma_wait3A_1261 = arith.constant 0 : i32
          %dma_wait3A_1262 = tpu.memref_slice %dma_wait3A_1259[%dma_wait3A_1260, %dma_wait3A_1261] : memref<100x128xf32, #tpu.memory_space<vmem>> -> memref<50x128xf32, #tpu.memory_space<vmem>>
          %dma_wait3A_1263 = arith.constant 0 : i32
          %dma_wait3A_1264 = arith.constant 0 : i32
          %dma_wait3A_1265 = tpu.memref_slice %arg4[%mul3A_2, %dma_wait3A_1263, %dma_wait3A_1264] : memref<4096x50x128xf32, #tpu.memory_space<hbm>> -> memref<1x50x128xf32, #tpu.memory_space<hbm>>
          %dma_wait3A_1266 = tpu.memref_squeeze %dma_wait3A_1265 : memref<1x50x128xf32, #tpu.memory_space<hbm>> -> memref<50x128xf32, #tpu.memory_space<hbm>>
          %dma_wait3A_1267 = tpu.memref_slice %arg8[%dma_wait3A_1255] : memref<8x!tpu.dma_semaphore, #tpu.memory_space<semaphore_mem>> -> memref<1x!tpu.dma_semaphore, #tpu.memory_space<semaphore_mem>>
          %dma_wait3A_1268 = tpu.memref_squeeze %dma_wait3A_1267 : memref<1x!tpu.dma_semaphore, #tpu.memory_space<semaphore_mem>> -> memref<!tpu.dma_semaphore, #tpu.memory_space<semaphore_mem>>
          %dma_wait3A_1269 = arith.constant 0 : i32
          %dma_wait3A_1270 = arith.constant 0 : i32
          %dma_wait3A_1271 = tpu.memref_slice %arg4[%mul3A_2, %dma_wait3A_1269, %dma_wait3A_1270] : memref<4096x50x128xf32, #tpu.memory_space<hbm>> -> memref<1x50x128xf32, #tpu.memory_space<hbm>>
          %dma_wait3A_1272 = tpu.memref_squeeze %dma_wait3A_1271 : memref<1x50x128xf32, #tpu.memory_space<hbm>> -> memref<50x128xf32, #tpu.memory_space<hbm>>
          %dma_wait3A_1273 = arith.constant 0 : i32
          %dma_wait3A_1274 = arith.constant 0 : i32
          %dma_wait3A_1275 = tpu.memref_slice %arg6[%dma_wait3A_1254, %dma_wait3A_1273, %dma_wait3A_1274] : memref<8x100x128xf32, #tpu.memory_space<vmem>> -> memref<1x100x128xf32, #tpu.memory_space<vmem>>
          %dma_wait3A_1276 = tpu.memref_squeeze %dma_wait3A_1275 : memref<1x100x128xf32, #tpu.memory_space<vmem>> -> memref<100x128xf32, #tpu.memory_space<vmem>>
          %dma_wait3A_1277 = arith.constant 50 : i32
          %dma_wait3A_1278 = arith.constant 0 : i32
          %dma_wait3A_1279 = tpu.memref_slice %dma_wait3A_1276[%dma_wait3A_1277, %dma_wait3A_1278] : memref<100x128xf32, #tpu.memory_space<vmem>> -> memref<50x128xf32, #tpu.memory_space<vmem>>
          tpu.wait_dma2 semaphore(%dma_wait3A_1268 : memref<!tpu.dma_semaphore, #tpu.memory_space<semaphore_mem>>) src(%dma_wait3A_1279 : memref<50x128xf32, #tpu.memory_space<vmem>>) dst(%dma_wait3A_1272 : memref<50x128xf32, #tpu.memory_space<hbm>>)
        } else {
        }
        %add3A_1212 = arith.constant 7 : i32
        %add3A_1213 = arith.addi %add3A_532, %add3A_1212 : i32
        %dma_start3A_1214 = arith.constant 7 : i32
        %dma_start3A_1215 = arith.constant 7 : i32
        %dma_start3A_1216 = arith.constant 0 : i32
        %dma_start3A_1217 = arith.constant 0 : i32
        %dma_start3A_1218 = tpu.memref_slice %arg6[%dma_start3A_1214, %dma_start3A_1216, %dma_start3A_1217] : memref<8x100x128xf32, #tpu.memory_space<vmem>> -> memref<1x100x128xf32, #tpu.memory_space<vmem>>
        %dma_start3A_1219 = tpu.memref_squeeze %dma_start3A_1218 : memref<1x100x128xf32, #tpu.memory_space<vmem>> -> memref<100x128xf32, #tpu.memory_space<vmem>>
        %dma_start3A_1220 = arith.constant 0 : i32
        %dma_start3A_1221 = tpu.memref_slice %arg5[%add3A_1213, %dma_start3A_1220] : memref<64x100xi32, #tpu.memory_space<vmem>> -> memref<1x100xi32, #tpu.memory_space<vmem>>
        %dma_start3A_1222 = tpu.memref_squeeze %dma_start3A_1221 : memref<1x100xi32, #tpu.memory_space<vmem>> -> memref<100xi32, #tpu.memory_space<vmem>>
        %dma_start3A_1223 = arith.constant 0 : i32
        %dma_start3A_1224 = arith.constant 0 : i32
        %dma_start3A_1225 = tpu.memref_slice %arg2[%dma_start3A_1223, %dma_start3A_1224] : memref<100000x128xf32, #tpu.memory_space<hbm>> -> memref<100000x128xf32, #tpu.memory_space<hbm>>
        %dma_start3A_1226 = tpu.memref_slice %arg7[%dma_start3A_1215] : memref<8x!tpu.dma_semaphore, #tpu.memory_space<semaphore_mem>> -> memref<1x!tpu.dma_semaphore, #tpu.memory_space<semaphore_mem>>
        %dma_start3A_1227 = tpu.memref_squeeze %dma_start3A_1226 : memref<1x!tpu.dma_semaphore, #tpu.memory_space<semaphore_mem>> -> memref<!tpu.dma_semaphore, #tpu.memory_space<semaphore_mem>>
        tpu.enqueue_indirect_dma source(%dma_start3A_1225 : memref<100000x128xf32, #tpu.memory_space<hbm>>) target(%dma_start3A_1219 : memref<100x128xf32, #tpu.memory_space<vmem>>) offsets(%dma_start3A_1222 : memref<100xi32, #tpu.memory_space<vmem>>) semaphore(%dma_start3A_1227 : memref<!tpu.dma_semaphore, #tpu.memory_space<semaphore_mem>>)
      } else {
      }
      %dma_wait3A_537 = arith.constant 0 : i32
      %dma_wait3A_538 = arith.constant 0 : i32
      %dma_wait3A_539 = arith.constant 0 : i32
      %dma_wait3A_540 = arith.constant 0 : i32
      %dma_wait3A_541 = tpu.memref_slice %arg6[%dma_wait3A_537, %dma_wait3A_539, %dma_wait3A_540] : memref<8x100x128xf32, #tpu.memory_space<vmem>> -> memref<1x100x128xf32, #tpu.memory_space<vmem>>
      %dma_wait3A_542 = tpu.memref_squeeze %dma_wait3A_541 : memref<1x100x128xf32, #tpu.memory_space<vmem>> -> memref<100x128xf32, #tpu.memory_space<vmem>>
      %dma_wait3A_543 = arith.constant 0 : i32
      %dma_wait3A_544 = tpu.memref_slice %arg5[%add3A_532, %dma_wait3A_543] : memref<64x100xi32, #tpu.memory_space<vmem>> -> memref<1x100xi32, #tpu.memory_space<vmem>>
      %dma_wait3A_545 = tpu.memref_squeeze %dma_wait3A_544 : memref<1x100xi32, #tpu.memory_space<vmem>> -> memref<100xi32, #tpu.memory_space<vmem>>
      %dma_wait3A_546 = arith.constant 0 : i32
      %dma_wait3A_547 = arith.constant 0 : i32
      %dma_wait3A_548 = tpu.memref_slice %arg2[%dma_wait3A_546, %dma_wait3A_547] : memref<100000x128xf32, #tpu.memory_space<hbm>> -> memref<100000x128xf32, #tpu.memory_space<hbm>>
      %dma_wait3A_549 = tpu.memref_slice %arg7[%dma_wait3A_538] : memref<8x!tpu.dma_semaphore, #tpu.memory_space<semaphore_mem>> -> memref<1x!tpu.dma_semaphore, #tpu.memory_space<semaphore_mem>>
      %dma_wait3A_550 = tpu.memref_squeeze %dma_wait3A_549 : memref<1x!tpu.dma_semaphore, #tpu.memory_space<semaphore_mem>> -> memref<!tpu.dma_semaphore, #tpu.memory_space<semaphore_mem>>
      tpu.wait_indirect_dma semaphore(%dma_wait3A_550 : memref<!tpu.dma_semaphore, #tpu.memory_space<semaphore_mem>>) src(%dma_wait3A_548 : memref<100000x128xf32, #tpu.memory_space<hbm>>) dst(%dma_wait3A_542 : memref<100x128xf32, #tpu.memory_space<vmem>>)
      %add3A_551 = arith.addi %mul3A_2, %add3A_532 : i32
      %mul3A_552 = arith.constant 2 : i32
      %mul3A_553 = arith.muli %mul3A_552, %add3A_551 : i32
      %add3A_554 = arith.constant 0 : i32
      %add3A_555 = arith.addi %mul3A_553, %add3A_554 : i32
      %dma_start3A_556 = arith.constant 0 : i32
      %dma_start3A_557 = arith.constant 0 : i32
      %dma_start3A_558 = arith.constant 0 : i32
      %dma_start3A_559 = arith.constant 0 : i32
      %dma_start3A_560 = tpu.memref_slice %arg6[%dma_start3A_556, %dma_start3A_558, %dma_start3A_559] : memref<8x100x128xf32, #tpu.memory_space<vmem>> -> memref<1x100x128xf32, #tpu.memory_space<vmem>>
      %dma_start3A_561 = tpu.memref_squeeze %dma_start3A_560 : memref<1x100x128xf32, #tpu.memory_space<vmem>> -> memref<100x128xf32, #tpu.memory_space<vmem>>
      %dma_start3A_562 = arith.constant 0 : i32
      %dma_start3A_563 = arith.constant 0 : i32
      %dma_start3A_564 = tpu.memref_slice %dma_start3A_561[%dma_start3A_562, %dma_start3A_563] : memref<100x128xf32, #tpu.memory_space<vmem>> -> memref<50x128xf32, #tpu.memory_space<vmem>>
      %dma_start3A_565 = arith.constant 0 : i32
      %dma_start3A_566 = arith.constant 0 : i32
      %dma_start3A_567 = tpu.memref_slice %arg4[%add3A_555, %dma_start3A_565, %dma_start3A_566] : memref<4096x50x128xf32, #tpu.memory_space<hbm>> -> memref<1x50x128xf32, #tpu.memory_space<hbm>>
      %dma_start3A_568 = tpu.memref_squeeze %dma_start3A_567 : memref<1x50x128xf32, #tpu.memory_space<hbm>> -> memref<50x128xf32, #tpu.memory_space<hbm>>
      %dma_start3A_569 = tpu.memref_slice %arg8[%dma_start3A_557] : memref<8x!tpu.dma_semaphore, #tpu.memory_space<semaphore_mem>> -> memref<1x!tpu.dma_semaphore, #tpu.memory_space<semaphore_mem>>
      %dma_start3A_570 = tpu.memref_squeeze %dma_start3A_569 : memref<1x!tpu.dma_semaphore, #tpu.memory_space<semaphore_mem>> -> memref<!tpu.dma_semaphore, #tpu.memory_space<semaphore_mem>>
      %dma_start3A_571 = arith.constant 0 : i32
      %dma_start3A_572 = arith.constant 0 : i32
      %dma_start3A_573 = tpu.memref_slice %arg4[%add3A_555, %dma_start3A_571, %dma_start3A_572] : memref<4096x50x128xf32, #tpu.memory_space<hbm>> -> memref<1x50x128xf32, #tpu.memory_space<hbm>>
      %dma_start3A_574 = tpu.memref_squeeze %dma_start3A_573 : memref<1x50x128xf32, #tpu.memory_space<hbm>> -> memref<50x128xf32, #tpu.memory_space<hbm>>
      %dma_start3A_575 = arith.constant 0 : i32
      %dma_start3A_576 = arith.constant 0 : i32
      %dma_start3A_577 = tpu.memref_slice %arg6[%dma_start3A_556, %dma_start3A_575, %dma_start3A_576] : memref<8x100x128xf32, #tpu.memory_space<vmem>> -> memref<1x100x128xf32, #tpu.memory_space<vmem>>
      %dma_start3A_578 = tpu.memref_squeeze %dma_start3A_577 : memref<1x100x128xf32, #tpu.memory_space<vmem>> -> memref<100x128xf32, #tpu.memory_space<vmem>>
      %dma_start3A_579 = arith.constant 0 : i32
      %dma_start3A_580 = arith.constant 0 : i32
      %dma_start3A_581 = tpu.memref_slice %dma_start3A_578[%dma_start3A_579, %dma_start3A_580] : memref<100x128xf32, #tpu.memory_space<vmem>> -> memref<50x128xf32, #tpu.memory_space<vmem>>
      tpu.enqueue_dma source(%dma_start3A_581 : memref<50x128xf32, #tpu.memory_space<vmem>>) target(%dma_start3A_574 : memref<50x128xf32, #tpu.memory_space<hbm>>) target_semaphore(%dma_start3A_570 : memref<!tpu.dma_semaphore, #tpu.memory_space<semaphore_mem>>)
      %add3A_582 = arith.addi %mul3A_2, %add3A_532 : i32
      %mul3A_583 = arith.constant 2 : i32
      %mul3A_584 = arith.muli %mul3A_583, %add3A_582 : i32
      %add3A_585 = arith.constant 1 : i32
      %add3A_586 = arith.addi %mul3A_584, %add3A_585 : i32
      %dma_start3A_587 = arith.constant 0 : i32
      %dma_start3A_588 = arith.constant 0 : i32
      %dma_start3A_589 = arith.constant 0 : i32
      %dma_start3A_590 = arith.constant 0 : i32
      %dma_start3A_591 = tpu.memref_slice %arg6[%dma_start3A_587, %dma_start3A_589, %dma_start3A_590] : memref<8x100x128xf32, #tpu.memory_space<vmem>> -> memref<1x100x128xf32, #tpu.memory_space<vmem>>
      %dma_start3A_592 = tpu.memref_squeeze %dma_start3A_591 : memref<1x100x128xf32, #tpu.memory_space<vmem>> -> memref<100x128xf32, #tpu.memory_space<vmem>>
      %dma_start3A_593 = arith.constant 50 : i32
      %dma_start3A_594 = arith.constant 0 : i32
      %dma_start3A_595 = tpu.memref_slice %dma_start3A_592[%dma_start3A_593, %dma_start3A_594] : memref<100x128xf32, #tpu.memory_space<vmem>> -> memref<50x128xf32, #tpu.memory_space<vmem>>
      %dma_start3A_596 = arith.constant 0 : i32
      %dma_start3A_597 = arith.constant 0 : i32
      %dma_start3A_598 = tpu.memref_slice %arg4[%add3A_586, %dma_start3A_596, %dma_start3A_597] : memref<4096x50x128xf32, #tpu.memory_space<hbm>> -> memref<1x50x128xf32, #tpu.memory_space<hbm>>
      %dma_start3A_599 = tpu.memref_squeeze %dma_start3A_598 : memref<1x50x128xf32, #tpu.memory_space<hbm>> -> memref<50x128xf32, #tpu.memory_space<hbm>>
      %dma_start3A_600 = tpu.memref_slice %arg8[%dma_start3A_588] : memref<8x!tpu.dma_semaphore, #tpu.memory_space<semaphore_mem>> -> memref<1x!tpu.dma_semaphore, #tpu.memory_space<semaphore_mem>>
      %dma_start3A_601 = tpu.memref_squeeze %dma_start3A_600 : memref<1x!tpu.dma_semaphore, #tpu.memory_space<semaphore_mem>> -> memref<!tpu.dma_semaphore, #tpu.memory_space<semaphore_mem>>
      %dma_start3A_602 = arith.constant 0 : i32
      %dma_start3A_603 = arith.constant 0 : i32
      %dma_start3A_604 = tpu.memref_slice %arg4[%add3A_586, %dma_start3A_602, %dma_start3A_603] : memref<4096x50x128xf32, #tpu.memory_space<hbm>> -> memref<1x50x128xf32, #tpu.memory_space<hbm>>
      %dma_start3A_605 = tpu.memref_squeeze %dma_start3A_604 : memref<1x50x128xf32, #tpu.memory_space<hbm>> -> memref<50x128xf32, #tpu.memory_space<hbm>>
      %dma_start3A_606 = arith.constant 0 : i32
      %dma_start3A_607 = arith.constant 0 : i32
      %dma_start3A_608 = tpu.memref_slice %arg6[%dma_start3A_587, %dma_start3A_606, %dma_start3A_607] : memref<8x100x128xf32, #tpu.memory_space<vmem>> -> memref<1x100x128xf32, #tpu.memory_space<vmem>>
      %dma_start3A_609 = tpu.memref_squeeze %dma_start3A_608 : memref<1x100x128xf32, #tpu.memory_space<vmem>> -> memref<100x128xf32, #tpu.memory_space<vmem>>
      %dma_start3A_610 = arith.constant 50 : i32
      %dma_start3A_611 = arith.constant 0 : i32
      %dma_start3A_612 = tpu.memref_slice %dma_start3A_609[%dma_start3A_610, %dma_start3A_611] : memref<100x128xf32, #tpu.memory_space<vmem>> -> memref<50x128xf32, #tpu.memory_space<vmem>>
      tpu.enqueue_dma source(%dma_start3A_612 : memref<50x128xf32, #tpu.memory_space<vmem>>) target(%dma_start3A_605 : memref<50x128xf32, #tpu.memory_space<hbm>>) target_semaphore(%dma_start3A_601 : memref<!tpu.dma_semaphore, #tpu.memory_space<semaphore_mem>>)
      %add3A_613 = arith.constant 1 : i32
      %add3A_614 = arith.addi %add3A_530, %add3A_613 : i32
      %add3A_615 = arith.constant 7 : i32
      %add3A_616 = arith.addi %add3A_614, %add3A_615 : i32
      %lt3A_617 = arith.constant 64 : i32
      %lt3A_618 = arith.cmpi slt, %add3A_616, %lt3A_617 : i32
      %convert_element_type3A_619 = arith.extui %lt3A_618 : i1 to i32
      %cond3A_620 = arith.constant 0 : i32
      %cond3A_621 = arith.cmpi ne, %convert_element_type3A_619, %cond3A_620 : i32
      scf.if %cond3A_621 {
        %ge3A = arith.constant 1 : i32
        %ge3A_1208 = arith.cmpi sge, %add3A_614, %ge3A : i32
        %convert_element_type3A_1209 = arith.extui %ge3A_1208 : i1 to i32
        %cond3A_1210 = arith.constant 0 : i32
        %cond3A_1211 = arith.cmpi ne, %convert_element_type3A_1209, %cond3A_1210 : i32
        scf.if %cond3A_1211 {
          %dma_wait3A_1228 = arith.constant 0 : i32
          %dma_wait3A_1229 = arith.constant 0 : i32
          %dma_wait3A_1230 = arith.constant 0 : i32
          %dma_wait3A_1231 = arith.constant 0 : i32
          %dma_wait3A_1232 = tpu.memref_slice %arg6[%dma_wait3A_1228, %dma_wait3A_1230, %dma_wait3A_1231] : memref<8x100x128xf32, #tpu.memory_space<vmem>> -> memref<1x100x128xf32, #tpu.memory_space<vmem>>
          %dma_wait3A_1233 = tpu.memref_squeeze %dma_wait3A_1232 : memref<1x100x128xf32, #tpu.memory_space<vmem>> -> memref<100x128xf32, #tpu.memory_space<vmem>>
          %dma_wait3A_1234 = arith.constant 0 : i32
          %dma_wait3A_1235 = arith.constant 0 : i32
          %dma_wait3A_1236 = tpu.memref_slice %dma_wait3A_1233[%dma_wait3A_1234, %dma_wait3A_1235] : memref<100x128xf32, #tpu.memory_space<vmem>> -> memref<50x128xf32, #tpu.memory_space<vmem>>
          %dma_wait3A_1237 = arith.constant 0 : i32
          %dma_wait3A_1238 = arith.constant 0 : i32
          %dma_wait3A_1239 = tpu.memref_slice %arg4[%mul3A_2, %dma_wait3A_1237, %dma_wait3A_1238] : memref<4096x50x128xf32, #tpu.memory_space<hbm>> -> memref<1x50x128xf32, #tpu.memory_space<hbm>>
          %dma_wait3A_1240 = tpu.memref_squeeze %dma_wait3A_1239 : memref<1x50x128xf32, #tpu.memory_space<hbm>> -> memref<50x128xf32, #tpu.memory_space<hbm>>
          %dma_wait3A_1241 = tpu.memref_slice %arg8[%dma_wait3A_1229] : memref<8x!tpu.dma_semaphore, #tpu.memory_space<semaphore_mem>> -> memref<1x!tpu.dma_semaphore, #tpu.memory_space<semaphore_mem>>
          %dma_wait3A_1242 = tpu.memref_squeeze %dma_wait3A_1241 : memref<1x!tpu.dma_semaphore, #tpu.memory_space<semaphore_mem>> -> memref<!tpu.dma_semaphore, #tpu.memory_space<semaphore_mem>>
          %dma_wait3A_1243 = arith.constant 0 : i32
          %dma_wait3A_1244 = arith.constant 0 : i32
          %dma_wait3A_1245 = tpu.memref_slice %arg4[%mul3A_2, %dma_wait3A_1243, %dma_wait3A_1244] : memref<4096x50x128xf32, #tpu.memory_space<hbm>> -> memref<1x50x128xf32, #tpu.memory_space<hbm>>
          %dma_wait3A_1246 = tpu.memref_squeeze %dma_wait3A_1245 : memref<1x50x128xf32, #tpu.memory_space<hbm>> -> memref<50x128xf32, #tpu.memory_space<hbm>>
          %dma_wait3A_1247 = arith.constant 0 : i32
          %dma_wait3A_1248 = arith.constant 0 : i32
          %dma_wait3A_1249 = tpu.memref_slice %arg6[%dma_wait3A_1228, %dma_wait3A_1247, %dma_wait3A_1248] : memref<8x100x128xf32, #tpu.memory_space<vmem>> -> memref<1x100x128xf32, #tpu.memory_space<vmem>>
          %dma_wait3A_1250 = tpu.memref_squeeze %dma_wait3A_1249 : memref<1x100x128xf32, #tpu.memory_space<vmem>> -> memref<100x128xf32, #tpu.memory_space<vmem>>
          %dma_wait3A_1251 = arith.constant 0 : i32
          %dma_wait3A_1252 = arith.constant 0 : i32
          %dma_wait3A_1253 = tpu.memref_slice %dma_wait3A_1250[%dma_wait3A_1251, %dma_wait3A_1252] : memref<100x128xf32, #tpu.memory_space<vmem>> -> memref<50x128xf32, #tpu.memory_space<vmem>>
          tpu.wait_dma2 semaphore(%dma_wait3A_1242 : memref<!tpu.dma_semaphore, #tpu.memory_space<semaphore_mem>>) src(%dma_wait3A_1253 : memref<50x128xf32, #tpu.memory_space<vmem>>) dst(%dma_wait3A_1246 : memref<50x128xf32, #tpu.memory_space<hbm>>)
          %dma_wait3A_1254 = arith.constant 0 : i32
          %dma_wait3A_1255 = arith.constant 0 : i32
          %dma_wait3A_1256 = arith.constant 0 : i32
          %dma_wait3A_1257 = arith.constant 0 : i32
          %dma_wait3A_1258 = tpu.memref_slice %arg6[%dma_wait3A_1254, %dma_wait3A_1256, %dma_wait3A_1257] : memref<8x100x128xf32, #tpu.memory_space<vmem>> -> memref<1x100x128xf32, #tpu.memory_space<vmem>>
          %dma_wait3A_1259 = tpu.memref_squeeze %dma_wait3A_1258 : memref<1x100x128xf32, #tpu.memory_space<vmem>> -> memref<100x128xf32, #tpu.memory_space<vmem>>
          %dma_wait3A_1260 = arith.constant 50 : i32
          %dma_wait3A_1261 = arith.constant 0 : i32
          %dma_wait3A_1262 = tpu.memref_slice %dma_wait3A_1259[%dma_wait3A_1260, %dma_wait3A_1261] : memref<100x128xf32, #tpu.memory_space<vmem>> -> memref<50x128xf32, #tpu.memory_space<vmem>>
          %dma_wait3A_1263 = arith.constant 0 : i32
          %dma_wait3A_1264 = arith.constant 0 : i32
          %dma_wait3A_1265 = tpu.memref_slice %arg4[%mul3A_2, %dma_wait3A_1263, %dma_wait3A_1264] : memref<4096x50x128xf32, #tpu.memory_space<hbm>> -> memref<1x50x128xf32, #tpu.memory_space<hbm>>
          %dma_wait3A_1266 = tpu.memref_squeeze %dma_wait3A_1265 : memref<1x50x128xf32, #tpu.memory_space<hbm>> -> memref<50x128xf32, #tpu.memory_space<hbm>>
          %dma_wait3A_1267 = tpu.memref_slice %arg8[%dma_wait3A_1255] : memref<8x!tpu.dma_semaphore, #tpu.memory_space<semaphore_mem>> -> memref<1x!tpu.dma_semaphore, #tpu.memory_space<semaphore_mem>>
          %dma_wait3A_1268 = tpu.memref_squeeze %dma_wait3A_1267 : memref<1x!tpu.dma_semaphore, #tpu.memory_space<semaphore_mem>> -> memref<!tpu.dma_semaphore, #tpu.memory_space<semaphore_mem>>
          %dma_wait3A_1269 = arith.constant 0 : i32
          %dma_wait3A_1270 = arith.constant 0 : i32
          %dma_wait3A_1271 = tpu.memref_slice %arg4[%mul3A_2, %dma_wait3A_1269, %dma_wait3A_1270] : memref<4096x50x128xf32, #tpu.memory_space<hbm>> -> memref<1x50x128xf32, #tpu.memory_space<hbm>>
          %dma_wait3A_1272 = tpu.memref_squeeze %dma_wait3A_1271 : memref<1x50x128xf32, #tpu.memory_space<hbm>> -> memref<50x128xf32, #tpu.memory_space<hbm>>
          %dma_wait3A_1273 = arith.constant 0 : i32
          %dma_wait3A_1274 = arith.constant 0 : i32
          %dma_wait3A_1275 = tpu.memref_slice %arg6[%dma_wait3A_1254, %dma_wait3A_1273, %dma_wait3A_1274] : memref<8x100x128xf32, #tpu.memory_space<vmem>> -> memref<1x100x128xf32, #tpu.memory_space<vmem>>
          %dma_wait3A_1276 = tpu.memref_squeeze %dma_wait3A_1275 : memref<1x100x128xf32, #tpu.memory_space<vmem>> -> memref<100x128xf32, #tpu.memory_space<vmem>>
          %dma_wait3A_1277 = arith.constant 50 : i32
          %dma_wait3A_1278 = arith.constant 0 : i32
          %dma_wait3A_1279 = tpu.memref_slice %dma_wait3A_1276[%dma_wait3A_1277, %dma_wait3A_1278] : memref<100x128xf32, #tpu.memory_space<vmem>> -> memref<50x128xf32, #tpu.memory_space<vmem>>
          tpu.wait_dma2 semaphore(%dma_wait3A_1268 : memref<!tpu.dma_semaphore, #tpu.memory_space<semaphore_mem>>) src(%dma_wait3A_1279 : memref<50x128xf32, #tpu.memory_space<vmem>>) dst(%dma_wait3A_1272 : memref<50x128xf32, #tpu.memory_space<hbm>>)
        } else {
        }
        %add3A_1212 = arith.constant 7 : i32
        %add3A_1213 = arith.addi %add3A_614, %add3A_1212 : i32
        %dma_start3A_1214 = arith.constant 0 : i32
        %dma_start3A_1215 = arith.constant 0 : i32
        %dma_start3A_1216 = arith.constant 0 : i32
        %dma_start3A_1217 = arith.constant 0 : i32
        %dma_start3A_1218 = tpu.memref_slice %arg6[%dma_start3A_1214, %dma_start3A_1216, %dma_start3A_1217] : memref<8x100x128xf32, #tpu.memory_space<vmem>> -> memref<1x100x128xf32, #tpu.memory_space<vmem>>
        %dma_start3A_1219 = tpu.memref_squeeze %dma_start3A_1218 : memref<1x100x128xf32, #tpu.memory_space<vmem>> -> memref<100x128xf32, #tpu.memory_space<vmem>>
        %dma_start3A_1220 = arith.constant 0 : i32
        %dma_start3A_1221 = tpu.memref_slice %arg5[%add3A_1213, %dma_start3A_1220] : memref<64x100xi32, #tpu.memory_space<vmem>> -> memref<1x100xi32, #tpu.memory_space<vmem>>
        %dma_start3A_1222 = tpu.memref_squeeze %dma_start3A_1221 : memref<1x100xi32, #tpu.memory_space<vmem>> -> memref<100xi32, #tpu.memory_space<vmem>>
        %dma_start3A_1223 = arith.constant 0 : i32
        %dma_start3A_1224 = arith.constant 0 : i32
        %dma_start3A_1225 = tpu.memref_slice %arg2[%dma_start3A_1223, %dma_start3A_1224] : memref<100000x128xf32, #tpu.memory_space<hbm>> -> memref<100000x128xf32, #tpu.memory_space<hbm>>
        %dma_start3A_1226 = tpu.memref_slice %arg7[%dma_start3A_1215] : memref<8x!tpu.dma_semaphore, #tpu.memory_space<semaphore_mem>> -> memref<1x!tpu.dma_semaphore, #tpu.memory_space<semaphore_mem>>
        %dma_start3A_1227 = tpu.memref_squeeze %dma_start3A_1226 : memref<1x!tpu.dma_semaphore, #tpu.memory_space<semaphore_mem>> -> memref<!tpu.dma_semaphore, #tpu.memory_space<semaphore_mem>>
        tpu.enqueue_indirect_dma source(%dma_start3A_1225 : memref<100000x128xf32, #tpu.memory_space<hbm>>) target(%dma_start3A_1219 : memref<100x128xf32, #tpu.memory_space<vmem>>) offsets(%dma_start3A_1222 : memref<100xi32, #tpu.memory_space<vmem>>) semaphore(%dma_start3A_1227 : memref<!tpu.dma_semaphore, #tpu.memory_space<semaphore_mem>>)
      } else {
      }
      %dma_wait3A_622 = arith.constant 1 : i32
      %dma_wait3A_623 = arith.constant 1 : i32
      %dma_wait3A_624 = arith.constant 0 : i32
      %dma_wait3A_625 = arith.constant 0 : i32
      %dma_wait3A_626 = tpu.memref_slice %arg6[%dma_wait3A_622, %dma_wait3A_624, %dma_wait3A_625] : memref<8x100x128xf32, #tpu.memory_space<vmem>> -> memref<1x100x128xf32, #tpu.memory_space<vmem>>
      %dma_wait3A_627 = tpu.memref_squeeze %dma_wait3A_626 : memref<1x100x128xf32, #tpu.memory_space<vmem>> -> memref<100x128xf32, #tpu.memory_space<vmem>>
      %dma_wait3A_628 = arith.constant 0 : i32
      %dma_wait3A_629 = tpu.memref_slice %arg5[%add3A_614, %dma_wait3A_628] : memref<64x100xi32, #tpu.memory_space<vmem>> -> memref<1x100xi32, #tpu.memory_space<vmem>>
      %dma_wait3A_630 = tpu.memref_squeeze %dma_wait3A_629 : memref<1x100xi32, #tpu.memory_space<vmem>> -> memref<100xi32, #tpu.memory_space<vmem>>
      %dma_wait3A_631 = arith.constant 0 : i32
      %dma_wait3A_632 = arith.constant 0 : i32
      %dma_wait3A_633 = tpu.memref_slice %arg2[%dma_wait3A_631, %dma_wait3A_632] : memref<100000x128xf32, #tpu.memory_space<hbm>> -> memref<100000x128xf32, #tpu.memory_space<hbm>>
      %dma_wait3A_634 = tpu.memref_slice %arg7[%dma_wait3A_623] : memref<8x!tpu.dma_semaphore, #tpu.memory_space<semaphore_mem>> -> memref<1x!tpu.dma_semaphore, #tpu.memory_space<semaphore_mem>>
      %dma_wait3A_635 = tpu.memref_squeeze %dma_wait3A_634 : memref<1x!tpu.dma_semaphore, #tpu.memory_space<semaphore_mem>> -> memref<!tpu.dma_semaphore, #tpu.memory_space<semaphore_mem>>
      tpu.wait_indirect_dma semaphore(%dma_wait3A_635 : memref<!tpu.dma_semaphore, #tpu.memory_space<semaphore_mem>>) src(%dma_wait3A_633 : memref<100000x128xf32, #tpu.memory_space<hbm>>) dst(%dma_wait3A_627 : memref<100x128xf32, #tpu.memory_space<vmem>>)
      %add3A_636 = arith.addi %mul3A_2, %add3A_614 : i32
      %mul3A_637 = arith.constant 2 : i32
      %mul3A_638 = arith.muli %mul3A_637, %add3A_636 : i32
      %add3A_639 = arith.constant 0 : i32
      %add3A_640 = arith.addi %mul3A_638, %add3A_639 : i32
      %dma_start3A_641 = arith.constant 1 : i32
      %dma_start3A_642 = arith.constant 1 : i32
      %dma_start3A_643 = arith.constant 0 : i32
      %dma_start3A_644 = arith.constant 0 : i32
      %dma_start3A_645 = tpu.memref_slice %arg6[%dma_start3A_641, %dma_start3A_643, %dma_start3A_644] : memref<8x100x128xf32, #tpu.memory_space<vmem>> -> memref<1x100x128xf32, #tpu.memory_space<vmem>>
      %dma_start3A_646 = tpu.memref_squeeze %dma_start3A_645 : memref<1x100x128xf32, #tpu.memory_space<vmem>> -> memref<100x128xf32, #tpu.memory_space<vmem>>
      %dma_start3A_647 = arith.constant 0 : i32
      %dma_start3A_648 = arith.constant 0 : i32
      %dma_start3A_649 = tpu.memref_slice %dma_start3A_646[%dma_start3A_647, %dma_start3A_648] : memref<100x128xf32, #tpu.memory_space<vmem>> -> memref<50x128xf32, #tpu.memory_space<vmem>>
      %dma_start3A_650 = arith.constant 0 : i32
      %dma_start3A_651 = arith.constant 0 : i32
      %dma_start3A_652 = tpu.memref_slice %arg4[%add3A_640, %dma_start3A_650, %dma_start3A_651] : memref<4096x50x128xf32, #tpu.memory_space<hbm>> -> memref<1x50x128xf32, #tpu.memory_space<hbm>>
      %dma_start3A_653 = tpu.memref_squeeze %dma_start3A_652 : memref<1x50x128xf32, #tpu.memory_space<hbm>> -> memref<50x128xf32, #tpu.memory_space<hbm>>
      %dma_start3A_654 = tpu.memref_slice %arg8[%dma_start3A_642] : memref<8x!tpu.dma_semaphore, #tpu.memory_space<semaphore_mem>> -> memref<1x!tpu.dma_semaphore, #tpu.memory_space<semaphore_mem>>
      %dma_start3A_655 = tpu.memref_squeeze %dma_start3A_654 : memref<1x!tpu.dma_semaphore, #tpu.memory_space<semaphore_mem>> -> memref<!tpu.dma_semaphore, #tpu.memory_space<semaphore_mem>>
      %dma_start3A_656 = arith.constant 0 : i32
      %dma_start3A_657 = arith.constant 0 : i32
      %dma_start3A_658 = tpu.memref_slice %arg4[%add3A_640, %dma_start3A_656, %dma_start3A_657] : memref<4096x50x128xf32, #tpu.memory_space<hbm>> -> memref<1x50x128xf32, #tpu.memory_space<hbm>>
      %dma_start3A_659 = tpu.memref_squeeze %dma_start3A_658 : memref<1x50x128xf32, #tpu.memory_space<hbm>> -> memref<50x128xf32, #tpu.memory_space<hbm>>
      %dma_start3A_660 = arith.constant 0 : i32
      %dma_start3A_661 = arith.constant 0 : i32
      %dma_start3A_662 = tpu.memref_slice %arg6[%dma_start3A_641, %dma_start3A_660, %dma_start3A_661] : memref<8x100x128xf32, #tpu.memory_space<vmem>> -> memref<1x100x128xf32, #tpu.memory_space<vmem>>
      %dma_start3A_663 = tpu.memref_squeeze %dma_start3A_662 : memref<1x100x128xf32, #tpu.memory_space<vmem>> -> memref<100x128xf32, #tpu.memory_space<vmem>>
      %dma_start3A_664 = arith.constant 0 : i32
      %dma_start3A_665 = arith.constant 0 : i32
      %dma_start3A_666 = tpu.memref_slice %dma_start3A_663[%dma_start3A_664, %dma_start3A_665] : memref<100x128xf32, #tpu.memory_space<vmem>> -> memref<50x128xf32, #tpu.memory_space<vmem>>
      tpu.enqueue_dma source(%dma_start3A_666 : memref<50x128xf32, #tpu.memory_space<vmem>>) target(%dma_start3A_659 : memref<50x128xf32, #tpu.memory_space<hbm>>) target_semaphore(%dma_start3A_655 : memref<!tpu.dma_semaphore, #tpu.memory_space<semaphore_mem>>)
      %add3A_667 = arith.addi %mul3A_2, %add3A_614 : i32
      %mul3A_668 = arith.constant 2 : i32
      %mul3A_669 = arith.muli %mul3A_668, %add3A_667 : i32
      %add3A_670 = arith.constant 1 : i32
      %add3A_671 = arith.addi %mul3A_669, %add3A_670 : i32
      %dma_start3A_672 = arith.constant 1 : i32
      %dma_start3A_673 = arith.constant 1 : i32
      %dma_start3A_674 = arith.constant 0 : i32
      %dma_start3A_675 = arith.constant 0 : i32
      %dma_start3A_676 = tpu.memref_slice %arg6[%dma_start3A_672, %dma_start3A_674, %dma_start3A_675] : memref<8x100x128xf32, #tpu.memory_space<vmem>> -> memref<1x100x128xf32, #tpu.memory_space<vmem>>
      %dma_start3A_677 = tpu.memref_squeeze %dma_start3A_676 : memref<1x100x128xf32, #tpu.memory_space<vmem>> -> memref<100x128xf32, #tpu.memory_space<vmem>>
      %dma_start3A_678 = arith.constant 50 : i32
      %dma_start3A_679 = arith.constant 0 : i32
      %dma_start3A_680 = tpu.memref_slice %dma_start3A_677[%dma_start3A_678, %dma_start3A_679] : memref<100x128xf32, #tpu.memory_space<vmem>> -> memref<50x128xf32, #tpu.memory_space<vmem>>
      %dma_start3A_681 = arith.constant 0 : i32
      %dma_start3A_682 = arith.constant 0 : i32
      %dma_start3A_683 = tpu.memref_slice %arg4[%add3A_671, %dma_start3A_681, %dma_start3A_682] : memref<4096x50x128xf32, #tpu.memory_space<hbm>> -> memref<1x50x128xf32, #tpu.memory_space<hbm>>
      %dma_start3A_684 = tpu.memref_squeeze %dma_start3A_683 : memref<1x50x128xf32, #tpu.memory_space<hbm>> -> memref<50x128xf32, #tpu.memory_space<hbm>>
      %dma_start3A_685 = tpu.memref_slice %arg8[%dma_start3A_673] : memref<8x!tpu.dma_semaphore, #tpu.memory_space<semaphore_mem>> -> memref<1x!tpu.dma_semaphore, #tpu.memory_space<semaphore_mem>>
      %dma_start3A_686 = tpu.memref_squeeze %dma_start3A_685 : memref<1x!tpu.dma_semaphore, #tpu.memory_space<semaphore_mem>> -> memref<!tpu.dma_semaphore, #tpu.memory_space<semaphore_mem>>
      %dma_start3A_687 = arith.constant 0 : i32
      %dma_start3A_688 = arith.constant 0 : i32
      %dma_start3A_689 = tpu.memref_slice %arg4[%add3A_671, %dma_start3A_687, %dma_start3A_688] : memref<4096x50x128xf32, #tpu.memory_space<hbm>> -> memref<1x50x128xf32, #tpu.memory_space<hbm>>
      %dma_start3A_690 = tpu.memref_squeeze %dma_start3A_689 : memref<1x50x128xf32, #tpu.memory_space<hbm>> -> memref<50x128xf32, #tpu.memory_space<hbm>>
      %dma_start3A_691 = arith.constant 0 : i32
      %dma_start3A_692 = arith.constant 0 : i32
      %dma_start3A_693 = tpu.memref_slice %arg6[%dma_start3A_672, %dma_start3A_691, %dma_start3A_692] : memref<8x100x128xf32, #tpu.memory_space<vmem>> -> memref<1x100x128xf32, #tpu.memory_space<vmem>>
      %dma_start3A_694 = tpu.memref_squeeze %dma_start3A_693 : memref<1x100x128xf32, #tpu.memory_space<vmem>> -> memref<100x128xf32, #tpu.memory_space<vmem>>
      %dma_start3A_695 = arith.constant 50 : i32
      %dma_start3A_696 = arith.constant 0 : i32
      %dma_start3A_697 = tpu.memref_slice %dma_start3A_694[%dma_start3A_695, %dma_start3A_696] : memref<100x128xf32, #tpu.memory_space<vmem>> -> memref<50x128xf32, #tpu.memory_space<vmem>>
      tpu.enqueue_dma source(%dma_start3A_697 : memref<50x128xf32, #tpu.memory_space<vmem>>) target(%dma_start3A_690 : memref<50x128xf32, #tpu.memory_space<hbm>>) target_semaphore(%dma_start3A_686 : memref<!tpu.dma_semaphore, #tpu.memory_space<semaphore_mem>>)
      %add3A_698 = arith.constant 2 : i32
      %add3A_699 = arith.addi %add3A_530, %add3A_698 : i32
      %add3A_700 = arith.constant 7 : i32
      %add3A_701 = arith.addi %add3A_699, %add3A_700 : i32
      %lt3A_702 = arith.constant 64 : i32
      %lt3A_703 = arith.cmpi slt, %add3A_701, %lt3A_702 : i32
      %convert_element_type3A_704 = arith.extui %lt3A_703 : i1 to i32
      %cond3A_705 = arith.constant 0 : i32
      %cond3A_706 = arith.cmpi ne, %convert_element_type3A_704, %cond3A_705 : i32
      scf.if %cond3A_706 {
        %ge3A = arith.constant 1 : i32
        %ge3A_1208 = arith.cmpi sge, %add3A_699, %ge3A : i32
        %convert_element_type3A_1209 = arith.extui %ge3A_1208 : i1 to i32
        %cond3A_1210 = arith.constant 0 : i32
        %cond3A_1211 = arith.cmpi ne, %convert_element_type3A_1209, %cond3A_1210 : i32
        scf.if %cond3A_1211 {
          %dma_wait3A_1228 = arith.constant 1 : i32
          %dma_wait3A_1229 = arith.constant 1 : i32
          %dma_wait3A_1230 = arith.constant 0 : i32
          %dma_wait3A_1231 = arith.constant 0 : i32
          %dma_wait3A_1232 = tpu.memref_slice %arg6[%dma_wait3A_1228, %dma_wait3A_1230, %dma_wait3A_1231] : memref<8x100x128xf32, #tpu.memory_space<vmem>> -> memref<1x100x128xf32, #tpu.memory_space<vmem>>
          %dma_wait3A_1233 = tpu.memref_squeeze %dma_wait3A_1232 : memref<1x100x128xf32, #tpu.memory_space<vmem>> -> memref<100x128xf32, #tpu.memory_space<vmem>>
          %dma_wait3A_1234 = arith.constant 0 : i32
          %dma_wait3A_1235 = arith.constant 0 : i32
          %dma_wait3A_1236 = tpu.memref_slice %dma_wait3A_1233[%dma_wait3A_1234, %dma_wait3A_1235] : memref<100x128xf32, #tpu.memory_space<vmem>> -> memref<50x128xf32, #tpu.memory_space<vmem>>
          %dma_wait3A_1237 = arith.constant 0 : i32
          %dma_wait3A_1238 = arith.constant 0 : i32
          %dma_wait3A_1239 = tpu.memref_slice %arg4[%mul3A_2, %dma_wait3A_1237, %dma_wait3A_1238] : memref<4096x50x128xf32, #tpu.memory_space<hbm>> -> memref<1x50x128xf32, #tpu.memory_space<hbm>>
          %dma_wait3A_1240 = tpu.memref_squeeze %dma_wait3A_1239 : memref<1x50x128xf32, #tpu.memory_space<hbm>> -> memref<50x128xf32, #tpu.memory_space<hbm>>
          %dma_wait3A_1241 = tpu.memref_slice %arg8[%dma_wait3A_1229] : memref<8x!tpu.dma_semaphore, #tpu.memory_space<semaphore_mem>> -> memref<1x!tpu.dma_semaphore, #tpu.memory_space<semaphore_mem>>
          %dma_wait3A_1242 = tpu.memref_squeeze %dma_wait3A_1241 : memref<1x!tpu.dma_semaphore, #tpu.memory_space<semaphore_mem>> -> memref<!tpu.dma_semaphore, #tpu.memory_space<semaphore_mem>>
          %dma_wait3A_1243 = arith.constant 0 : i32
          %dma_wait3A_1244 = arith.constant 0 : i32
          %dma_wait3A_1245 = tpu.memref_slice %arg4[%mul3A_2, %dma_wait3A_1243, %dma_wait3A_1244] : memref<4096x50x128xf32, #tpu.memory_space<hbm>> -> memref<1x50x128xf32, #tpu.memory_space<hbm>>
          %dma_wait3A_1246 = tpu.memref_squeeze %dma_wait3A_1245 : memref<1x50x128xf32, #tpu.memory_space<hbm>> -> memref<50x128xf32, #tpu.memory_space<hbm>>
          %dma_wait3A_1247 = arith.constant 0 : i32
          %dma_wait3A_1248 = arith.constant 0 : i32
          %dma_wait3A_1249 = tpu.memref_slice %arg6[%dma_wait3A_1228, %dma_wait3A_1247, %dma_wait3A_1248] : memref<8x100x128xf32, #tpu.memory_space<vmem>> -> memref<1x100x128xf32, #tpu.memory_space<vmem>>
          %dma_wait3A_1250 = tpu.memref_squeeze %dma_wait3A_1249 : memref<1x100x128xf32, #tpu.memory_space<vmem>> -> memref<100x128xf32, #tpu.memory_space<vmem>>
          %dma_wait3A_1251 = arith.constant 0 : i32
          %dma_wait3A_1252 = arith.constant 0 : i32
          %dma_wait3A_1253 = tpu.memref_slice %dma_wait3A_1250[%dma_wait3A_1251, %dma_wait3A_1252] : memref<100x128xf32, #tpu.memory_space<vmem>> -> memref<50x128xf32, #tpu.memory_space<vmem>>
          tpu.wait_dma2 semaphore(%dma_wait3A_1242 : memref<!tpu.dma_semaphore, #tpu.memory_space<semaphore_mem>>) src(%dma_wait3A_1253 : memref<50x128xf32, #tpu.memory_space<vmem>>) dst(%dma_wait3A_1246 : memref<50x128xf32, #tpu.memory_space<hbm>>)
          %dma_wait3A_1254 = arith.constant 1 : i32
          %dma_wait3A_1255 = arith.constant 1 : i32
          %dma_wait3A_1256 = arith.constant 0 : i32
          %dma_wait3A_1257 = arith.constant 0 : i32
          %dma_wait3A_1258 = tpu.memref_slice %arg6[%dma_wait3A_1254, %dma_wait3A_1256, %dma_wait3A_1257] : memref<8x100x128xf32, #tpu.memory_space<vmem>> -> memref<1x100x128xf32, #tpu.memory_space<vmem>>
          %dma_wait3A_1259 = tpu.memref_squeeze %dma_wait3A_1258 : memref<1x100x128xf32, #tpu.memory_space<vmem>> -> memref<100x128xf32, #tpu.memory_space<vmem>>
          %dma_wait3A_1260 = arith.constant 50 : i32
          %dma_wait3A_1261 = arith.constant 0 : i32
          %dma_wait3A_1262 = tpu.memref_slice %dma_wait3A_1259[%dma_wait3A_1260, %dma_wait3A_1261] : memref<100x128xf32, #tpu.memory_space<vmem>> -> memref<50x128xf32, #tpu.memory_space<vmem>>
          %dma_wait3A_1263 = arith.constant 0 : i32
          %dma_wait3A_1264 = arith.constant 0 : i32
          %dma_wait3A_1265 = tpu.memref_slice %arg4[%mul3A_2, %dma_wait3A_1263, %dma_wait3A_1264] : memref<4096x50x128xf32, #tpu.memory_space<hbm>> -> memref<1x50x128xf32, #tpu.memory_space<hbm>>
          %dma_wait3A_1266 = tpu.memref_squeeze %dma_wait3A_1265 : memref<1x50x128xf32, #tpu.memory_space<hbm>> -> memref<50x128xf32, #tpu.memory_space<hbm>>
          %dma_wait3A_1267 = tpu.memref_slice %arg8[%dma_wait3A_1255] : memref<8x!tpu.dma_semaphore, #tpu.memory_space<semaphore_mem>> -> memref<1x!tpu.dma_semaphore, #tpu.memory_space<semaphore_mem>>
          %dma_wait3A_1268 = tpu.memref_squeeze %dma_wait3A_1267 : memref<1x!tpu.dma_semaphore, #tpu.memory_space<semaphore_mem>> -> memref<!tpu.dma_semaphore, #tpu.memory_space<semaphore_mem>>
          %dma_wait3A_1269 = arith.constant 0 : i32
          %dma_wait3A_1270 = arith.constant 0 : i32
          %dma_wait3A_1271 = tpu.memref_slice %arg4[%mul3A_2, %dma_wait3A_1269, %dma_wait3A_1270] : memref<4096x50x128xf32, #tpu.memory_space<hbm>> -> memref<1x50x128xf32, #tpu.memory_space<hbm>>
          %dma_wait3A_1272 = tpu.memref_squeeze %dma_wait3A_1271 : memref<1x50x128xf32, #tpu.memory_space<hbm>> -> memref<50x128xf32, #tpu.memory_space<hbm>>
          %dma_wait3A_1273 = arith.constant 0 : i32
          %dma_wait3A_1274 = arith.constant 0 : i32
          %dma_wait3A_1275 = tpu.memref_slice %arg6[%dma_wait3A_1254, %dma_wait3A_1273, %dma_wait3A_1274] : memref<8x100x128xf32, #tpu.memory_space<vmem>> -> memref<1x100x128xf32, #tpu.memory_space<vmem>>
          %dma_wait3A_1276 = tpu.memref_squeeze %dma_wait3A_1275 : memref<1x100x128xf32, #tpu.memory_space<vmem>> -> memref<100x128xf32, #tpu.memory_space<vmem>>
          %dma_wait3A_1277 = arith.constant 50 : i32
          %dma_wait3A_1278 = arith.constant 0 : i32
          %dma_wait3A_1279 = tpu.memref_slice %dma_wait3A_1276[%dma_wait3A_1277, %dma_wait3A_1278] : memref<100x128xf32, #tpu.memory_space<vmem>> -> memref<50x128xf32, #tpu.memory_space<vmem>>
          tpu.wait_dma2 semaphore(%dma_wait3A_1268 : memref<!tpu.dma_semaphore, #tpu.memory_space<semaphore_mem>>) src(%dma_wait3A_1279 : memref<50x128xf32, #tpu.memory_space<vmem>>) dst(%dma_wait3A_1272 : memref<50x128xf32, #tpu.memory_space<hbm>>)
        } else {
        }
        %add3A_1212 = arith.constant 7 : i32
        %add3A_1213 = arith.addi %add3A_699, %add3A_1212 : i32
        %dma_start3A_1214 = arith.constant 1 : i32
        %dma_start3A_1215 = arith.constant 1 : i32
        %dma_start3A_1216 = arith.constant 0 : i32
        %dma_start3A_1217 = arith.constant 0 : i32
        %dma_start3A_1218 = tpu.memref_slice %arg6[%dma_start3A_1214, %dma_start3A_1216, %dma_start3A_1217] : memref<8x100x128xf32, #tpu.memory_space<vmem>> -> memref<1x100x128xf32, #tpu.memory_space<vmem>>
        %dma_start3A_1219 = tpu.memref_squeeze %dma_start3A_1218 : memref<1x100x128xf32, #tpu.memory_space<vmem>> -> memref<100x128xf32, #tpu.memory_space<vmem>>
        %dma_start3A_1220 = arith.constant 0 : i32
        %dma_start3A_1221 = tpu.memref_slice %arg5[%add3A_1213, %dma_start3A_1220] : memref<64x100xi32, #tpu.memory_space<vmem>> -> memref<1x100xi32, #tpu.memory_space<vmem>>
        %dma_start3A_1222 = tpu.memref_squeeze %dma_start3A_1221 : memref<1x100xi32, #tpu.memory_space<vmem>> -> memref<100xi32, #tpu.memory_space<vmem>>
        %dma_start3A_1223 = arith.constant 0 : i32
        %dma_start3A_1224 = arith.constant 0 : i32
        %dma_start3A_1225 = tpu.memref_slice %arg2[%dma_start3A_1223, %dma_start3A_1224] : memref<100000x128xf32, #tpu.memory_space<hbm>> -> memref<100000x128xf32, #tpu.memory_space<hbm>>
        %dma_start3A_1226 = tpu.memref_slice %arg7[%dma_start3A_1215] : memref<8x!tpu.dma_semaphore, #tpu.memory_space<semaphore_mem>> -> memref<1x!tpu.dma_semaphore, #tpu.memory_space<semaphore_mem>>
        %dma_start3A_1227 = tpu.memref_squeeze %dma_start3A_1226 : memref<1x!tpu.dma_semaphore, #tpu.memory_space<semaphore_mem>> -> memref<!tpu.dma_semaphore, #tpu.memory_space<semaphore_mem>>
        tpu.enqueue_indirect_dma source(%dma_start3A_1225 : memref<100000x128xf32, #tpu.memory_space<hbm>>) target(%dma_start3A_1219 : memref<100x128xf32, #tpu.memory_space<vmem>>) offsets(%dma_start3A_1222 : memref<100xi32, #tpu.memory_space<vmem>>) semaphore(%dma_start3A_1227 : memref<!tpu.dma_semaphore, #tpu.memory_space<semaphore_mem>>)
      } else {
      }
      %dma_wait3A_707 = arith.constant 2 : i32
      %dma_wait3A_708 = arith.constant 2 : i32
      %dma_wait3A_709 = arith.constant 0 : i32
      %dma_wait3A_710 = arith.constant 0 : i32
      %dma_wait3A_711 = tpu.memref_slice %arg6[%dma_wait3A_707, %dma_wait3A_709, %dma_wait3A_710] : memref<8x100x128xf32, #tpu.memory_space<vmem>> -> memref<1x100x128xf32, #tpu.memory_space<vmem>>
      %dma_wait3A_712 = tpu.memref_squeeze %dma_wait3A_711 : memref<1x100x128xf32, #tpu.memory_space<vmem>> -> memref<100x128xf32, #tpu.memory_space<vmem>>
      %dma_wait3A_713 = arith.constant 0 : i32
      %dma_wait3A_714 = tpu.memref_slice %arg5[%add3A_699, %dma_wait3A_713] : memref<64x100xi32, #tpu.memory_space<vmem>> -> memref<1x100xi32, #tpu.memory_space<vmem>>
      %dma_wait3A_715 = tpu.memref_squeeze %dma_wait3A_714 : memref<1x100xi32, #tpu.memory_space<vmem>> -> memref<100xi32, #tpu.memory_space<vmem>>
      %dma_wait3A_716 = arith.constant 0 : i32
      %dma_wait3A_717 = arith.constant 0 : i32
      %dma_wait3A_718 = tpu.memref_slice %arg2[%dma_wait3A_716, %dma_wait3A_717] : memref<100000x128xf32, #tpu.memory_space<hbm>> -> memref<100000x128xf32, #tpu.memory_space<hbm>>
      %dma_wait3A_719 = tpu.memref_slice %arg7[%dma_wait3A_708] : memref<8x!tpu.dma_semaphore, #tpu.memory_space<semaphore_mem>> -> memref<1x!tpu.dma_semaphore, #tpu.memory_space<semaphore_mem>>
      %dma_wait3A_720 = tpu.memref_squeeze %dma_wait3A_719 : memref<1x!tpu.dma_semaphore, #tpu.memory_space<semaphore_mem>> -> memref<!tpu.dma_semaphore, #tpu.memory_space<semaphore_mem>>
      tpu.wait_indirect_dma semaphore(%dma_wait3A_720 : memref<!tpu.dma_semaphore, #tpu.memory_space<semaphore_mem>>) src(%dma_wait3A_718 : memref<100000x128xf32, #tpu.memory_space<hbm>>) dst(%dma_wait3A_712 : memref<100x128xf32, #tpu.memory_space<vmem>>)
      %add3A_721 = arith.addi %mul3A_2, %add3A_699 : i32
      %mul3A_722 = arith.constant 2 : i32
      %mul3A_723 = arith.muli %mul3A_722, %add3A_721 : i32
      %add3A_724 = arith.constant 0 : i32
      %add3A_725 = arith.addi %mul3A_723, %add3A_724 : i32
      %dma_start3A_726 = arith.constant 2 : i32
      %dma_start3A_727 = arith.constant 2 : i32
      %dma_start3A_728 = arith.constant 0 : i32
      %dma_start3A_729 = arith.constant 0 : i32
      %dma_start3A_730 = tpu.memref_slice %arg6[%dma_start3A_726, %dma_start3A_728, %dma_start3A_729] : memref<8x100x128xf32, #tpu.memory_space<vmem>> -> memref<1x100x128xf32, #tpu.memory_space<vmem>>
      %dma_start3A_731 = tpu.memref_squeeze %dma_start3A_730 : memref<1x100x128xf32, #tpu.memory_space<vmem>> -> memref<100x128xf32, #tpu.memory_space<vmem>>
      %dma_start3A_732 = arith.constant 0 : i32
      %dma_start3A_733 = arith.constant 0 : i32
      %dma_start3A_734 = tpu.memref_slice %dma_start3A_731[%dma_start3A_732, %dma_start3A_733] : memref<100x128xf32, #tpu.memory_space<vmem>> -> memref<50x128xf32, #tpu.memory_space<vmem>>
      %dma_start3A_735 = arith.constant 0 : i32
      %dma_start3A_736 = arith.constant 0 : i32
      %dma_start3A_737 = tpu.memref_slice %arg4[%add3A_725, %dma_start3A_735, %dma_start3A_736] : memref<4096x50x128xf32, #tpu.memory_space<hbm>> -> memref<1x50x128xf32, #tpu.memory_space<hbm>>
      %dma_start3A_738 = tpu.memref_squeeze %dma_start3A_737 : memref<1x50x128xf32, #tpu.memory_space<hbm>> -> memref<50x128xf32, #tpu.memory_space<hbm>>
      %dma_start3A_739 = tpu.memref_slice %arg8[%dma_start3A_727] : memref<8x!tpu.dma_semaphore, #tpu.memory_space<semaphore_mem>> -> memref<1x!tpu.dma_semaphore, #tpu.memory_space<semaphore_mem>>
      %dma_start3A_740 = tpu.memref_squeeze %dma_start3A_739 : memref<1x!tpu.dma_semaphore, #tpu.memory_space<semaphore_mem>> -> memref<!tpu.dma_semaphore, #tpu.memory_space<semaphore_mem>>
      %dma_start3A_741 = arith.constant 0 : i32
      %dma_start3A_742 = arith.constant 0 : i32
      %dma_start3A_743 = tpu.memref_slice %arg4[%add3A_725, %dma_start3A_741, %dma_start3A_742] : memref<4096x50x128xf32, #tpu.memory_space<hbm>> -> memref<1x50x128xf32, #tpu.memory_space<hbm>>
      %dma_start3A_744 = tpu.memref_squeeze %dma_start3A_743 : memref<1x50x128xf32, #tpu.memory_space<hbm>> -> memref<50x128xf32, #tpu.memory_space<hbm>>
      %dma_start3A_745 = arith.constant 0 : i32
      %dma_start3A_746 = arith.constant 0 : i32
      %dma_start3A_747 = tpu.memref_slice %arg6[%dma_start3A_726, %dma_start3A_745, %dma_start3A_746] : memref<8x100x128xf32, #tpu.memory_space<vmem>> -> memref<1x100x128xf32, #tpu.memory_space<vmem>>
      %dma_start3A_748 = tpu.memref_squeeze %dma_start3A_747 : memref<1x100x128xf32, #tpu.memory_space<vmem>> -> memref<100x128xf32, #tpu.memory_space<vmem>>
      %dma_start3A_749 = arith.constant 0 : i32
      %dma_start3A_750 = arith.constant 0 : i32
      %dma_start3A_751 = tpu.memref_slice %dma_start3A_748[%dma_start3A_749, %dma_start3A_750] : memref<100x128xf32, #tpu.memory_space<vmem>> -> memref<50x128xf32, #tpu.memory_space<vmem>>
      tpu.enqueue_dma source(%dma_start3A_751 : memref<50x128xf32, #tpu.memory_space<vmem>>) target(%dma_start3A_744 : memref<50x128xf32, #tpu.memory_space<hbm>>) target_semaphore(%dma_start3A_740 : memref<!tpu.dma_semaphore, #tpu.memory_space<semaphore_mem>>)
      %add3A_752 = arith.addi %mul3A_2, %add3A_699 : i32
      %mul3A_753 = arith.constant 2 : i32
      %mul3A_754 = arith.muli %mul3A_753, %add3A_752 : i32
      %add3A_755 = arith.constant 1 : i32
      %add3A_756 = arith.addi %mul3A_754, %add3A_755 : i32
      %dma_start3A_757 = arith.constant 2 : i32
      %dma_start3A_758 = arith.constant 2 : i32
      %dma_start3A_759 = arith.constant 0 : i32
      %dma_start3A_760 = arith.constant 0 : i32
      %dma_start3A_761 = tpu.memref_slice %arg6[%dma_start3A_757, %dma_start3A_759, %dma_start3A_760] : memref<8x100x128xf32, #tpu.memory_space<vmem>> -> memref<1x100x128xf32, #tpu.memory_space<vmem>>
      %dma_start3A_762 = tpu.memref_squeeze %dma_start3A_761 : memref<1x100x128xf32, #tpu.memory_space<vmem>> -> memref<100x128xf32, #tpu.memory_space<vmem>>
      %dma_start3A_763 = arith.constant 50 : i32
      %dma_start3A_764 = arith.constant 0 : i32
      %dma_start3A_765 = tpu.memref_slice %dma_start3A_762[%dma_start3A_763, %dma_start3A_764] : memref<100x128xf32, #tpu.memory_space<vmem>> -> memref<50x128xf32, #tpu.memory_space<vmem>>
      %dma_start3A_766 = arith.constant 0 : i32
      %dma_start3A_767 = arith.constant 0 : i32
      %dma_start3A_768 = tpu.memref_slice %arg4[%add3A_756, %dma_start3A_766, %dma_start3A_767] : memref<4096x50x128xf32, #tpu.memory_space<hbm>> -> memref<1x50x128xf32, #tpu.memory_space<hbm>>
      %dma_start3A_769 = tpu.memref_squeeze %dma_start3A_768 : memref<1x50x128xf32, #tpu.memory_space<hbm>> -> memref<50x128xf32, #tpu.memory_space<hbm>>
      %dma_start3A_770 = tpu.memref_slice %arg8[%dma_start3A_758] : memref<8x!tpu.dma_semaphore, #tpu.memory_space<semaphore_mem>> -> memref<1x!tpu.dma_semaphore, #tpu.memory_space<semaphore_mem>>
      %dma_start3A_771 = tpu.memref_squeeze %dma_start3A_770 : memref<1x!tpu.dma_semaphore, #tpu.memory_space<semaphore_mem>> -> memref<!tpu.dma_semaphore, #tpu.memory_space<semaphore_mem>>
      %dma_start3A_772 = arith.constant 0 : i32
      %dma_start3A_773 = arith.constant 0 : i32
      %dma_start3A_774 = tpu.memref_slice %arg4[%add3A_756, %dma_start3A_772, %dma_start3A_773] : memref<4096x50x128xf32, #tpu.memory_space<hbm>> -> memref<1x50x128xf32, #tpu.memory_space<hbm>>
      %dma_start3A_775 = tpu.memref_squeeze %dma_start3A_774 : memref<1x50x128xf32, #tpu.memory_space<hbm>> -> memref<50x128xf32, #tpu.memory_space<hbm>>
      %dma_start3A_776 = arith.constant 0 : i32
      %dma_start3A_777 = arith.constant 0 : i32
      %dma_start3A_778 = tpu.memref_slice %arg6[%dma_start3A_757, %dma_start3A_776, %dma_start3A_777] : memref<8x100x128xf32, #tpu.memory_space<vmem>> -> memref<1x100x128xf32, #tpu.memory_space<vmem>>
      %dma_start3A_779 = tpu.memref_squeeze %dma_start3A_778 : memref<1x100x128xf32, #tpu.memory_space<vmem>> -> memref<100x128xf32, #tpu.memory_space<vmem>>
      %dma_start3A_780 = arith.constant 50 : i32
      %dma_start3A_781 = arith.constant 0 : i32
      %dma_start3A_782 = tpu.memref_slice %dma_start3A_779[%dma_start3A_780, %dma_start3A_781] : memref<100x128xf32, #tpu.memory_space<vmem>> -> memref<50x128xf32, #tpu.memory_space<vmem>>
      tpu.enqueue_dma source(%dma_start3A_782 : memref<50x128xf32, #tpu.memory_space<vmem>>) target(%dma_start3A_775 : memref<50x128xf32, #tpu.memory_space<hbm>>) target_semaphore(%dma_start3A_771 : memref<!tpu.dma_semaphore, #tpu.memory_space<semaphore_mem>>)
      %add3A_783 = arith.constant 3 : i32
      %add3A_784 = arith.addi %add3A_530, %add3A_783 : i32
      %add3A_785 = arith.constant 7 : i32
      %add3A_786 = arith.addi %add3A_784, %add3A_785 : i32
      %lt3A_787 = arith.constant 64 : i32
      %lt3A_788 = arith.cmpi slt, %add3A_786, %lt3A_787 : i32
      %convert_element_type3A_789 = arith.extui %lt3A_788 : i1 to i32
      %cond3A_790 = arith.constant 0 : i32
      %cond3A_791 = arith.cmpi ne, %convert_element_type3A_789, %cond3A_790 : i32
      scf.if %cond3A_791 {
        %ge3A = arith.constant 1 : i32
        %ge3A_1208 = arith.cmpi sge, %add3A_784, %ge3A : i32
        %convert_element_type3A_1209 = arith.extui %ge3A_1208 : i1 to i32
        %cond3A_1210 = arith.constant 0 : i32
        %cond3A_1211 = arith.cmpi ne, %convert_element_type3A_1209, %cond3A_1210 : i32
        scf.if %cond3A_1211 {
          %dma_wait3A_1228 = arith.constant 2 : i32
          %dma_wait3A_1229 = arith.constant 2 : i32
          %dma_wait3A_1230 = arith.constant 0 : i32
          %dma_wait3A_1231 = arith.constant 0 : i32
          %dma_wait3A_1232 = tpu.memref_slice %arg6[%dma_wait3A_1228, %dma_wait3A_1230, %dma_wait3A_1231] : memref<8x100x128xf32, #tpu.memory_space<vmem>> -> memref<1x100x128xf32, #tpu.memory_space<vmem>>
          %dma_wait3A_1233 = tpu.memref_squeeze %dma_wait3A_1232 : memref<1x100x128xf32, #tpu.memory_space<vmem>> -> memref<100x128xf32, #tpu.memory_space<vmem>>
          %dma_wait3A_1234 = arith.constant 0 : i32
          %dma_wait3A_1235 = arith.constant 0 : i32
          %dma_wait3A_1236 = tpu.memref_slice %dma_wait3A_1233[%dma_wait3A_1234, %dma_wait3A_1235] : memref<100x128xf32, #tpu.memory_space<vmem>> -> memref<50x128xf32, #tpu.memory_space<vmem>>
          %dma_wait3A_1237 = arith.constant 0 : i32
          %dma_wait3A_1238 = arith.constant 0 : i32
          %dma_wait3A_1239 = tpu.memref_slice %arg4[%mul3A_2, %dma_wait3A_1237, %dma_wait3A_1238] : memref<4096x50x128xf32, #tpu.memory_space<hbm>> -> memref<1x50x128xf32, #tpu.memory_space<hbm>>
          %dma_wait3A_1240 = tpu.memref_squeeze %dma_wait3A_1239 : memref<1x50x128xf32, #tpu.memory_space<hbm>> -> memref<50x128xf32, #tpu.memory_space<hbm>>
          %dma_wait3A_1241 = tpu.memref_slice %arg8[%dma_wait3A_1229] : memref<8x!tpu.dma_semaphore, #tpu.memory_space<semaphore_mem>> -> memref<1x!tpu.dma_semaphore, #tpu.memory_space<semaphore_mem>>
          %dma_wait3A_1242 = tpu.memref_squeeze %dma_wait3A_1241 : memref<1x!tpu.dma_semaphore, #tpu.memory_space<semaphore_mem>> -> memref<!tpu.dma_semaphore, #tpu.memory_space<semaphore_mem>>
          %dma_wait3A_1243 = arith.constant 0 : i32
          %dma_wait3A_1244 = arith.constant 0 : i32
          %dma_wait3A_1245 = tpu.memref_slice %arg4[%mul3A_2, %dma_wait3A_1243, %dma_wait3A_1244] : memref<4096x50x128xf32, #tpu.memory_space<hbm>> -> memref<1x50x128xf32, #tpu.memory_space<hbm>>
          %dma_wait3A_1246 = tpu.memref_squeeze %dma_wait3A_1245 : memref<1x50x128xf32, #tpu.memory_space<hbm>> -> memref<50x128xf32, #tpu.memory_space<hbm>>
          %dma_wait3A_1247 = arith.constant 0 : i32
          %dma_wait3A_1248 = arith.constant 0 : i32
          %dma_wait3A_1249 = tpu.memref_slice %arg6[%dma_wait3A_1228, %dma_wait3A_1247, %dma_wait3A_1248] : memref<8x100x128xf32, #tpu.memory_space<vmem>> -> memref<1x100x128xf32, #tpu.memory_space<vmem>>
          %dma_wait3A_1250 = tpu.memref_squeeze %dma_wait3A_1249 : memref<1x100x128xf32, #tpu.memory_space<vmem>> -> memref<100x128xf32, #tpu.memory_space<vmem>>
          %dma_wait3A_1251 = arith.constant 0 : i32
          %dma_wait3A_1252 = arith.constant 0 : i32
          %dma_wait3A_1253 = tpu.memref_slice %dma_wait3A_1250[%dma_wait3A_1251, %dma_wait3A_1252] : memref<100x128xf32, #tpu.memory_space<vmem>> -> memref<50x128xf32, #tpu.memory_space<vmem>>
          tpu.wait_dma2 semaphore(%dma_wait3A_1242 : memref<!tpu.dma_semaphore, #tpu.memory_space<semaphore_mem>>) src(%dma_wait3A_1253 : memref<50x128xf32, #tpu.memory_space<vmem>>) dst(%dma_wait3A_1246 : memref<50x128xf32, #tpu.memory_space<hbm>>)
          %dma_wait3A_1254 = arith.constant 2 : i32
          %dma_wait3A_1255 = arith.constant 2 : i32
          %dma_wait3A_1256 = arith.constant 0 : i32
          %dma_wait3A_1257 = arith.constant 0 : i32
          %dma_wait3A_1258 = tpu.memref_slice %arg6[%dma_wait3A_1254, %dma_wait3A_1256, %dma_wait3A_1257] : memref<8x100x128xf32, #tpu.memory_space<vmem>> -> memref<1x100x128xf32, #tpu.memory_space<vmem>>
          %dma_wait3A_1259 = tpu.memref_squeeze %dma_wait3A_1258 : memref<1x100x128xf32, #tpu.memory_space<vmem>> -> memref<100x128xf32, #tpu.memory_space<vmem>>
          %dma_wait3A_1260 = arith.constant 50 : i32
          %dma_wait3A_1261 = arith.constant 0 : i32
          %dma_wait3A_1262 = tpu.memref_slice %dma_wait3A_1259[%dma_wait3A_1260, %dma_wait3A_1261] : memref<100x128xf32, #tpu.memory_space<vmem>> -> memref<50x128xf32, #tpu.memory_space<vmem>>
          %dma_wait3A_1263 = arith.constant 0 : i32
          %dma_wait3A_1264 = arith.constant 0 : i32
          %dma_wait3A_1265 = tpu.memref_slice %arg4[%mul3A_2, %dma_wait3A_1263, %dma_wait3A_1264] : memref<4096x50x128xf32, #tpu.memory_space<hbm>> -> memref<1x50x128xf32, #tpu.memory_space<hbm>>
          %dma_wait3A_1266 = tpu.memref_squeeze %dma_wait3A_1265 : memref<1x50x128xf32, #tpu.memory_space<hbm>> -> memref<50x128xf32, #tpu.memory_space<hbm>>
          %dma_wait3A_1267 = tpu.memref_slice %arg8[%dma_wait3A_1255] : memref<8x!tpu.dma_semaphore, #tpu.memory_space<semaphore_mem>> -> memref<1x!tpu.dma_semaphore, #tpu.memory_space<semaphore_mem>>
          %dma_wait3A_1268 = tpu.memref_squeeze %dma_wait3A_1267 : memref<1x!tpu.dma_semaphore, #tpu.memory_space<semaphore_mem>> -> memref<!tpu.dma_semaphore, #tpu.memory_space<semaphore_mem>>
          %dma_wait3A_1269 = arith.constant 0 : i32
          %dma_wait3A_1270 = arith.constant 0 : i32
          %dma_wait3A_1271 = tpu.memref_slice %arg4[%mul3A_2, %dma_wait3A_1269, %dma_wait3A_1270] : memref<4096x50x128xf32, #tpu.memory_space<hbm>> -> memref<1x50x128xf32, #tpu.memory_space<hbm>>
          %dma_wait3A_1272 = tpu.memref_squeeze %dma_wait3A_1271 : memref<1x50x128xf32, #tpu.memory_space<hbm>> -> memref<50x128xf32, #tpu.memory_space<hbm>>
          %dma_wait3A_1273 = arith.constant 0 : i32
          %dma_wait3A_1274 = arith.constant 0 : i32
          %dma_wait3A_1275 = tpu.memref_slice %arg6[%dma_wait3A_1254, %dma_wait3A_1273, %dma_wait3A_1274] : memref<8x100x128xf32, #tpu.memory_space<vmem>> -> memref<1x100x128xf32, #tpu.memory_space<vmem>>
          %dma_wait3A_1276 = tpu.memref_squeeze %dma_wait3A_1275 : memref<1x100x128xf32, #tpu.memory_space<vmem>> -> memref<100x128xf32, #tpu.memory_space<vmem>>
          %dma_wait3A_1277 = arith.constant 50 : i32
          %dma_wait3A_1278 = arith.constant 0 : i32
          %dma_wait3A_1279 = tpu.memref_slice %dma_wait3A_1276[%dma_wait3A_1277, %dma_wait3A_1278] : memref<100x128xf32, #tpu.memory_space<vmem>> -> memref<50x128xf32, #tpu.memory_space<vmem>>
          tpu.wait_dma2 semaphore(%dma_wait3A_1268 : memref<!tpu.dma_semaphore, #tpu.memory_space<semaphore_mem>>) src(%dma_wait3A_1279 : memref<50x128xf32, #tpu.memory_space<vmem>>) dst(%dma_wait3A_1272 : memref<50x128xf32, #tpu.memory_space<hbm>>)
        } else {
        }
        %add3A_1212 = arith.constant 7 : i32
        %add3A_1213 = arith.addi %add3A_784, %add3A_1212 : i32
        %dma_start3A_1214 = arith.constant 2 : i32
        %dma_start3A_1215 = arith.constant 2 : i32
        %dma_start3A_1216 = arith.constant 0 : i32
        %dma_start3A_1217 = arith.constant 0 : i32
        %dma_start3A_1218 = tpu.memref_slice %arg6[%dma_start3A_1214, %dma_start3A_1216, %dma_start3A_1217] : memref<8x100x128xf32, #tpu.memory_space<vmem>> -> memref<1x100x128xf32, #tpu.memory_space<vmem>>
        %dma_start3A_1219 = tpu.memref_squeeze %dma_start3A_1218 : memref<1x100x128xf32, #tpu.memory_space<vmem>> -> memref<100x128xf32, #tpu.memory_space<vmem>>
        %dma_start3A_1220 = arith.constant 0 : i32
        %dma_start3A_1221 = tpu.memref_slice %arg5[%add3A_1213, %dma_start3A_1220] : memref<64x100xi32, #tpu.memory_space<vmem>> -> memref<1x100xi32, #tpu.memory_space<vmem>>
        %dma_start3A_1222 = tpu.memref_squeeze %dma_start3A_1221 : memref<1x100xi32, #tpu.memory_space<vmem>> -> memref<100xi32, #tpu.memory_space<vmem>>
        %dma_start3A_1223 = arith.constant 0 : i32
        %dma_start3A_1224 = arith.constant 0 : i32
        %dma_start3A_1225 = tpu.memref_slice %arg2[%dma_start3A_1223, %dma_start3A_1224] : memref<100000x128xf32, #tpu.memory_space<hbm>> -> memref<100000x128xf32, #tpu.memory_space<hbm>>
        %dma_start3A_1226 = tpu.memref_slice %arg7[%dma_start3A_1215] : memref<8x!tpu.dma_semaphore, #tpu.memory_space<semaphore_mem>> -> memref<1x!tpu.dma_semaphore, #tpu.memory_space<semaphore_mem>>
        %dma_start3A_1227 = tpu.memref_squeeze %dma_start3A_1226 : memref<1x!tpu.dma_semaphore, #tpu.memory_space<semaphore_mem>> -> memref<!tpu.dma_semaphore, #tpu.memory_space<semaphore_mem>>
        tpu.enqueue_indirect_dma source(%dma_start3A_1225 : memref<100000x128xf32, #tpu.memory_space<hbm>>) target(%dma_start3A_1219 : memref<100x128xf32, #tpu.memory_space<vmem>>) offsets(%dma_start3A_1222 : memref<100xi32, #tpu.memory_space<vmem>>) semaphore(%dma_start3A_1227 : memref<!tpu.dma_semaphore, #tpu.memory_space<semaphore_mem>>)
      } else {
      }
      %dma_wait3A_792 = arith.constant 3 : i32
      %dma_wait3A_793 = arith.constant 3 : i32
      %dma_wait3A_794 = arith.constant 0 : i32
      %dma_wait3A_795 = arith.constant 0 : i32
      %dma_wait3A_796 = tpu.memref_slice %arg6[%dma_wait3A_792, %dma_wait3A_794, %dma_wait3A_795] : memref<8x100x128xf32, #tpu.memory_space<vmem>> -> memref<1x100x128xf32, #tpu.memory_space<vmem>>
      %dma_wait3A_797 = tpu.memref_squeeze %dma_wait3A_796 : memref<1x100x128xf32, #tpu.memory_space<vmem>> -> memref<100x128xf32, #tpu.memory_space<vmem>>
      %dma_wait3A_798 = arith.constant 0 : i32
      %dma_wait3A_799 = tpu.memref_slice %arg5[%add3A_784, %dma_wait3A_798] : memref<64x100xi32, #tpu.memory_space<vmem>> -> memref<1x100xi32, #tpu.memory_space<vmem>>
      %dma_wait3A_800 = tpu.memref_squeeze %dma_wait3A_799 : memref<1x100xi32, #tpu.memory_space<vmem>> -> memref<100xi32, #tpu.memory_space<vmem>>
      %dma_wait3A_801 = arith.constant 0 : i32
      %dma_wait3A_802 = arith.constant 0 : i32
      %dma_wait3A_803 = tpu.memref_slice %arg2[%dma_wait3A_801, %dma_wait3A_802] : memref<100000x128xf32, #tpu.memory_space<hbm>> -> memref<100000x128xf32, #tpu.memory_space<hbm>>
      %dma_wait3A_804 = tpu.memref_slice %arg7[%dma_wait3A_793] : memref<8x!tpu.dma_semaphore, #tpu.memory_space<semaphore_mem>> -> memref<1x!tpu.dma_semaphore, #tpu.memory_space<semaphore_mem>>
      %dma_wait3A_805 = tpu.memref_squeeze %dma_wait3A_804 : memref<1x!tpu.dma_semaphore, #tpu.memory_space<semaphore_mem>> -> memref<!tpu.dma_semaphore, #tpu.memory_space<semaphore_mem>>
      tpu.wait_indirect_dma semaphore(%dma_wait3A_805 : memref<!tpu.dma_semaphore, #tpu.memory_space<semaphore_mem>>) src(%dma_wait3A_803 : memref<100000x128xf32, #tpu.memory_space<hbm>>) dst(%dma_wait3A_797 : memref<100x128xf32, #tpu.memory_space<vmem>>)
      %add3A_806 = arith.addi %mul3A_2, %add3A_784 : i32
      %mul3A_807 = arith.constant 2 : i32
      %mul3A_808 = arith.muli %mul3A_807, %add3A_806 : i32
      %add3A_809 = arith.constant 0 : i32
      %add3A_810 = arith.addi %mul3A_808, %add3A_809 : i32
      %dma_start3A_811 = arith.constant 3 : i32
      %dma_start3A_812 = arith.constant 3 : i32
      %dma_start3A_813 = arith.constant 0 : i32
      %dma_start3A_814 = arith.constant 0 : i32
      %dma_start3A_815 = tpu.memref_slice %arg6[%dma_start3A_811, %dma_start3A_813, %dma_start3A_814] : memref<8x100x128xf32, #tpu.memory_space<vmem>> -> memref<1x100x128xf32, #tpu.memory_space<vmem>>
      %dma_start3A_816 = tpu.memref_squeeze %dma_start3A_815 : memref<1x100x128xf32, #tpu.memory_space<vmem>> -> memref<100x128xf32, #tpu.memory_space<vmem>>
      %dma_start3A_817 = arith.constant 0 : i32
      %dma_start3A_818 = arith.constant 0 : i32
      %dma_start3A_819 = tpu.memref_slice %dma_start3A_816[%dma_start3A_817, %dma_start3A_818] : memref<100x128xf32, #tpu.memory_space<vmem>> -> memref<50x128xf32, #tpu.memory_space<vmem>>
      %dma_start3A_820 = arith.constant 0 : i32
      %dma_start3A_821 = arith.constant 0 : i32
      %dma_start3A_822 = tpu.memref_slice %arg4[%add3A_810, %dma_start3A_820, %dma_start3A_821] : memref<4096x50x128xf32, #tpu.memory_space<hbm>> -> memref<1x50x128xf32, #tpu.memory_space<hbm>>
      %dma_start3A_823 = tpu.memref_squeeze %dma_start3A_822 : memref<1x50x128xf32, #tpu.memory_space<hbm>> -> memref<50x128xf32, #tpu.memory_space<hbm>>
      %dma_start3A_824 = tpu.memref_slice %arg8[%dma_start3A_812] : memref<8x!tpu.dma_semaphore, #tpu.memory_space<semaphore_mem>> -> memref<1x!tpu.dma_semaphore, #tpu.memory_space<semaphore_mem>>
      %dma_start3A_825 = tpu.memref_squeeze %dma_start3A_824 : memref<1x!tpu.dma_semaphore, #tpu.memory_space<semaphore_mem>> -> memref<!tpu.dma_semaphore, #tpu.memory_space<semaphore_mem>>
      %dma_start3A_826 = arith.constant 0 : i32
      %dma_start3A_827 = arith.constant 0 : i32
      %dma_start3A_828 = tpu.memref_slice %arg4[%add3A_810, %dma_start3A_826, %dma_start3A_827] : memref<4096x50x128xf32, #tpu.memory_space<hbm>> -> memref<1x50x128xf32, #tpu.memory_space<hbm>>
      %dma_start3A_829 = tpu.memref_squeeze %dma_start3A_828 : memref<1x50x128xf32, #tpu.memory_space<hbm>> -> memref<50x128xf32, #tpu.memory_space<hbm>>
      %dma_start3A_830 = arith.constant 0 : i32
      %dma_start3A_831 = arith.constant 0 : i32
      %dma_start3A_832 = tpu.memref_slice %arg6[%dma_start3A_811, %dma_start3A_830, %dma_start3A_831] : memref<8x100x128xf32, #tpu.memory_space<vmem>> -> memref<1x100x128xf32, #tpu.memory_space<vmem>>
      %dma_start3A_833 = tpu.memref_squeeze %dma_start3A_832 : memref<1x100x128xf32, #tpu.memory_space<vmem>> -> memref<100x128xf32, #tpu.memory_space<vmem>>
      %dma_start3A_834 = arith.constant 0 : i32
      %dma_start3A_835 = arith.constant 0 : i32
      %dma_start3A_836 = tpu.memref_slice %dma_start3A_833[%dma_start3A_834, %dma_start3A_835] : memref<100x128xf32, #tpu.memory_space<vmem>> -> memref<50x128xf32, #tpu.memory_space<vmem>>
      tpu.enqueue_dma source(%dma_start3A_836 : memref<50x128xf32, #tpu.memory_space<vmem>>) target(%dma_start3A_829 : memref<50x128xf32, #tpu.memory_space<hbm>>) target_semaphore(%dma_start3A_825 : memref<!tpu.dma_semaphore, #tpu.memory_space<semaphore_mem>>)
      %add3A_837 = arith.addi %mul3A_2, %add3A_784 : i32
      %mul3A_838 = arith.constant 2 : i32
      %mul3A_839 = arith.muli %mul3A_838, %add3A_837 : i32
      %add3A_840 = arith.constant 1 : i32
      %add3A_841 = arith.addi %mul3A_839, %add3A_840 : i32
      %dma_start3A_842 = arith.constant 3 : i32
      %dma_start3A_843 = arith.constant 3 : i32
      %dma_start3A_844 = arith.constant 0 : i32
      %dma_start3A_845 = arith.constant 0 : i32
      %dma_start3A_846 = tpu.memref_slice %arg6[%dma_start3A_842, %dma_start3A_844, %dma_start3A_845] : memref<8x100x128xf32, #tpu.memory_space<vmem>> -> memref<1x100x128xf32, #tpu.memory_space<vmem>>
      %dma_start3A_847 = tpu.memref_squeeze %dma_start3A_846 : memref<1x100x128xf32, #tpu.memory_space<vmem>> -> memref<100x128xf32, #tpu.memory_space<vmem>>
      %dma_start3A_848 = arith.constant 50 : i32
      %dma_start3A_849 = arith.constant 0 : i32
      %dma_start3A_850 = tpu.memref_slice %dma_start3A_847[%dma_start3A_848, %dma_start3A_849] : memref<100x128xf32, #tpu.memory_space<vmem>> -> memref<50x128xf32, #tpu.memory_space<vmem>>
      %dma_start3A_851 = arith.constant 0 : i32
      %dma_start3A_852 = arith.constant 0 : i32
      %dma_start3A_853 = tpu.memref_slice %arg4[%add3A_841, %dma_start3A_851, %dma_start3A_852] : memref<4096x50x128xf32, #tpu.memory_space<hbm>> -> memref<1x50x128xf32, #tpu.memory_space<hbm>>
      %dma_start3A_854 = tpu.memref_squeeze %dma_start3A_853 : memref<1x50x128xf32, #tpu.memory_space<hbm>> -> memref<50x128xf32, #tpu.memory_space<hbm>>
      %dma_start3A_855 = tpu.memref_slice %arg8[%dma_start3A_843] : memref<8x!tpu.dma_semaphore, #tpu.memory_space<semaphore_mem>> -> memref<1x!tpu.dma_semaphore, #tpu.memory_space<semaphore_mem>>
      %dma_start3A_856 = tpu.memref_squeeze %dma_start3A_855 : memref<1x!tpu.dma_semaphore, #tpu.memory_space<semaphore_mem>> -> memref<!tpu.dma_semaphore, #tpu.memory_space<semaphore_mem>>
      %dma_start3A_857 = arith.constant 0 : i32
      %dma_start3A_858 = arith.constant 0 : i32
      %dma_start3A_859 = tpu.memref_slice %arg4[%add3A_841, %dma_start3A_857, %dma_start3A_858] : memref<4096x50x128xf32, #tpu.memory_space<hbm>> -> memref<1x50x128xf32, #tpu.memory_space<hbm>>
      %dma_start3A_860 = tpu.memref_squeeze %dma_start3A_859 : memref<1x50x128xf32, #tpu.memory_space<hbm>> -> memref<50x128xf32, #tpu.memory_space<hbm>>
      %dma_start3A_861 = arith.constant 0 : i32
      %dma_start3A_862 = arith.constant 0 : i32
      %dma_start3A_863 = tpu.memref_slice %arg6[%dma_start3A_842, %dma_start3A_861, %dma_start3A_862] : memref<8x100x128xf32, #tpu.memory_space<vmem>> -> memref<1x100x128xf32, #tpu.memory_space<vmem>>
      %dma_start3A_864 = tpu.memref_squeeze %dma_start3A_863 : memref<1x100x128xf32, #tpu.memory_space<vmem>> -> memref<100x128xf32, #tpu.memory_space<vmem>>
      %dma_start3A_865 = arith.constant 50 : i32
      %dma_start3A_866 = arith.constant 0 : i32
      %dma_start3A_867 = tpu.memref_slice %dma_start3A_864[%dma_start3A_865, %dma_start3A_866] : memref<100x128xf32, #tpu.memory_space<vmem>> -> memref<50x128xf32, #tpu.memory_space<vmem>>
      tpu.enqueue_dma source(%dma_start3A_867 : memref<50x128xf32, #tpu.memory_space<vmem>>) target(%dma_start3A_860 : memref<50x128xf32, #tpu.memory_space<hbm>>) target_semaphore(%dma_start3A_856 : memref<!tpu.dma_semaphore, #tpu.memory_space<semaphore_mem>>)
      %add3A_868 = arith.constant 4 : i32
      %add3A_869 = arith.addi %add3A_530, %add3A_868 : i32
      %add3A_870 = arith.constant 7 : i32
      %add3A_871 = arith.addi %add3A_869, %add3A_870 : i32
      %lt3A_872 = arith.constant 64 : i32
      %lt3A_873 = arith.cmpi slt, %add3A_871, %lt3A_872 : i32
      %convert_element_type3A_874 = arith.extui %lt3A_873 : i1 to i32
      %cond3A_875 = arith.constant 0 : i32
      %cond3A_876 = arith.cmpi ne, %convert_element_type3A_874, %cond3A_875 : i32
      scf.if %cond3A_876 {
        %ge3A = arith.constant 1 : i32
        %ge3A_1208 = arith.cmpi sge, %add3A_869, %ge3A : i32
        %convert_element_type3A_1209 = arith.extui %ge3A_1208 : i1 to i32
        %cond3A_1210 = arith.constant 0 : i32
        %cond3A_1211 = arith.cmpi ne, %convert_element_type3A_1209, %cond3A_1210 : i32
        scf.if %cond3A_1211 {
          %dma_wait3A_1228 = arith.constant 3 : i32
          %dma_wait3A_1229 = arith.constant 3 : i32
          %dma_wait3A_1230 = arith.constant 0 : i32
          %dma_wait3A_1231 = arith.constant 0 : i32
          %dma_wait3A_1232 = tpu.memref_slice %arg6[%dma_wait3A_1228, %dma_wait3A_1230, %dma_wait3A_1231] : memref<8x100x128xf32, #tpu.memory_space<vmem>> -> memref<1x100x128xf32, #tpu.memory_space<vmem>>
          %dma_wait3A_1233 = tpu.memref_squeeze %dma_wait3A_1232 : memref<1x100x128xf32, #tpu.memory_space<vmem>> -> memref<100x128xf32, #tpu.memory_space<vmem>>
          %dma_wait3A_1234 = arith.constant 0 : i32
          %dma_wait3A_1235 = arith.constant 0 : i32
          %dma_wait3A_1236 = tpu.memref_slice %dma_wait3A_1233[%dma_wait3A_1234, %dma_wait3A_1235] : memref<100x128xf32, #tpu.memory_space<vmem>> -> memref<50x128xf32, #tpu.memory_space<vmem>>
          %dma_wait3A_1237 = arith.constant 0 : i32
          %dma_wait3A_1238 = arith.constant 0 : i32
          %dma_wait3A_1239 = tpu.memref_slice %arg4[%mul3A_2, %dma_wait3A_1237, %dma_wait3A_1238] : memref<4096x50x128xf32, #tpu.memory_space<hbm>> -> memref<1x50x128xf32, #tpu.memory_space<hbm>>
          %dma_wait3A_1240 = tpu.memref_squeeze %dma_wait3A_1239 : memref<1x50x128xf32, #tpu.memory_space<hbm>> -> memref<50x128xf32, #tpu.memory_space<hbm>>
          %dma_wait3A_1241 = tpu.memref_slice %arg8[%dma_wait3A_1229] : memref<8x!tpu.dma_semaphore, #tpu.memory_space<semaphore_mem>> -> memref<1x!tpu.dma_semaphore, #tpu.memory_space<semaphore_mem>>
          %dma_wait3A_1242 = tpu.memref_squeeze %dma_wait3A_1241 : memref<1x!tpu.dma_semaphore, #tpu.memory_space<semaphore_mem>> -> memref<!tpu.dma_semaphore, #tpu.memory_space<semaphore_mem>>
          %dma_wait3A_1243 = arith.constant 0 : i32
          %dma_wait3A_1244 = arith.constant 0 : i32
          %dma_wait3A_1245 = tpu.memref_slice %arg4[%mul3A_2, %dma_wait3A_1243, %dma_wait3A_1244] : memref<4096x50x128xf32, #tpu.memory_space<hbm>> -> memref<1x50x128xf32, #tpu.memory_space<hbm>>
          %dma_wait3A_1246 = tpu.memref_squeeze %dma_wait3A_1245 : memref<1x50x128xf32, #tpu.memory_space<hbm>> -> memref<50x128xf32, #tpu.memory_space<hbm>>
          %dma_wait3A_1247 = arith.constant 0 : i32
          %dma_wait3A_1248 = arith.constant 0 : i32
          %dma_wait3A_1249 = tpu.memref_slice %arg6[%dma_wait3A_1228, %dma_wait3A_1247, %dma_wait3A_1248] : memref<8x100x128xf32, #tpu.memory_space<vmem>> -> memref<1x100x128xf32, #tpu.memory_space<vmem>>
          %dma_wait3A_1250 = tpu.memref_squeeze %dma_wait3A_1249 : memref<1x100x128xf32, #tpu.memory_space<vmem>> -> memref<100x128xf32, #tpu.memory_space<vmem>>
          %dma_wait3A_1251 = arith.constant 0 : i32
          %dma_wait3A_1252 = arith.constant 0 : i32
          %dma_wait3A_1253 = tpu.memref_slice %dma_wait3A_1250[%dma_wait3A_1251, %dma_wait3A_1252] : memref<100x128xf32, #tpu.memory_space<vmem>> -> memref<50x128xf32, #tpu.memory_space<vmem>>
          tpu.wait_dma2 semaphore(%dma_wait3A_1242 : memref<!tpu.dma_semaphore, #tpu.memory_space<semaphore_mem>>) src(%dma_wait3A_1253 : memref<50x128xf32, #tpu.memory_space<vmem>>) dst(%dma_wait3A_1246 : memref<50x128xf32, #tpu.memory_space<hbm>>)
          %dma_wait3A_1254 = arith.constant 3 : i32
          %dma_wait3A_1255 = arith.constant 3 : i32
          %dma_wait3A_1256 = arith.constant 0 : i32
          %dma_wait3A_1257 = arith.constant 0 : i32
          %dma_wait3A_1258 = tpu.memref_slice %arg6[%dma_wait3A_1254, %dma_wait3A_1256, %dma_wait3A_1257] : memref<8x100x128xf32, #tpu.memory_space<vmem>> -> memref<1x100x128xf32, #tpu.memory_space<vmem>>
          %dma_wait3A_1259 = tpu.memref_squeeze %dma_wait3A_1258 : memref<1x100x128xf32, #tpu.memory_space<vmem>> -> memref<100x128xf32, #tpu.memory_space<vmem>>
          %dma_wait3A_1260 = arith.constant 50 : i32
          %dma_wait3A_1261 = arith.constant 0 : i32
          %dma_wait3A_1262 = tpu.memref_slice %dma_wait3A_1259[%dma_wait3A_1260, %dma_wait3A_1261] : memref<100x128xf32, #tpu.memory_space<vmem>> -> memref<50x128xf32, #tpu.memory_space<vmem>>
          %dma_wait3A_1263 = arith.constant 0 : i32
          %dma_wait3A_1264 = arith.constant 0 : i32
          %dma_wait3A_1265 = tpu.memref_slice %arg4[%mul3A_2, %dma_wait3A_1263, %dma_wait3A_1264] : memref<4096x50x128xf32, #tpu.memory_space<hbm>> -> memref<1x50x128xf32, #tpu.memory_space<hbm>>
          %dma_wait3A_1266 = tpu.memref_squeeze %dma_wait3A_1265 : memref<1x50x128xf32, #tpu.memory_space<hbm>> -> memref<50x128xf32, #tpu.memory_space<hbm>>
          %dma_wait3A_1267 = tpu.memref_slice %arg8[%dma_wait3A_1255] : memref<8x!tpu.dma_semaphore, #tpu.memory_space<semaphore_mem>> -> memref<1x!tpu.dma_semaphore, #tpu.memory_space<semaphore_mem>>
          %dma_wait3A_1268 = tpu.memref_squeeze %dma_wait3A_1267 : memref<1x!tpu.dma_semaphore, #tpu.memory_space<semaphore_mem>> -> memref<!tpu.dma_semaphore, #tpu.memory_space<semaphore_mem>>
          %dma_wait3A_1269 = arith.constant 0 : i32
          %dma_wait3A_1270 = arith.constant 0 : i32
          %dma_wait3A_1271 = tpu.memref_slice %arg4[%mul3A_2, %dma_wait3A_1269, %dma_wait3A_1270] : memref<4096x50x128xf32, #tpu.memory_space<hbm>> -> memref<1x50x128xf32, #tpu.memory_space<hbm>>
          %dma_wait3A_1272 = tpu.memref_squeeze %dma_wait3A_1271 : memref<1x50x128xf32, #tpu.memory_space<hbm>> -> memref<50x128xf32, #tpu.memory_space<hbm>>
          %dma_wait3A_1273 = arith.constant 0 : i32
          %dma_wait3A_1274 = arith.constant 0 : i32
          %dma_wait3A_1275 = tpu.memref_slice %arg6[%dma_wait3A_1254, %dma_wait3A_1273, %dma_wait3A_1274] : memref<8x100x128xf32, #tpu.memory_space<vmem>> -> memref<1x100x128xf32, #tpu.memory_space<vmem>>
          %dma_wait3A_1276 = tpu.memref_squeeze %dma_wait3A_1275 : memref<1x100x128xf32, #tpu.memory_space<vmem>> -> memref<100x128xf32, #tpu.memory_space<vmem>>
          %dma_wait3A_1277 = arith.constant 50 : i32
          %dma_wait3A_1278 = arith.constant 0 : i32
          %dma_wait3A_1279 = tpu.memref_slice %dma_wait3A_1276[%dma_wait3A_1277, %dma_wait3A_1278] : memref<100x128xf32, #tpu.memory_space<vmem>> -> memref<50x128xf32, #tpu.memory_space<vmem>>
          tpu.wait_dma2 semaphore(%dma_wait3A_1268 : memref<!tpu.dma_semaphore, #tpu.memory_space<semaphore_mem>>) src(%dma_wait3A_1279 : memref<50x128xf32, #tpu.memory_space<vmem>>) dst(%dma_wait3A_1272 : memref<50x128xf32, #tpu.memory_space<hbm>>)
        } else {
        }
        %add3A_1212 = arith.constant 7 : i32
        %add3A_1213 = arith.addi %add3A_869, %add3A_1212 : i32
        %dma_start3A_1214 = arith.constant 3 : i32
        %dma_start3A_1215 = arith.constant 3 : i32
        %dma_start3A_1216 = arith.constant 0 : i32
        %dma_start3A_1217 = arith.constant 0 : i32
        %dma_start3A_1218 = tpu.memref_slice %arg6[%dma_start3A_1214, %dma_start3A_1216, %dma_start3A_1217] : memref<8x100x128xf32, #tpu.memory_space<vmem>> -> memref<1x100x128xf32, #tpu.memory_space<vmem>>
        %dma_start3A_1219 = tpu.memref_squeeze %dma_start3A_1218 : memref<1x100x128xf32, #tpu.memory_space<vmem>> -> memref<100x128xf32, #tpu.memory_space<vmem>>
        %dma_start3A_1220 = arith.constant 0 : i32
        %dma_start3A_1221 = tpu.memref_slice %arg5[%add3A_1213, %dma_start3A_1220] : memref<64x100xi32, #tpu.memory_space<vmem>> -> memref<1x100xi32, #tpu.memory_space<vmem>>
        %dma_start3A_1222 = tpu.memref_squeeze %dma_start3A_1221 : memref<1x100xi32, #tpu.memory_space<vmem>> -> memref<100xi32, #tpu.memory_space<vmem>>
        %dma_start3A_1223 = arith.constant 0 : i32
        %dma_start3A_1224 = arith.constant 0 : i32
        %dma_start3A_1225 = tpu.memref_slice %arg2[%dma_start3A_1223, %dma_start3A_1224] : memref<100000x128xf32, #tpu.memory_space<hbm>> -> memref<100000x128xf32, #tpu.memory_space<hbm>>
        %dma_start3A_1226 = tpu.memref_slice %arg7[%dma_start3A_1215] : memref<8x!tpu.dma_semaphore, #tpu.memory_space<semaphore_mem>> -> memref<1x!tpu.dma_semaphore, #tpu.memory_space<semaphore_mem>>
        %dma_start3A_1227 = tpu.memref_squeeze %dma_start3A_1226 : memref<1x!tpu.dma_semaphore, #tpu.memory_space<semaphore_mem>> -> memref<!tpu.dma_semaphore, #tpu.memory_space<semaphore_mem>>
        tpu.enqueue_indirect_dma source(%dma_start3A_1225 : memref<100000x128xf32, #tpu.memory_space<hbm>>) target(%dma_start3A_1219 : memref<100x128xf32, #tpu.memory_space<vmem>>) offsets(%dma_start3A_1222 : memref<100xi32, #tpu.memory_space<vmem>>) semaphore(%dma_start3A_1227 : memref<!tpu.dma_semaphore, #tpu.memory_space<semaphore_mem>>)
      } else {
      }
      %dma_wait3A_877 = arith.constant 4 : i32
      %dma_wait3A_878 = arith.constant 4 : i32
      %dma_wait3A_879 = arith.constant 0 : i32
      %dma_wait3A_880 = arith.constant 0 : i32
      %dma_wait3A_881 = tpu.memref_slice %arg6[%dma_wait3A_877, %dma_wait3A_879, %dma_wait3A_880] : memref<8x100x128xf32, #tpu.memory_space<vmem>> -> memref<1x100x128xf32, #tpu.memory_space<vmem>>
      %dma_wait3A_882 = tpu.memref_squeeze %dma_wait3A_881 : memref<1x100x128xf32, #tpu.memory_space<vmem>> -> memref<100x128xf32, #tpu.memory_space<vmem>>
      %dma_wait3A_883 = arith.constant 0 : i32
      %dma_wait3A_884 = tpu.memref_slice %arg5[%add3A_869, %dma_wait3A_883] : memref<64x100xi32, #tpu.memory_space<vmem>> -> memref<1x100xi32, #tpu.memory_space<vmem>>
      %dma_wait3A_885 = tpu.memref_squeeze %dma_wait3A_884 : memref<1x100xi32, #tpu.memory_space<vmem>> -> memref<100xi32, #tpu.memory_space<vmem>>
      %dma_wait3A_886 = arith.constant 0 : i32
      %dma_wait3A_887 = arith.constant 0 : i32
      %dma_wait3A_888 = tpu.memref_slice %arg2[%dma_wait3A_886, %dma_wait3A_887] : memref<100000x128xf32, #tpu.memory_space<hbm>> -> memref<100000x128xf32, #tpu.memory_space<hbm>>
      %dma_wait3A_889 = tpu.memref_slice %arg7[%dma_wait3A_878] : memref<8x!tpu.dma_semaphore, #tpu.memory_space<semaphore_mem>> -> memref<1x!tpu.dma_semaphore, #tpu.memory_space<semaphore_mem>>
      %dma_wait3A_890 = tpu.memref_squeeze %dma_wait3A_889 : memref<1x!tpu.dma_semaphore, #tpu.memory_space<semaphore_mem>> -> memref<!tpu.dma_semaphore, #tpu.memory_space<semaphore_mem>>
      tpu.wait_indirect_dma semaphore(%dma_wait3A_890 : memref<!tpu.dma_semaphore, #tpu.memory_space<semaphore_mem>>) src(%dma_wait3A_888 : memref<100000x128xf32, #tpu.memory_space<hbm>>) dst(%dma_wait3A_882 : memref<100x128xf32, #tpu.memory_space<vmem>>)
      %add3A_891 = arith.addi %mul3A_2, %add3A_869 : i32
      %mul3A_892 = arith.constant 2 : i32
      %mul3A_893 = arith.muli %mul3A_892, %add3A_891 : i32
      %add3A_894 = arith.constant 0 : i32
      %add3A_895 = arith.addi %mul3A_893, %add3A_894 : i32
      %dma_start3A_896 = arith.constant 4 : i32
      %dma_start3A_897 = arith.constant 4 : i32
      %dma_start3A_898 = arith.constant 0 : i32
      %dma_start3A_899 = arith.constant 0 : i32
      %dma_start3A_900 = tpu.memref_slice %arg6[%dma_start3A_896, %dma_start3A_898, %dma_start3A_899] : memref<8x100x128xf32, #tpu.memory_space<vmem>> -> memref<1x100x128xf32, #tpu.memory_space<vmem>>
      %dma_start3A_901 = tpu.memref_squeeze %dma_start3A_900 : memref<1x100x128xf32, #tpu.memory_space<vmem>> -> memref<100x128xf32, #tpu.memory_space<vmem>>
      %dma_start3A_902 = arith.constant 0 : i32
      %dma_start3A_903 = arith.constant 0 : i32
      %dma_start3A_904 = tpu.memref_slice %dma_start3A_901[%dma_start3A_902, %dma_start3A_903] : memref<100x128xf32, #tpu.memory_space<vmem>> -> memref<50x128xf32, #tpu.memory_space<vmem>>
      %dma_start3A_905 = arith.constant 0 : i32
      %dma_start3A_906 = arith.constant 0 : i32
      %dma_start3A_907 = tpu.memref_slice %arg4[%add3A_895, %dma_start3A_905, %dma_start3A_906] : memref<4096x50x128xf32, #tpu.memory_space<hbm>> -> memref<1x50x128xf32, #tpu.memory_space<hbm>>
      %dma_start3A_908 = tpu.memref_squeeze %dma_start3A_907 : memref<1x50x128xf32, #tpu.memory_space<hbm>> -> memref<50x128xf32, #tpu.memory_space<hbm>>
      %dma_start3A_909 = tpu.memref_slice %arg8[%dma_start3A_897] : memref<8x!tpu.dma_semaphore, #tpu.memory_space<semaphore_mem>> -> memref<1x!tpu.dma_semaphore, #tpu.memory_space<semaphore_mem>>
      %dma_start3A_910 = tpu.memref_squeeze %dma_start3A_909 : memref<1x!tpu.dma_semaphore, #tpu.memory_space<semaphore_mem>> -> memref<!tpu.dma_semaphore, #tpu.memory_space<semaphore_mem>>
      %dma_start3A_911 = arith.constant 0 : i32
      %dma_start3A_912 = arith.constant 0 : i32
      %dma_start3A_913 = tpu.memref_slice %arg4[%add3A_895, %dma_start3A_911, %dma_start3A_912] : memref<4096x50x128xf32, #tpu.memory_space<hbm>> -> memref<1x50x128xf32, #tpu.memory_space<hbm>>
      %dma_start3A_914 = tpu.memref_squeeze %dma_start3A_913 : memref<1x50x128xf32, #tpu.memory_space<hbm>> -> memref<50x128xf32, #tpu.memory_space<hbm>>
      %dma_start3A_915 = arith.constant 0 : i32
      %dma_start3A_916 = arith.constant 0 : i32
      %dma_start3A_917 = tpu.memref_slice %arg6[%dma_start3A_896, %dma_start3A_915, %dma_start3A_916] : memref<8x100x128xf32, #tpu.memory_space<vmem>> -> memref<1x100x128xf32, #tpu.memory_space<vmem>>
      %dma_start3A_918 = tpu.memref_squeeze %dma_start3A_917 : memref<1x100x128xf32, #tpu.memory_space<vmem>> -> memref<100x128xf32, #tpu.memory_space<vmem>>
      %dma_start3A_919 = arith.constant 0 : i32
      %dma_start3A_920 = arith.constant 0 : i32
      %dma_start3A_921 = tpu.memref_slice %dma_start3A_918[%dma_start3A_919, %dma_start3A_920] : memref<100x128xf32, #tpu.memory_space<vmem>> -> memref<50x128xf32, #tpu.memory_space<vmem>>
      tpu.enqueue_dma source(%dma_start3A_921 : memref<50x128xf32, #tpu.memory_space<vmem>>) target(%dma_start3A_914 : memref<50x128xf32, #tpu.memory_space<hbm>>) target_semaphore(%dma_start3A_910 : memref<!tpu.dma_semaphore, #tpu.memory_space<semaphore_mem>>)
      %add3A_922 = arith.addi %mul3A_2, %add3A_869 : i32
      %mul3A_923 = arith.constant 2 : i32
      %mul3A_924 = arith.muli %mul3A_923, %add3A_922 : i32
      %add3A_925 = arith.constant 1 : i32
      %add3A_926 = arith.addi %mul3A_924, %add3A_925 : i32
      %dma_start3A_927 = arith.constant 4 : i32
      %dma_start3A_928 = arith.constant 4 : i32
      %dma_start3A_929 = arith.constant 0 : i32
      %dma_start3A_930 = arith.constant 0 : i32
      %dma_start3A_931 = tpu.memref_slice %arg6[%dma_start3A_927, %dma_start3A_929, %dma_start3A_930] : memref<8x100x128xf32, #tpu.memory_space<vmem>> -> memref<1x100x128xf32, #tpu.memory_space<vmem>>
      %dma_start3A_932 = tpu.memref_squeeze %dma_start3A_931 : memref<1x100x128xf32, #tpu.memory_space<vmem>> -> memref<100x128xf32, #tpu.memory_space<vmem>>
      %dma_start3A_933 = arith.constant 50 : i32
      %dma_start3A_934 = arith.constant 0 : i32
      %dma_start3A_935 = tpu.memref_slice %dma_start3A_932[%dma_start3A_933, %dma_start3A_934] : memref<100x128xf32, #tpu.memory_space<vmem>> -> memref<50x128xf32, #tpu.memory_space<vmem>>
      %dma_start3A_936 = arith.constant 0 : i32
      %dma_start3A_937 = arith.constant 0 : i32
      %dma_start3A_938 = tpu.memref_slice %arg4[%add3A_926, %dma_start3A_936, %dma_start3A_937] : memref<4096x50x128xf32, #tpu.memory_space<hbm>> -> memref<1x50x128xf32, #tpu.memory_space<hbm>>
      %dma_start3A_939 = tpu.memref_squeeze %dma_start3A_938 : memref<1x50x128xf32, #tpu.memory_space<hbm>> -> memref<50x128xf32, #tpu.memory_space<hbm>>
      %dma_start3A_940 = tpu.memref_slice %arg8[%dma_start3A_928] : memref<8x!tpu.dma_semaphore, #tpu.memory_space<semaphore_mem>> -> memref<1x!tpu.dma_semaphore, #tpu.memory_space<semaphore_mem>>
      %dma_start3A_941 = tpu.memref_squeeze %dma_start3A_940 : memref<1x!tpu.dma_semaphore, #tpu.memory_space<semaphore_mem>> -> memref<!tpu.dma_semaphore, #tpu.memory_space<semaphore_mem>>
      %dma_start3A_942 = arith.constant 0 : i32
      %dma_start3A_943 = arith.constant 0 : i32
      %dma_start3A_944 = tpu.memref_slice %arg4[%add3A_926, %dma_start3A_942, %dma_start3A_943] : memref<4096x50x128xf32, #tpu.memory_space<hbm>> -> memref<1x50x128xf32, #tpu.memory_space<hbm>>
      %dma_start3A_945 = tpu.memref_squeeze %dma_start3A_944 : memref<1x50x128xf32, #tpu.memory_space<hbm>> -> memref<50x128xf32, #tpu.memory_space<hbm>>
      %dma_start3A_946 = arith.constant 0 : i32
      %dma_start3A_947 = arith.constant 0 : i32
      %dma_start3A_948 = tpu.memref_slice %arg6[%dma_start3A_927, %dma_start3A_946, %dma_start3A_947] : memref<8x100x128xf32, #tpu.memory_space<vmem>> -> memref<1x100x128xf32, #tpu.memory_space<vmem>>
      %dma_start3A_949 = tpu.memref_squeeze %dma_start3A_948 : memref<1x100x128xf32, #tpu.memory_space<vmem>> -> memref<100x128xf32, #tpu.memory_space<vmem>>
      %dma_start3A_950 = arith.constant 50 : i32
      %dma_start3A_951 = arith.constant 0 : i32
      %dma_start3A_952 = tpu.memref_slice %dma_start3A_949[%dma_start3A_950, %dma_start3A_951] : memref<100x128xf32, #tpu.memory_space<vmem>> -> memref<50x128xf32, #tpu.memory_space<vmem>>
      tpu.enqueue_dma source(%dma_start3A_952 : memref<50x128xf32, #tpu.memory_space<vmem>>) target(%dma_start3A_945 : memref<50x128xf32, #tpu.memory_space<hbm>>) target_semaphore(%dma_start3A_941 : memref<!tpu.dma_semaphore, #tpu.memory_space<semaphore_mem>>)
      %add3A_953 = arith.constant 5 : i32
      %add3A_954 = arith.addi %add3A_530, %add3A_953 : i32
      %add3A_955 = arith.constant 7 : i32
      %add3A_956 = arith.addi %add3A_954, %add3A_955 : i32
      %lt3A_957 = arith.constant 64 : i32
      %lt3A_958 = arith.cmpi slt, %add3A_956, %lt3A_957 : i32
      %convert_element_type3A_959 = arith.extui %lt3A_958 : i1 to i32
      %cond3A_960 = arith.constant 0 : i32
      %cond3A_961 = arith.cmpi ne, %convert_element_type3A_959, %cond3A_960 : i32
      scf.if %cond3A_961 {
        %ge3A = arith.constant 1 : i32
        %ge3A_1208 = arith.cmpi sge, %add3A_954, %ge3A : i32
        %convert_element_type3A_1209 = arith.extui %ge3A_1208 : i1 to i32
        %cond3A_1210 = arith.constant 0 : i32
        %cond3A_1211 = arith.cmpi ne, %convert_element_type3A_1209, %cond3A_1210 : i32
        scf.if %cond3A_1211 {
          %dma_wait3A_1228 = arith.constant 4 : i32
          %dma_wait3A_1229 = arith.constant 4 : i32
          %dma_wait3A_1230 = arith.constant 0 : i32
          %dma_wait3A_1231 = arith.constant 0 : i32
          %dma_wait3A_1232 = tpu.memref_slice %arg6[%dma_wait3A_1228, %dma_wait3A_1230, %dma_wait3A_1231] : memref<8x100x128xf32, #tpu.memory_space<vmem>> -> memref<1x100x128xf32, #tpu.memory_space<vmem>>
          %dma_wait3A_1233 = tpu.memref_squeeze %dma_wait3A_1232 : memref<1x100x128xf32, #tpu.memory_space<vmem>> -> memref<100x128xf32, #tpu.memory_space<vmem>>
          %dma_wait3A_1234 = arith.constant 0 : i32
          %dma_wait3A_1235 = arith.constant 0 : i32
          %dma_wait3A_1236 = tpu.memref_slice %dma_wait3A_1233[%dma_wait3A_1234, %dma_wait3A_1235] : memref<100x128xf32, #tpu.memory_space<vmem>> -> memref<50x128xf32, #tpu.memory_space<vmem>>
          %dma_wait3A_1237 = arith.constant 0 : i32
          %dma_wait3A_1238 = arith.constant 0 : i32
          %dma_wait3A_1239 = tpu.memref_slice %arg4[%mul3A_2, %dma_wait3A_1237, %dma_wait3A_1238] : memref<4096x50x128xf32, #tpu.memory_space<hbm>> -> memref<1x50x128xf32, #tpu.memory_space<hbm>>
          %dma_wait3A_1240 = tpu.memref_squeeze %dma_wait3A_1239 : memref<1x50x128xf32, #tpu.memory_space<hbm>> -> memref<50x128xf32, #tpu.memory_space<hbm>>
          %dma_wait3A_1241 = tpu.memref_slice %arg8[%dma_wait3A_1229] : memref<8x!tpu.dma_semaphore, #tpu.memory_space<semaphore_mem>> -> memref<1x!tpu.dma_semaphore, #tpu.memory_space<semaphore_mem>>
          %dma_wait3A_1242 = tpu.memref_squeeze %dma_wait3A_1241 : memref<1x!tpu.dma_semaphore, #tpu.memory_space<semaphore_mem>> -> memref<!tpu.dma_semaphore, #tpu.memory_space<semaphore_mem>>
          %dma_wait3A_1243 = arith.constant 0 : i32
          %dma_wait3A_1244 = arith.constant 0 : i32
          %dma_wait3A_1245 = tpu.memref_slice %arg4[%mul3A_2, %dma_wait3A_1243, %dma_wait3A_1244] : memref<4096x50x128xf32, #tpu.memory_space<hbm>> -> memref<1x50x128xf32, #tpu.memory_space<hbm>>
          %dma_wait3A_1246 = tpu.memref_squeeze %dma_wait3A_1245 : memref<1x50x128xf32, #tpu.memory_space<hbm>> -> memref<50x128xf32, #tpu.memory_space<hbm>>
          %dma_wait3A_1247 = arith.constant 0 : i32
          %dma_wait3A_1248 = arith.constant 0 : i32
          %dma_wait3A_1249 = tpu.memref_slice %arg6[%dma_wait3A_1228, %dma_wait3A_1247, %dma_wait3A_1248] : memref<8x100x128xf32, #tpu.memory_space<vmem>> -> memref<1x100x128xf32, #tpu.memory_space<vmem>>
          %dma_wait3A_1250 = tpu.memref_squeeze %dma_wait3A_1249 : memref<1x100x128xf32, #tpu.memory_space<vmem>> -> memref<100x128xf32, #tpu.memory_space<vmem>>
          %dma_wait3A_1251 = arith.constant 0 : i32
          %dma_wait3A_1252 = arith.constant 0 : i32
          %dma_wait3A_1253 = tpu.memref_slice %dma_wait3A_1250[%dma_wait3A_1251, %dma_wait3A_1252] : memref<100x128xf32, #tpu.memory_space<vmem>> -> memref<50x128xf32, #tpu.memory_space<vmem>>
          tpu.wait_dma2 semaphore(%dma_wait3A_1242 : memref<!tpu.dma_semaphore, #tpu.memory_space<semaphore_mem>>) src(%dma_wait3A_1253 : memref<50x128xf32, #tpu.memory_space<vmem>>) dst(%dma_wait3A_1246 : memref<50x128xf32, #tpu.memory_space<hbm>>)
          %dma_wait3A_1254 = arith.constant 4 : i32
          %dma_wait3A_1255 = arith.constant 4 : i32
          %dma_wait3A_1256 = arith.constant 0 : i32
          %dma_wait3A_1257 = arith.constant 0 : i32
          %dma_wait3A_1258 = tpu.memref_slice %arg6[%dma_wait3A_1254, %dma_wait3A_1256, %dma_wait3A_1257] : memref<8x100x128xf32, #tpu.memory_space<vmem>> -> memref<1x100x128xf32, #tpu.memory_space<vmem>>
          %dma_wait3A_1259 = tpu.memref_squeeze %dma_wait3A_1258 : memref<1x100x128xf32, #tpu.memory_space<vmem>> -> memref<100x128xf32, #tpu.memory_space<vmem>>
          %dma_wait3A_1260 = arith.constant 50 : i32
          %dma_wait3A_1261 = arith.constant 0 : i32
          %dma_wait3A_1262 = tpu.memref_slice %dma_wait3A_1259[%dma_wait3A_1260, %dma_wait3A_1261] : memref<100x128xf32, #tpu.memory_space<vmem>> -> memref<50x128xf32, #tpu.memory_space<vmem>>
          %dma_wait3A_1263 = arith.constant 0 : i32
          %dma_wait3A_1264 = arith.constant 0 : i32
          %dma_wait3A_1265 = tpu.memref_slice %arg4[%mul3A_2, %dma_wait3A_1263, %dma_wait3A_1264] : memref<4096x50x128xf32, #tpu.memory_space<hbm>> -> memref<1x50x128xf32, #tpu.memory_space<hbm>>
          %dma_wait3A_1266 = tpu.memref_squeeze %dma_wait3A_1265 : memref<1x50x128xf32, #tpu.memory_space<hbm>> -> memref<50x128xf32, #tpu.memory_space<hbm>>
          %dma_wait3A_1267 = tpu.memref_slice %arg8[%dma_wait3A_1255] : memref<8x!tpu.dma_semaphore, #tpu.memory_space<semaphore_mem>> -> memref<1x!tpu.dma_semaphore, #tpu.memory_space<semaphore_mem>>
          %dma_wait3A_1268 = tpu.memref_squeeze %dma_wait3A_1267 : memref<1x!tpu.dma_semaphore, #tpu.memory_space<semaphore_mem>> -> memref<!tpu.dma_semaphore, #tpu.memory_space<semaphore_mem>>
          %dma_wait3A_1269 = arith.constant 0 : i32
          %dma_wait3A_1270 = arith.constant 0 : i32
          %dma_wait3A_1271 = tpu.memref_slice %arg4[%mul3A_2, %dma_wait3A_1269, %dma_wait3A_1270] : memref<4096x50x128xf32, #tpu.memory_space<hbm>> -> memref<1x50x128xf32, #tpu.memory_space<hbm>>
          %dma_wait3A_1272 = tpu.memref_squeeze %dma_wait3A_1271 : memref<1x50x128xf32, #tpu.memory_space<hbm>> -> memref<50x128xf32, #tpu.memory_space<hbm>>
          %dma_wait3A_1273 = arith.constant 0 : i32
          %dma_wait3A_1274 = arith.constant 0 : i32
          %dma_wait3A_1275 = tpu.memref_slice %arg6[%dma_wait3A_1254, %dma_wait3A_1273, %dma_wait3A_1274] : memref<8x100x128xf32, #tpu.memory_space<vmem>> -> memref<1x100x128xf32, #tpu.memory_space<vmem>>
          %dma_wait3A_1276 = tpu.memref_squeeze %dma_wait3A_1275 : memref<1x100x128xf32, #tpu.memory_space<vmem>> -> memref<100x128xf32, #tpu.memory_space<vmem>>
          %dma_wait3A_1277 = arith.constant 50 : i32
          %dma_wait3A_1278 = arith.constant 0 : i32
          %dma_wait3A_1279 = tpu.memref_slice %dma_wait3A_1276[%dma_wait3A_1277, %dma_wait3A_1278] : memref<100x128xf32, #tpu.memory_space<vmem>> -> memref<50x128xf32, #tpu.memory_space<vmem>>
          tpu.wait_dma2 semaphore(%dma_wait3A_1268 : memref<!tpu.dma_semaphore, #tpu.memory_space<semaphore_mem>>) src(%dma_wait3A_1279 : memref<50x128xf32, #tpu.memory_space<vmem>>) dst(%dma_wait3A_1272 : memref<50x128xf32, #tpu.memory_space<hbm>>)
        } else {
        }
        %add3A_1212 = arith.constant 7 : i32
        %add3A_1213 = arith.addi %add3A_954, %add3A_1212 : i32
        %dma_start3A_1214 = arith.constant 4 : i32
        %dma_start3A_1215 = arith.constant 4 : i32
        %dma_start3A_1216 = arith.constant 0 : i32
        %dma_start3A_1217 = arith.constant 0 : i32
        %dma_start3A_1218 = tpu.memref_slice %arg6[%dma_start3A_1214, %dma_start3A_1216, %dma_start3A_1217] : memref<8x100x128xf32, #tpu.memory_space<vmem>> -> memref<1x100x128xf32, #tpu.memory_space<vmem>>
        %dma_start3A_1219 = tpu.memref_squeeze %dma_start3A_1218 : memref<1x100x128xf32, #tpu.memory_space<vmem>> -> memref<100x128xf32, #tpu.memory_space<vmem>>
        %dma_start3A_1220 = arith.constant 0 : i32
        %dma_start3A_1221 = tpu.memref_slice %arg5[%add3A_1213, %dma_start3A_1220] : memref<64x100xi32, #tpu.memory_space<vmem>> -> memref<1x100xi32, #tpu.memory_space<vmem>>
        %dma_start3A_1222 = tpu.memref_squeeze %dma_start3A_1221 : memref<1x100xi32, #tpu.memory_space<vmem>> -> memref<100xi32, #tpu.memory_space<vmem>>
        %dma_start3A_1223 = arith.constant 0 : i32
        %dma_start3A_1224 = arith.constant 0 : i32
        %dma_start3A_1225 = tpu.memref_slice %arg2[%dma_start3A_1223, %dma_start3A_1224] : memref<100000x128xf32, #tpu.memory_space<hbm>> -> memref<100000x128xf32, #tpu.memory_space<hbm>>
        %dma_start3A_1226 = tpu.memref_slice %arg7[%dma_start3A_1215] : memref<8x!tpu.dma_semaphore, #tpu.memory_space<semaphore_mem>> -> memref<1x!tpu.dma_semaphore, #tpu.memory_space<semaphore_mem>>
        %dma_start3A_1227 = tpu.memref_squeeze %dma_start3A_1226 : memref<1x!tpu.dma_semaphore, #tpu.memory_space<semaphore_mem>> -> memref<!tpu.dma_semaphore, #tpu.memory_space<semaphore_mem>>
        tpu.enqueue_indirect_dma source(%dma_start3A_1225 : memref<100000x128xf32, #tpu.memory_space<hbm>>) target(%dma_start3A_1219 : memref<100x128xf32, #tpu.memory_space<vmem>>) offsets(%dma_start3A_1222 : memref<100xi32, #tpu.memory_space<vmem>>) semaphore(%dma_start3A_1227 : memref<!tpu.dma_semaphore, #tpu.memory_space<semaphore_mem>>)
      } else {
      }
      %dma_wait3A_962 = arith.constant 5 : i32
      %dma_wait3A_963 = arith.constant 5 : i32
      %dma_wait3A_964 = arith.constant 0 : i32
      %dma_wait3A_965 = arith.constant 0 : i32
      %dma_wait3A_966 = tpu.memref_slice %arg6[%dma_wait3A_962, %dma_wait3A_964, %dma_wait3A_965] : memref<8x100x128xf32, #tpu.memory_space<vmem>> -> memref<1x100x128xf32, #tpu.memory_space<vmem>>
      %dma_wait3A_967 = tpu.memref_squeeze %dma_wait3A_966 : memref<1x100x128xf32, #tpu.memory_space<vmem>> -> memref<100x128xf32, #tpu.memory_space<vmem>>
      %dma_wait3A_968 = arith.constant 0 : i32
      %dma_wait3A_969 = tpu.memref_slice %arg5[%add3A_954, %dma_wait3A_968] : memref<64x100xi32, #tpu.memory_space<vmem>> -> memref<1x100xi32, #tpu.memory_space<vmem>>
      %dma_wait3A_970 = tpu.memref_squeeze %dma_wait3A_969 : memref<1x100xi32, #tpu.memory_space<vmem>> -> memref<100xi32, #tpu.memory_space<vmem>>
      %dma_wait3A_971 = arith.constant 0 : i32
      %dma_wait3A_972 = arith.constant 0 : i32
      %dma_wait3A_973 = tpu.memref_slice %arg2[%dma_wait3A_971, %dma_wait3A_972] : memref<100000x128xf32, #tpu.memory_space<hbm>> -> memref<100000x128xf32, #tpu.memory_space<hbm>>
      %dma_wait3A_974 = tpu.memref_slice %arg7[%dma_wait3A_963] : memref<8x!tpu.dma_semaphore, #tpu.memory_space<semaphore_mem>> -> memref<1x!tpu.dma_semaphore, #tpu.memory_space<semaphore_mem>>
      %dma_wait3A_975 = tpu.memref_squeeze %dma_wait3A_974 : memref<1x!tpu.dma_semaphore, #tpu.memory_space<semaphore_mem>> -> memref<!tpu.dma_semaphore, #tpu.memory_space<semaphore_mem>>
      tpu.wait_indirect_dma semaphore(%dma_wait3A_975 : memref<!tpu.dma_semaphore, #tpu.memory_space<semaphore_mem>>) src(%dma_wait3A_973 : memref<100000x128xf32, #tpu.memory_space<hbm>>) dst(%dma_wait3A_967 : memref<100x128xf32, #tpu.memory_space<vmem>>)
      %add3A_976 = arith.addi %mul3A_2, %add3A_954 : i32
      %mul3A_977 = arith.constant 2 : i32
      %mul3A_978 = arith.muli %mul3A_977, %add3A_976 : i32
      %add3A_979 = arith.constant 0 : i32
      %add3A_980 = arith.addi %mul3A_978, %add3A_979 : i32
      %dma_start3A_981 = arith.constant 5 : i32
      %dma_start3A_982 = arith.constant 5 : i32
      %dma_start3A_983 = arith.constant 0 : i32
      %dma_start3A_984 = arith.constant 0 : i32
      %dma_start3A_985 = tpu.memref_slice %arg6[%dma_start3A_981, %dma_start3A_983, %dma_start3A_984] : memref<8x100x128xf32, #tpu.memory_space<vmem>> -> memref<1x100x128xf32, #tpu.memory_space<vmem>>
      %dma_start3A_986 = tpu.memref_squeeze %dma_start3A_985 : memref<1x100x128xf32, #tpu.memory_space<vmem>> -> memref<100x128xf32, #tpu.memory_space<vmem>>
      %dma_start3A_987 = arith.constant 0 : i32
      %dma_start3A_988 = arith.constant 0 : i32
      %dma_start3A_989 = tpu.memref_slice %dma_start3A_986[%dma_start3A_987, %dma_start3A_988] : memref<100x128xf32, #tpu.memory_space<vmem>> -> memref<50x128xf32, #tpu.memory_space<vmem>>
      %dma_start3A_990 = arith.constant 0 : i32
      %dma_start3A_991 = arith.constant 0 : i32
      %dma_start3A_992 = tpu.memref_slice %arg4[%add3A_980, %dma_start3A_990, %dma_start3A_991] : memref<4096x50x128xf32, #tpu.memory_space<hbm>> -> memref<1x50x128xf32, #tpu.memory_space<hbm>>
      %dma_start3A_993 = tpu.memref_squeeze %dma_start3A_992 : memref<1x50x128xf32, #tpu.memory_space<hbm>> -> memref<50x128xf32, #tpu.memory_space<hbm>>
      %dma_start3A_994 = tpu.memref_slice %arg8[%dma_start3A_982] : memref<8x!tpu.dma_semaphore, #tpu.memory_space<semaphore_mem>> -> memref<1x!tpu.dma_semaphore, #tpu.memory_space<semaphore_mem>>
      %dma_start3A_995 = tpu.memref_squeeze %dma_start3A_994 : memref<1x!tpu.dma_semaphore, #tpu.memory_space<semaphore_mem>> -> memref<!tpu.dma_semaphore, #tpu.memory_space<semaphore_mem>>
      %dma_start3A_996 = arith.constant 0 : i32
      %dma_start3A_997 = arith.constant 0 : i32
      %dma_start3A_998 = tpu.memref_slice %arg4[%add3A_980, %dma_start3A_996, %dma_start3A_997] : memref<4096x50x128xf32, #tpu.memory_space<hbm>> -> memref<1x50x128xf32, #tpu.memory_space<hbm>>
      %dma_start3A_999 = tpu.memref_squeeze %dma_start3A_998 : memref<1x50x128xf32, #tpu.memory_space<hbm>> -> memref<50x128xf32, #tpu.memory_space<hbm>>
      %dma_start3A_1000 = arith.constant 0 : i32
      %dma_start3A_1001 = arith.constant 0 : i32
      %dma_start3A_1002 = tpu.memref_slice %arg6[%dma_start3A_981, %dma_start3A_1000, %dma_start3A_1001] : memref<8x100x128xf32, #tpu.memory_space<vmem>> -> memref<1x100x128xf32, #tpu.memory_space<vmem>>
      %dma_start3A_1003 = tpu.memref_squeeze %dma_start3A_1002 : memref<1x100x128xf32, #tpu.memory_space<vmem>> -> memref<100x128xf32, #tpu.memory_space<vmem>>
      %dma_start3A_1004 = arith.constant 0 : i32
      %dma_start3A_1005 = arith.constant 0 : i32
      %dma_start3A_1006 = tpu.memref_slice %dma_start3A_1003[%dma_start3A_1004, %dma_start3A_1005] : memref<100x128xf32, #tpu.memory_space<vmem>> -> memref<50x128xf32, #tpu.memory_space<vmem>>
      tpu.enqueue_dma source(%dma_start3A_1006 : memref<50x128xf32, #tpu.memory_space<vmem>>) target(%dma_start3A_999 : memref<50x128xf32, #tpu.memory_space<hbm>>) target_semaphore(%dma_start3A_995 : memref<!tpu.dma_semaphore, #tpu.memory_space<semaphore_mem>>)
      %add3A_1007 = arith.addi %mul3A_2, %add3A_954 : i32
      %mul3A_1008 = arith.constant 2 : i32
      %mul3A_1009 = arith.muli %mul3A_1008, %add3A_1007 : i32
      %add3A_1010 = arith.constant 1 : i32
      %add3A_1011 = arith.addi %mul3A_1009, %add3A_1010 : i32
      %dma_start3A_1012 = arith.constant 5 : i32
      %dma_start3A_1013 = arith.constant 5 : i32
      %dma_start3A_1014 = arith.constant 0 : i32
      %dma_start3A_1015 = arith.constant 0 : i32
      %dma_start3A_1016 = tpu.memref_slice %arg6[%dma_start3A_1012, %dma_start3A_1014, %dma_start3A_1015] : memref<8x100x128xf32, #tpu.memory_space<vmem>> -> memref<1x100x128xf32, #tpu.memory_space<vmem>>
      %dma_start3A_1017 = tpu.memref_squeeze %dma_start3A_1016 : memref<1x100x128xf32, #tpu.memory_space<vmem>> -> memref<100x128xf32, #tpu.memory_space<vmem>>
      %dma_start3A_1018 = arith.constant 50 : i32
      %dma_start3A_1019 = arith.constant 0 : i32
      %dma_start3A_1020 = tpu.memref_slice %dma_start3A_1017[%dma_start3A_1018, %dma_start3A_1019] : memref<100x128xf32, #tpu.memory_space<vmem>> -> memref<50x128xf32, #tpu.memory_space<vmem>>
      %dma_start3A_1021 = arith.constant 0 : i32
      %dma_start3A_1022 = arith.constant 0 : i32
      %dma_start3A_1023 = tpu.memref_slice %arg4[%add3A_1011, %dma_start3A_1021, %dma_start3A_1022] : memref<4096x50x128xf32, #tpu.memory_space<hbm>> -> memref<1x50x128xf32, #tpu.memory_space<hbm>>
      %dma_start3A_1024 = tpu.memref_squeeze %dma_start3A_1023 : memref<1x50x128xf32, #tpu.memory_space<hbm>> -> memref<50x128xf32, #tpu.memory_space<hbm>>
      %dma_start3A_1025 = tpu.memref_slice %arg8[%dma_start3A_1013] : memref<8x!tpu.dma_semaphore, #tpu.memory_space<semaphore_mem>> -> memref<1x!tpu.dma_semaphore, #tpu.memory_space<semaphore_mem>>
      %dma_start3A_1026 = tpu.memref_squeeze %dma_start3A_1025 : memref<1x!tpu.dma_semaphore, #tpu.memory_space<semaphore_mem>> -> memref<!tpu.dma_semaphore, #tpu.memory_space<semaphore_mem>>
      %dma_start3A_1027 = arith.constant 0 : i32
      %dma_start3A_1028 = arith.constant 0 : i32
      %dma_start3A_1029 = tpu.memref_slice %arg4[%add3A_1011, %dma_start3A_1027, %dma_start3A_1028] : memref<4096x50x128xf32, #tpu.memory_space<hbm>> -> memref<1x50x128xf32, #tpu.memory_space<hbm>>
      %dma_start3A_1030 = tpu.memref_squeeze %dma_start3A_1029 : memref<1x50x128xf32, #tpu.memory_space<hbm>> -> memref<50x128xf32, #tpu.memory_space<hbm>>
      %dma_start3A_1031 = arith.constant 0 : i32
      %dma_start3A_1032 = arith.constant 0 : i32
      %dma_start3A_1033 = tpu.memref_slice %arg6[%dma_start3A_1012, %dma_start3A_1031, %dma_start3A_1032] : memref<8x100x128xf32, #tpu.memory_space<vmem>> -> memref<1x100x128xf32, #tpu.memory_space<vmem>>
      %dma_start3A_1034 = tpu.memref_squeeze %dma_start3A_1033 : memref<1x100x128xf32, #tpu.memory_space<vmem>> -> memref<100x128xf32, #tpu.memory_space<vmem>>
      %dma_start3A_1035 = arith.constant 50 : i32
      %dma_start3A_1036 = arith.constant 0 : i32
      %dma_start3A_1037 = tpu.memref_slice %dma_start3A_1034[%dma_start3A_1035, %dma_start3A_1036] : memref<100x128xf32, #tpu.memory_space<vmem>> -> memref<50x128xf32, #tpu.memory_space<vmem>>
      tpu.enqueue_dma source(%dma_start3A_1037 : memref<50x128xf32, #tpu.memory_space<vmem>>) target(%dma_start3A_1030 : memref<50x128xf32, #tpu.memory_space<hbm>>) target_semaphore(%dma_start3A_1026 : memref<!tpu.dma_semaphore, #tpu.memory_space<semaphore_mem>>)
      %add3A_1038 = arith.constant 6 : i32
      %add3A_1039 = arith.addi %add3A_530, %add3A_1038 : i32
      %add3A_1040 = arith.constant 7 : i32
      %add3A_1041 = arith.addi %add3A_1039, %add3A_1040 : i32
      %lt3A_1042 = arith.constant 64 : i32
      %lt3A_1043 = arith.cmpi slt, %add3A_1041, %lt3A_1042 : i32
      %convert_element_type3A_1044 = arith.extui %lt3A_1043 : i1 to i32
      %cond3A_1045 = arith.constant 0 : i32
      %cond3A_1046 = arith.cmpi ne, %convert_element_type3A_1044, %cond3A_1045 : i32
      scf.if %cond3A_1046 {
        %ge3A = arith.constant 1 : i32
        %ge3A_1208 = arith.cmpi sge, %add3A_1039, %ge3A : i32
        %convert_element_type3A_1209 = arith.extui %ge3A_1208 : i1 to i32
        %cond3A_1210 = arith.constant 0 : i32
        %cond3A_1211 = arith.cmpi ne, %convert_element_type3A_1209, %cond3A_1210 : i32
        scf.if %cond3A_1211 {
          %dma_wait3A_1228 = arith.constant 5 : i32
          %dma_wait3A_1229 = arith.constant 5 : i32
          %dma_wait3A_1230 = arith.constant 0 : i32
          %dma_wait3A_1231 = arith.constant 0 : i32
          %dma_wait3A_1232 = tpu.memref_slice %arg6[%dma_wait3A_1228, %dma_wait3A_1230, %dma_wait3A_1231] : memref<8x100x128xf32, #tpu.memory_space<vmem>> -> memref<1x100x128xf32, #tpu.memory_space<vmem>>
          %dma_wait3A_1233 = tpu.memref_squeeze %dma_wait3A_1232 : memref<1x100x128xf32, #tpu.memory_space<vmem>> -> memref<100x128xf32, #tpu.memory_space<vmem>>
          %dma_wait3A_1234 = arith.constant 0 : i32
          %dma_wait3A_1235 = arith.constant 0 : i32
          %dma_wait3A_1236 = tpu.memref_slice %dma_wait3A_1233[%dma_wait3A_1234, %dma_wait3A_1235] : memref<100x128xf32, #tpu.memory_space<vmem>> -> memref<50x128xf32, #tpu.memory_space<vmem>>
          %dma_wait3A_1237 = arith.constant 0 : i32
          %dma_wait3A_1238 = arith.constant 0 : i32
          %dma_wait3A_1239 = tpu.memref_slice %arg4[%mul3A_2, %dma_wait3A_1237, %dma_wait3A_1238] : memref<4096x50x128xf32, #tpu.memory_space<hbm>> -> memref<1x50x128xf32, #tpu.memory_space<hbm>>
          %dma_wait3A_1240 = tpu.memref_squeeze %dma_wait3A_1239 : memref<1x50x128xf32, #tpu.memory_space<hbm>> -> memref<50x128xf32, #tpu.memory_space<hbm>>
          %dma_wait3A_1241 = tpu.memref_slice %arg8[%dma_wait3A_1229] : memref<8x!tpu.dma_semaphore, #tpu.memory_space<semaphore_mem>> -> memref<1x!tpu.dma_semaphore, #tpu.memory_space<semaphore_mem>>
          %dma_wait3A_1242 = tpu.memref_squeeze %dma_wait3A_1241 : memref<1x!tpu.dma_semaphore, #tpu.memory_space<semaphore_mem>> -> memref<!tpu.dma_semaphore, #tpu.memory_space<semaphore_mem>>
          %dma_wait3A_1243 = arith.constant 0 : i32
          %dma_wait3A_1244 = arith.constant 0 : i32
          %dma_wait3A_1245 = tpu.memref_slice %arg4[%mul3A_2, %dma_wait3A_1243, %dma_wait3A_1244] : memref<4096x50x128xf32, #tpu.memory_space<hbm>> -> memref<1x50x128xf32, #tpu.memory_space<hbm>>
          %dma_wait3A_1246 = tpu.memref_squeeze %dma_wait3A_1245 : memref<1x50x128xf32, #tpu.memory_space<hbm>> -> memref<50x128xf32, #tpu.memory_space<hbm>>
          %dma_wait3A_1247 = arith.constant 0 : i32
          %dma_wait3A_1248 = arith.constant 0 : i32
          %dma_wait3A_1249 = tpu.memref_slice %arg6[%dma_wait3A_1228, %dma_wait3A_1247, %dma_wait3A_1248] : memref<8x100x128xf32, #tpu.memory_space<vmem>> -> memref<1x100x128xf32, #tpu.memory_space<vmem>>
          %dma_wait3A_1250 = tpu.memref_squeeze %dma_wait3A_1249 : memref<1x100x128xf32, #tpu.memory_space<vmem>> -> memref<100x128xf32, #tpu.memory_space<vmem>>
          %dma_wait3A_1251 = arith.constant 0 : i32
          %dma_wait3A_1252 = arith.constant 0 : i32
          %dma_wait3A_1253 = tpu.memref_slice %dma_wait3A_1250[%dma_wait3A_1251, %dma_wait3A_1252] : memref<100x128xf32, #tpu.memory_space<vmem>> -> memref<50x128xf32, #tpu.memory_space<vmem>>
          tpu.wait_dma2 semaphore(%dma_wait3A_1242 : memref<!tpu.dma_semaphore, #tpu.memory_space<semaphore_mem>>) src(%dma_wait3A_1253 : memref<50x128xf32, #tpu.memory_space<vmem>>) dst(%dma_wait3A_1246 : memref<50x128xf32, #tpu.memory_space<hbm>>)
          %dma_wait3A_1254 = arith.constant 5 : i32
          %dma_wait3A_1255 = arith.constant 5 : i32
          %dma_wait3A_1256 = arith.constant 0 : i32
          %dma_wait3A_1257 = arith.constant 0 : i32
          %dma_wait3A_1258 = tpu.memref_slice %arg6[%dma_wait3A_1254, %dma_wait3A_1256, %dma_wait3A_1257] : memref<8x100x128xf32, #tpu.memory_space<vmem>> -> memref<1x100x128xf32, #tpu.memory_space<vmem>>
          %dma_wait3A_1259 = tpu.memref_squeeze %dma_wait3A_1258 : memref<1x100x128xf32, #tpu.memory_space<vmem>> -> memref<100x128xf32, #tpu.memory_space<vmem>>
          %dma_wait3A_1260 = arith.constant 50 : i32
          %dma_wait3A_1261 = arith.constant 0 : i32
          %dma_wait3A_1262 = tpu.memref_slice %dma_wait3A_1259[%dma_wait3A_1260, %dma_wait3A_1261] : memref<100x128xf32, #tpu.memory_space<vmem>> -> memref<50x128xf32, #tpu.memory_space<vmem>>
          %dma_wait3A_1263 = arith.constant 0 : i32
          %dma_wait3A_1264 = arith.constant 0 : i32
          %dma_wait3A_1265 = tpu.memref_slice %arg4[%mul3A_2, %dma_wait3A_1263, %dma_wait3A_1264] : memref<4096x50x128xf32, #tpu.memory_space<hbm>> -> memref<1x50x128xf32, #tpu.memory_space<hbm>>
          %dma_wait3A_1266 = tpu.memref_squeeze %dma_wait3A_1265 : memref<1x50x128xf32, #tpu.memory_space<hbm>> -> memref<50x128xf32, #tpu.memory_space<hbm>>
          %dma_wait3A_1267 = tpu.memref_slice %arg8[%dma_wait3A_1255] : memref<8x!tpu.dma_semaphore, #tpu.memory_space<semaphore_mem>> -> memref<1x!tpu.dma_semaphore, #tpu.memory_space<semaphore_mem>>
          %dma_wait3A_1268 = tpu.memref_squeeze %dma_wait3A_1267 : memref<1x!tpu.dma_semaphore, #tpu.memory_space<semaphore_mem>> -> memref<!tpu.dma_semaphore, #tpu.memory_space<semaphore_mem>>
          %dma_wait3A_1269 = arith.constant 0 : i32
          %dma_wait3A_1270 = arith.constant 0 : i32
          %dma_wait3A_1271 = tpu.memref_slice %arg4[%mul3A_2, %dma_wait3A_1269, %dma_wait3A_1270] : memref<4096x50x128xf32, #tpu.memory_space<hbm>> -> memref<1x50x128xf32, #tpu.memory_space<hbm>>
          %dma_wait3A_1272 = tpu.memref_squeeze %dma_wait3A_1271 : memref<1x50x128xf32, #tpu.memory_space<hbm>> -> memref<50x128xf32, #tpu.memory_space<hbm>>
          %dma_wait3A_1273 = arith.constant 0 : i32
          %dma_wait3A_1274 = arith.constant 0 : i32
          %dma_wait3A_1275 = tpu.memref_slice %arg6[%dma_wait3A_1254, %dma_wait3A_1273, %dma_wait3A_1274] : memref<8x100x128xf32, #tpu.memory_space<vmem>> -> memref<1x100x128xf32, #tpu.memory_space<vmem>>
          %dma_wait3A_1276 = tpu.memref_squeeze %dma_wait3A_1275 : memref<1x100x128xf32, #tpu.memory_space<vmem>> -> memref<100x128xf32, #tpu.memory_space<vmem>>
          %dma_wait3A_1277 = arith.constant 50 : i32
          %dma_wait3A_1278 = arith.constant 0 : i32
          %dma_wait3A_1279 = tpu.memref_slice %dma_wait3A_1276[%dma_wait3A_1277, %dma_wait3A_1278] : memref<100x128xf32, #tpu.memory_space<vmem>> -> memref<50x128xf32, #tpu.memory_space<vmem>>
          tpu.wait_dma2 semaphore(%dma_wait3A_1268 : memref<!tpu.dma_semaphore, #tpu.memory_space<semaphore_mem>>) src(%dma_wait3A_1279 : memref<50x128xf32, #tpu.memory_space<vmem>>) dst(%dma_wait3A_1272 : memref<50x128xf32, #tpu.memory_space<hbm>>)
        } else {
        }
        %add3A_1212 = arith.constant 7 : i32
        %add3A_1213 = arith.addi %add3A_1039, %add3A_1212 : i32
        %dma_start3A_1214 = arith.constant 5 : i32
        %dma_start3A_1215 = arith.constant 5 : i32
        %dma_start3A_1216 = arith.constant 0 : i32
        %dma_start3A_1217 = arith.constant 0 : i32
        %dma_start3A_1218 = tpu.memref_slice %arg6[%dma_start3A_1214, %dma_start3A_1216, %dma_start3A_1217] : memref<8x100x128xf32, #tpu.memory_space<vmem>> -> memref<1x100x128xf32, #tpu.memory_space<vmem>>
        %dma_start3A_1219 = tpu.memref_squeeze %dma_start3A_1218 : memref<1x100x128xf32, #tpu.memory_space<vmem>> -> memref<100x128xf32, #tpu.memory_space<vmem>>
        %dma_start3A_1220 = arith.constant 0 : i32
        %dma_start3A_1221 = tpu.memref_slice %arg5[%add3A_1213, %dma_start3A_1220] : memref<64x100xi32, #tpu.memory_space<vmem>> -> memref<1x100xi32, #tpu.memory_space<vmem>>
        %dma_start3A_1222 = tpu.memref_squeeze %dma_start3A_1221 : memref<1x100xi32, #tpu.memory_space<vmem>> -> memref<100xi32, #tpu.memory_space<vmem>>
        %dma_start3A_1223 = arith.constant 0 : i32
        %dma_start3A_1224 = arith.constant 0 : i32
        %dma_start3A_1225 = tpu.memref_slice %arg2[%dma_start3A_1223, %dma_start3A_1224] : memref<100000x128xf32, #tpu.memory_space<hbm>> -> memref<100000x128xf32, #tpu.memory_space<hbm>>
        %dma_start3A_1226 = tpu.memref_slice %arg7[%dma_start3A_1215] : memref<8x!tpu.dma_semaphore, #tpu.memory_space<semaphore_mem>> -> memref<1x!tpu.dma_semaphore, #tpu.memory_space<semaphore_mem>>
        %dma_start3A_1227 = tpu.memref_squeeze %dma_start3A_1226 : memref<1x!tpu.dma_semaphore, #tpu.memory_space<semaphore_mem>> -> memref<!tpu.dma_semaphore, #tpu.memory_space<semaphore_mem>>
        tpu.enqueue_indirect_dma source(%dma_start3A_1225 : memref<100000x128xf32, #tpu.memory_space<hbm>>) target(%dma_start3A_1219 : memref<100x128xf32, #tpu.memory_space<vmem>>) offsets(%dma_start3A_1222 : memref<100xi32, #tpu.memory_space<vmem>>) semaphore(%dma_start3A_1227 : memref<!tpu.dma_semaphore, #tpu.memory_space<semaphore_mem>>)
      } else {
      }
      %dma_wait3A_1047 = arith.constant 6 : i32
      %dma_wait3A_1048 = arith.constant 6 : i32
      %dma_wait3A_1049 = arith.constant 0 : i32
      %dma_wait3A_1050 = arith.constant 0 : i32
      %dma_wait3A_1051 = tpu.memref_slice %arg6[%dma_wait3A_1047, %dma_wait3A_1049, %dma_wait3A_1050] : memref<8x100x128xf32, #tpu.memory_space<vmem>> -> memref<1x100x128xf32, #tpu.memory_space<vmem>>
      %dma_wait3A_1052 = tpu.memref_squeeze %dma_wait3A_1051 : memref<1x100x128xf32, #tpu.memory_space<vmem>> -> memref<100x128xf32, #tpu.memory_space<vmem>>
      %dma_wait3A_1053 = arith.constant 0 : i32
      %dma_wait3A_1054 = tpu.memref_slice %arg5[%add3A_1039, %dma_wait3A_1053] : memref<64x100xi32, #tpu.memory_space<vmem>> -> memref<1x100xi32, #tpu.memory_space<vmem>>
      %dma_wait3A_1055 = tpu.memref_squeeze %dma_wait3A_1054 : memref<1x100xi32, #tpu.memory_space<vmem>> -> memref<100xi32, #tpu.memory_space<vmem>>
      %dma_wait3A_1056 = arith.constant 0 : i32
      %dma_wait3A_1057 = arith.constant 0 : i32
      %dma_wait3A_1058 = tpu.memref_slice %arg2[%dma_wait3A_1056, %dma_wait3A_1057] : memref<100000x128xf32, #tpu.memory_space<hbm>> -> memref<100000x128xf32, #tpu.memory_space<hbm>>
      %dma_wait3A_1059 = tpu.memref_slice %arg7[%dma_wait3A_1048] : memref<8x!tpu.dma_semaphore, #tpu.memory_space<semaphore_mem>> -> memref<1x!tpu.dma_semaphore, #tpu.memory_space<semaphore_mem>>
      %dma_wait3A_1060 = tpu.memref_squeeze %dma_wait3A_1059 : memref<1x!tpu.dma_semaphore, #tpu.memory_space<semaphore_mem>> -> memref<!tpu.dma_semaphore, #tpu.memory_space<semaphore_mem>>
      tpu.wait_indirect_dma semaphore(%dma_wait3A_1060 : memref<!tpu.dma_semaphore, #tpu.memory_space<semaphore_mem>>) src(%dma_wait3A_1058 : memref<100000x128xf32, #tpu.memory_space<hbm>>) dst(%dma_wait3A_1052 : memref<100x128xf32, #tpu.memory_space<vmem>>)
      %add3A_1061 = arith.addi %mul3A_2, %add3A_1039 : i32
      %mul3A_1062 = arith.constant 2 : i32
      %mul3A_1063 = arith.muli %mul3A_1062, %add3A_1061 : i32
      %add3A_1064 = arith.constant 0 : i32
      %add3A_1065 = arith.addi %mul3A_1063, %add3A_1064 : i32
      %dma_start3A_1066 = arith.constant 6 : i32
      %dma_start3A_1067 = arith.constant 6 : i32
      %dma_start3A_1068 = arith.constant 0 : i32
      %dma_start3A_1069 = arith.constant 0 : i32
      %dma_start3A_1070 = tpu.memref_slice %arg6[%dma_start3A_1066, %dma_start3A_1068, %dma_start3A_1069] : memref<8x100x128xf32, #tpu.memory_space<vmem>> -> memref<1x100x128xf32, #tpu.memory_space<vmem>>
      %dma_start3A_1071 = tpu.memref_squeeze %dma_start3A_1070 : memref<1x100x128xf32, #tpu.memory_space<vmem>> -> memref<100x128xf32, #tpu.memory_space<vmem>>
      %dma_start3A_1072 = arith.constant 0 : i32
      %dma_start3A_1073 = arith.constant 0 : i32
      %dma_start3A_1074 = tpu.memref_slice %dma_start3A_1071[%dma_start3A_1072, %dma_start3A_1073] : memref<100x128xf32, #tpu.memory_space<vmem>> -> memref<50x128xf32, #tpu.memory_space<vmem>>
      %dma_start3A_1075 = arith.constant 0 : i32
      %dma_start3A_1076 = arith.constant 0 : i32
      %dma_start3A_1077 = tpu.memref_slice %arg4[%add3A_1065, %dma_start3A_1075, %dma_start3A_1076] : memref<4096x50x128xf32, #tpu.memory_space<hbm>> -> memref<1x50x128xf32, #tpu.memory_space<hbm>>
      %dma_start3A_1078 = tpu.memref_squeeze %dma_start3A_1077 : memref<1x50x128xf32, #tpu.memory_space<hbm>> -> memref<50x128xf32, #tpu.memory_space<hbm>>
      %dma_start3A_1079 = tpu.memref_slice %arg8[%dma_start3A_1067] : memref<8x!tpu.dma_semaphore, #tpu.memory_space<semaphore_mem>> -> memref<1x!tpu.dma_semaphore, #tpu.memory_space<semaphore_mem>>
      %dma_start3A_1080 = tpu.memref_squeeze %dma_start3A_1079 : memref<1x!tpu.dma_semaphore, #tpu.memory_space<semaphore_mem>> -> memref<!tpu.dma_semaphore, #tpu.memory_space<semaphore_mem>>
      %dma_start3A_1081 = arith.constant 0 : i32
      %dma_start3A_1082 = arith.constant 0 : i32
      %dma_start3A_1083 = tpu.memref_slice %arg4[%add3A_1065, %dma_start3A_1081, %dma_start3A_1082] : memref<4096x50x128xf32, #tpu.memory_space<hbm>> -> memref<1x50x128xf32, #tpu.memory_space<hbm>>
      %dma_start3A_1084 = tpu.memref_squeeze %dma_start3A_1083 : memref<1x50x128xf32, #tpu.memory_space<hbm>> -> memref<50x128xf32, #tpu.memory_space<hbm>>
      %dma_start3A_1085 = arith.constant 0 : i32
      %dma_start3A_1086 = arith.constant 0 : i32
      %dma_start3A_1087 = tpu.memref_slice %arg6[%dma_start3A_1066, %dma_start3A_1085, %dma_start3A_1086] : memref<8x100x128xf32, #tpu.memory_space<vmem>> -> memref<1x100x128xf32, #tpu.memory_space<vmem>>
      %dma_start3A_1088 = tpu.memref_squeeze %dma_start3A_1087 : memref<1x100x128xf32, #tpu.memory_space<vmem>> -> memref<100x128xf32, #tpu.memory_space<vmem>>
      %dma_start3A_1089 = arith.constant 0 : i32
      %dma_start3A_1090 = arith.constant 0 : i32
      %dma_start3A_1091 = tpu.memref_slice %dma_start3A_1088[%dma_start3A_1089, %dma_start3A_1090] : memref<100x128xf32, #tpu.memory_space<vmem>> -> memref<50x128xf32, #tpu.memory_space<vmem>>
      tpu.enqueue_dma source(%dma_start3A_1091 : memref<50x128xf32, #tpu.memory_space<vmem>>) target(%dma_start3A_1084 : memref<50x128xf32, #tpu.memory_space<hbm>>) target_semaphore(%dma_start3A_1080 : memref<!tpu.dma_semaphore, #tpu.memory_space<semaphore_mem>>)
      %add3A_1092 = arith.addi %mul3A_2, %add3A_1039 : i32
      %mul3A_1093 = arith.constant 2 : i32
      %mul3A_1094 = arith.muli %mul3A_1093, %add3A_1092 : i32
      %add3A_1095 = arith.constant 1 : i32
      %add3A_1096 = arith.addi %mul3A_1094, %add3A_1095 : i32
      %dma_start3A_1097 = arith.constant 6 : i32
      %dma_start3A_1098 = arith.constant 6 : i32
      %dma_start3A_1099 = arith.constant 0 : i32
      %dma_start3A_1100 = arith.constant 0 : i32
      %dma_start3A_1101 = tpu.memref_slice %arg6[%dma_start3A_1097, %dma_start3A_1099, %dma_start3A_1100] : memref<8x100x128xf32, #tpu.memory_space<vmem>> -> memref<1x100x128xf32, #tpu.memory_space<vmem>>
      %dma_start3A_1102 = tpu.memref_squeeze %dma_start3A_1101 : memref<1x100x128xf32, #tpu.memory_space<vmem>> -> memref<100x128xf32, #tpu.memory_space<vmem>>
      %dma_start3A_1103 = arith.constant 50 : i32
      %dma_start3A_1104 = arith.constant 0 : i32
      %dma_start3A_1105 = tpu.memref_slice %dma_start3A_1102[%dma_start3A_1103, %dma_start3A_1104] : memref<100x128xf32, #tpu.memory_space<vmem>> -> memref<50x128xf32, #tpu.memory_space<vmem>>
      %dma_start3A_1106 = arith.constant 0 : i32
      %dma_start3A_1107 = arith.constant 0 : i32
      %dma_start3A_1108 = tpu.memref_slice %arg4[%add3A_1096, %dma_start3A_1106, %dma_start3A_1107] : memref<4096x50x128xf32, #tpu.memory_space<hbm>> -> memref<1x50x128xf32, #tpu.memory_space<hbm>>
      %dma_start3A_1109 = tpu.memref_squeeze %dma_start3A_1108 : memref<1x50x128xf32, #tpu.memory_space<hbm>> -> memref<50x128xf32, #tpu.memory_space<hbm>>
      %dma_start3A_1110 = tpu.memref_slice %arg8[%dma_start3A_1098] : memref<8x!tpu.dma_semaphore, #tpu.memory_space<semaphore_mem>> -> memref<1x!tpu.dma_semaphore, #tpu.memory_space<semaphore_mem>>
      %dma_start3A_1111 = tpu.memref_squeeze %dma_start3A_1110 : memref<1x!tpu.dma_semaphore, #tpu.memory_space<semaphore_mem>> -> memref<!tpu.dma_semaphore, #tpu.memory_space<semaphore_mem>>
      %dma_start3A_1112 = arith.constant 0 : i32
      %dma_start3A_1113 = arith.constant 0 : i32
      %dma_start3A_1114 = tpu.memref_slice %arg4[%add3A_1096, %dma_start3A_1112, %dma_start3A_1113] : memref<4096x50x128xf32, #tpu.memory_space<hbm>> -> memref<1x50x128xf32, #tpu.memory_space<hbm>>
      %dma_start3A_1115 = tpu.memref_squeeze %dma_start3A_1114 : memref<1x50x128xf32, #tpu.memory_space<hbm>> -> memref<50x128xf32, #tpu.memory_space<hbm>>
      %dma_start3A_1116 = arith.constant 0 : i32
      %dma_start3A_1117 = arith.constant 0 : i32
      %dma_start3A_1118 = tpu.memref_slice %arg6[%dma_start3A_1097, %dma_start3A_1116, %dma_start3A_1117] : memref<8x100x128xf32, #tpu.memory_space<vmem>> -> memref<1x100x128xf32, #tpu.memory_space<vmem>>
      %dma_start3A_1119 = tpu.memref_squeeze %dma_start3A_1118 : memref<1x100x128xf32, #tpu.memory_space<vmem>> -> memref<100x128xf32, #tpu.memory_space<vmem>>
      %dma_start3A_1120 = arith.constant 50 : i32
      %dma_start3A_1121 = arith.constant 0 : i32
      %dma_start3A_1122 = tpu.memref_slice %dma_start3A_1119[%dma_start3A_1120, %dma_start3A_1121] : memref<100x128xf32, #tpu.memory_space<vmem>> -> memref<50x128xf32, #tpu.memory_space<vmem>>
      tpu.enqueue_dma source(%dma_start3A_1122 : memref<50x128xf32, #tpu.memory_space<vmem>>) target(%dma_start3A_1115 : memref<50x128xf32, #tpu.memory_space<hbm>>) target_semaphore(%dma_start3A_1111 : memref<!tpu.dma_semaphore, #tpu.memory_space<semaphore_mem>>)
      %add3A_1123 = arith.constant 7 : i32
      %add3A_1124 = arith.addi %add3A_530, %add3A_1123 : i32
      %add3A_1125 = arith.constant 7 : i32
      %add3A_1126 = arith.addi %add3A_1124, %add3A_1125 : i32
      %lt3A_1127 = arith.constant 64 : i32
      %lt3A_1128 = arith.cmpi slt, %add3A_1126, %lt3A_1127 : i32
      %convert_element_type3A_1129 = arith.extui %lt3A_1128 : i1 to i32
      %cond3A_1130 = arith.constant 0 : i32
      %cond3A_1131 = arith.cmpi ne, %convert_element_type3A_1129, %cond3A_1130 : i32
      scf.if %cond3A_1131 {
        %ge3A = arith.constant 1 : i32
        %ge3A_1208 = arith.cmpi sge, %add3A_1124, %ge3A : i32
        %convert_element_type3A_1209 = arith.extui %ge3A_1208 : i1 to i32
        %cond3A_1210 = arith.constant 0 : i32
        %cond3A_1211 = arith.cmpi ne, %convert_element_type3A_1209, %cond3A_1210 : i32
        scf.if %cond3A_1211 {
          %dma_wait3A_1228 = arith.constant 6 : i32
          %dma_wait3A_1229 = arith.constant 6 : i32
          %dma_wait3A_1230 = arith.constant 0 : i32
          %dma_wait3A_1231 = arith.constant 0 : i32
          %dma_wait3A_1232 = tpu.memref_slice %arg6[%dma_wait3A_1228, %dma_wait3A_1230, %dma_wait3A_1231] : memref<8x100x128xf32, #tpu.memory_space<vmem>> -> memref<1x100x128xf32, #tpu.memory_space<vmem>>
          %dma_wait3A_1233 = tpu.memref_squeeze %dma_wait3A_1232 : memref<1x100x128xf32, #tpu.memory_space<vmem>> -> memref<100x128xf32, #tpu.memory_space<vmem>>
          %dma_wait3A_1234 = arith.constant 0 : i32
          %dma_wait3A_1235 = arith.constant 0 : i32
          %dma_wait3A_1236 = tpu.memref_slice %dma_wait3A_1233[%dma_wait3A_1234, %dma_wait3A_1235] : memref<100x128xf32, #tpu.memory_space<vmem>> -> memref<50x128xf32, #tpu.memory_space<vmem>>
          %dma_wait3A_1237 = arith.constant 0 : i32
          %dma_wait3A_1238 = arith.constant 0 : i32
          %dma_wait3A_1239 = tpu.memref_slice %arg4[%mul3A_2, %dma_wait3A_1237, %dma_wait3A_1238] : memref<4096x50x128xf32, #tpu.memory_space<hbm>> -> memref<1x50x128xf32, #tpu.memory_space<hbm>>
          %dma_wait3A_1240 = tpu.memref_squeeze %dma_wait3A_1239 : memref<1x50x128xf32, #tpu.memory_space<hbm>> -> memref<50x128xf32, #tpu.memory_space<hbm>>
          %dma_wait3A_1241 = tpu.memref_slice %arg8[%dma_wait3A_1229] : memref<8x!tpu.dma_semaphore, #tpu.memory_space<semaphore_mem>> -> memref<1x!tpu.dma_semaphore, #tpu.memory_space<semaphore_mem>>
          %dma_wait3A_1242 = tpu.memref_squeeze %dma_wait3A_1241 : memref<1x!tpu.dma_semaphore, #tpu.memory_space<semaphore_mem>> -> memref<!tpu.dma_semaphore, #tpu.memory_space<semaphore_mem>>
          %dma_wait3A_1243 = arith.constant 0 : i32
          %dma_wait3A_1244 = arith.constant 0 : i32
          %dma_wait3A_1245 = tpu.memref_slice %arg4[%mul3A_2, %dma_wait3A_1243, %dma_wait3A_1244] : memref<4096x50x128xf32, #tpu.memory_space<hbm>> -> memref<1x50x128xf32, #tpu.memory_space<hbm>>
          %dma_wait3A_1246 = tpu.memref_squeeze %dma_wait3A_1245 : memref<1x50x128xf32, #tpu.memory_space<hbm>> -> memref<50x128xf32, #tpu.memory_space<hbm>>
          %dma_wait3A_1247 = arith.constant 0 : i32
          %dma_wait3A_1248 = arith.constant 0 : i32
          %dma_wait3A_1249 = tpu.memref_slice %arg6[%dma_wait3A_1228, %dma_wait3A_1247, %dma_wait3A_1248] : memref<8x100x128xf32, #tpu.memory_space<vmem>> -> memref<1x100x128xf32, #tpu.memory_space<vmem>>
          %dma_wait3A_1250 = tpu.memref_squeeze %dma_wait3A_1249 : memref<1x100x128xf32, #tpu.memory_space<vmem>> -> memref<100x128xf32, #tpu.memory_space<vmem>>
          %dma_wait3A_1251 = arith.constant 0 : i32
          %dma_wait3A_1252 = arith.constant 0 : i32
          %dma_wait3A_1253 = tpu.memref_slice %dma_wait3A_1250[%dma_wait3A_1251, %dma_wait3A_1252] : memref<100x128xf32, #tpu.memory_space<vmem>> -> memref<50x128xf32, #tpu.memory_space<vmem>>
          tpu.wait_dma2 semaphore(%dma_wait3A_1242 : memref<!tpu.dma_semaphore, #tpu.memory_space<semaphore_mem>>) src(%dma_wait3A_1253 : memref<50x128xf32, #tpu.memory_space<vmem>>) dst(%dma_wait3A_1246 : memref<50x128xf32, #tpu.memory_space<hbm>>)
          %dma_wait3A_1254 = arith.constant 6 : i32
          %dma_wait3A_1255 = arith.constant 6 : i32
          %dma_wait3A_1256 = arith.constant 0 : i32
          %dma_wait3A_1257 = arith.constant 0 : i32
          %dma_wait3A_1258 = tpu.memref_slice %arg6[%dma_wait3A_1254, %dma_wait3A_1256, %dma_wait3A_1257] : memref<8x100x128xf32, #tpu.memory_space<vmem>> -> memref<1x100x128xf32, #tpu.memory_space<vmem>>
          %dma_wait3A_1259 = tpu.memref_squeeze %dma_wait3A_1258 : memref<1x100x128xf32, #tpu.memory_space<vmem>> -> memref<100x128xf32, #tpu.memory_space<vmem>>
          %dma_wait3A_1260 = arith.constant 50 : i32
          %dma_wait3A_1261 = arith.constant 0 : i32
          %dma_wait3A_1262 = tpu.memref_slice %dma_wait3A_1259[%dma_wait3A_1260, %dma_wait3A_1261] : memref<100x128xf32, #tpu.memory_space<vmem>> -> memref<50x128xf32, #tpu.memory_space<vmem>>
          %dma_wait3A_1263 = arith.constant 0 : i32
          %dma_wait3A_1264 = arith.constant 0 : i32
          %dma_wait3A_1265 = tpu.memref_slice %arg4[%mul3A_2, %dma_wait3A_1263, %dma_wait3A_1264] : memref<4096x50x128xf32, #tpu.memory_space<hbm>> -> memref<1x50x128xf32, #tpu.memory_space<hbm>>
          %dma_wait3A_1266 = tpu.memref_squeeze %dma_wait3A_1265 : memref<1x50x128xf32, #tpu.memory_space<hbm>> -> memref<50x128xf32, #tpu.memory_space<hbm>>
          %dma_wait3A_1267 = tpu.memref_slice %arg8[%dma_wait3A_1255] : memref<8x!tpu.dma_semaphore, #tpu.memory_space<semaphore_mem>> -> memref<1x!tpu.dma_semaphore, #tpu.memory_space<semaphore_mem>>
          %dma_wait3A_1268 = tpu.memref_squeeze %dma_wait3A_1267 : memref<1x!tpu.dma_semaphore, #tpu.memory_space<semaphore_mem>> -> memref<!tpu.dma_semaphore, #tpu.memory_space<semaphore_mem>>
          %dma_wait3A_1269 = arith.constant 0 : i32
          %dma_wait3A_1270 = arith.constant 0 : i32
          %dma_wait3A_1271 = tpu.memref_slice %arg4[%mul3A_2, %dma_wait3A_1269, %dma_wait3A_1270] : memref<4096x50x128xf32, #tpu.memory_space<hbm>> -> memref<1x50x128xf32, #tpu.memory_space<hbm>>
          %dma_wait3A_1272 = tpu.memref_squeeze %dma_wait3A_1271 : memref<1x50x128xf32, #tpu.memory_space<hbm>> -> memref<50x128xf32, #tpu.memory_space<hbm>>
          %dma_wait3A_1273 = arith.constant 0 : i32
          %dma_wait3A_1274 = arith.constant 0 : i32
          %dma_wait3A_1275 = tpu.memref_slice %arg6[%dma_wait3A_1254, %dma_wait3A_1273, %dma_wait3A_1274] : memref<8x100x128xf32, #tpu.memory_space<vmem>> -> memref<1x100x128xf32, #tpu.memory_space<vmem>>
          %dma_wait3A_1276 = tpu.memref_squeeze %dma_wait3A_1275 : memref<1x100x128xf32, #tpu.memory_space<vmem>> -> memref<100x128xf32, #tpu.memory_space<vmem>>
          %dma_wait3A_1277 = arith.constant 50 : i32
          %dma_wait3A_1278 = arith.constant 0 : i32
          %dma_wait3A_1279 = tpu.memref_slice %dma_wait3A_1276[%dma_wait3A_1277, %dma_wait3A_1278] : memref<100x128xf32, #tpu.memory_space<vmem>> -> memref<50x128xf32, #tpu.memory_space<vmem>>
          tpu.wait_dma2 semaphore(%dma_wait3A_1268 : memref<!tpu.dma_semaphore, #tpu.memory_space<semaphore_mem>>) src(%dma_wait3A_1279 : memref<50x128xf32, #tpu.memory_space<vmem>>) dst(%dma_wait3A_1272 : memref<50x128xf32, #tpu.memory_space<hbm>>)
        } else {
        }
        %add3A_1212 = arith.constant 7 : i32
        %add3A_1213 = arith.addi %add3A_1124, %add3A_1212 : i32
        %dma_start3A_1214 = arith.constant 6 : i32
        %dma_start3A_1215 = arith.constant 6 : i32
        %dma_start3A_1216 = arith.constant 0 : i32
        %dma_start3A_1217 = arith.constant 0 : i32
        %dma_start3A_1218 = tpu.memref_slice %arg6[%dma_start3A_1214, %dma_start3A_1216, %dma_start3A_1217] : memref<8x100x128xf32, #tpu.memory_space<vmem>> -> memref<1x100x128xf32, #tpu.memory_space<vmem>>
        %dma_start3A_1219 = tpu.memref_squeeze %dma_start3A_1218 : memref<1x100x128xf32, #tpu.memory_space<vmem>> -> memref<100x128xf32, #tpu.memory_space<vmem>>
        %dma_start3A_1220 = arith.constant 0 : i32
        %dma_start3A_1221 = tpu.memref_slice %arg5[%add3A_1213, %dma_start3A_1220] : memref<64x100xi32, #tpu.memory_space<vmem>> -> memref<1x100xi32, #tpu.memory_space<vmem>>
        %dma_start3A_1222 = tpu.memref_squeeze %dma_start3A_1221 : memref<1x100xi32, #tpu.memory_space<vmem>> -> memref<100xi32, #tpu.memory_space<vmem>>
        %dma_start3A_1223 = arith.constant 0 : i32
        %dma_start3A_1224 = arith.constant 0 : i32
        %dma_start3A_1225 = tpu.memref_slice %arg2[%dma_start3A_1223, %dma_start3A_1224] : memref<100000x128xf32, #tpu.memory_space<hbm>> -> memref<100000x128xf32, #tpu.memory_space<hbm>>
        %dma_start3A_1226 = tpu.memref_slice %arg7[%dma_start3A_1215] : memref<8x!tpu.dma_semaphore, #tpu.memory_space<semaphore_mem>> -> memref<1x!tpu.dma_semaphore, #tpu.memory_space<semaphore_mem>>
        %dma_start3A_1227 = tpu.memref_squeeze %dma_start3A_1226 : memref<1x!tpu.dma_semaphore, #tpu.memory_space<semaphore_mem>> -> memref<!tpu.dma_semaphore, #tpu.memory_space<semaphore_mem>>
        tpu.enqueue_indirect_dma source(%dma_start3A_1225 : memref<100000x128xf32, #tpu.memory_space<hbm>>) target(%dma_start3A_1219 : memref<100x128xf32, #tpu.memory_space<vmem>>) offsets(%dma_start3A_1222 : memref<100xi32, #tpu.memory_space<vmem>>) semaphore(%dma_start3A_1227 : memref<!tpu.dma_semaphore, #tpu.memory_space<semaphore_mem>>)
      } else {
      }
      %dma_wait3A_1132 = arith.constant 7 : i32
      %dma_wait3A_1133 = arith.constant 7 : i32
      %dma_wait3A_1134 = arith.constant 0 : i32
      %dma_wait3A_1135 = arith.constant 0 : i32
      %dma_wait3A_1136 = tpu.memref_slice %arg6[%dma_wait3A_1132, %dma_wait3A_1134, %dma_wait3A_1135] : memref<8x100x128xf32, #tpu.memory_space<vmem>> -> memref<1x100x128xf32, #tpu.memory_space<vmem>>
      %dma_wait3A_1137 = tpu.memref_squeeze %dma_wait3A_1136 : memref<1x100x128xf32, #tpu.memory_space<vmem>> -> memref<100x128xf32, #tpu.memory_space<vmem>>
      %dma_wait3A_1138 = arith.constant 0 : i32
      %dma_wait3A_1139 = tpu.memref_slice %arg5[%add3A_1124, %dma_wait3A_1138] : memref<64x100xi32, #tpu.memory_space<vmem>> -> memref<1x100xi32, #tpu.memory_space<vmem>>
      %dma_wait3A_1140 = tpu.memref_squeeze %dma_wait3A_1139 : memref<1x100xi32, #tpu.memory_space<vmem>> -> memref<100xi32, #tpu.memory_space<vmem>>
      %dma_wait3A_1141 = arith.constant 0 : i32
      %dma_wait3A_1142 = arith.constant 0 : i32
      %dma_wait3A_1143 = tpu.memref_slice %arg2[%dma_wait3A_1141, %dma_wait3A_1142] : memref<100000x128xf32, #tpu.memory_space<hbm>> -> memref<100000x128xf32, #tpu.memory_space<hbm>>
      %dma_wait3A_1144 = tpu.memref_slice %arg7[%dma_wait3A_1133] : memref<8x!tpu.dma_semaphore, #tpu.memory_space<semaphore_mem>> -> memref<1x!tpu.dma_semaphore, #tpu.memory_space<semaphore_mem>>
      %dma_wait3A_1145 = tpu.memref_squeeze %dma_wait3A_1144 : memref<1x!tpu.dma_semaphore, #tpu.memory_space<semaphore_mem>> -> memref<!tpu.dma_semaphore, #tpu.memory_space<semaphore_mem>>
      tpu.wait_indirect_dma semaphore(%dma_wait3A_1145 : memref<!tpu.dma_semaphore, #tpu.memory_space<semaphore_mem>>) src(%dma_wait3A_1143 : memref<100000x128xf32, #tpu.memory_space<hbm>>) dst(%dma_wait3A_1137 : memref<100x128xf32, #tpu.memory_space<vmem>>)
      %add3A_1146 = arith.addi %mul3A_2, %add3A_1124 : i32
      %mul3A_1147 = arith.constant 2 : i32
      %mul3A_1148 = arith.muli %mul3A_1147, %add3A_1146 : i32
      %add3A_1149 = arith.constant 0 : i32
      %add3A_1150 = arith.addi %mul3A_1148, %add3A_1149 : i32
      %dma_start3A_1151 = arith.constant 7 : i32
      %dma_start3A_1152 = arith.constant 7 : i32
      %dma_start3A_1153 = arith.constant 0 : i32
      %dma_start3A_1154 = arith.constant 0 : i32
      %dma_start3A_1155 = tpu.memref_slice %arg6[%dma_start3A_1151, %dma_start3A_1153, %dma_start3A_1154] : memref<8x100x128xf32, #tpu.memory_space<vmem>> -> memref<1x100x128xf32, #tpu.memory_space<vmem>>
      %dma_start3A_1156 = tpu.memref_squeeze %dma_start3A_1155 : memref<1x100x128xf32, #tpu.memory_space<vmem>> -> memref<100x128xf32, #tpu.memory_space<vmem>>
      %dma_start3A_1157 = arith.constant 0 : i32
      %dma_start3A_1158 = arith.constant 0 : i32
      %dma_start3A_1159 = tpu.memref_slice %dma_start3A_1156[%dma_start3A_1157, %dma_start3A_1158] : memref<100x128xf32, #tpu.memory_space<vmem>> -> memref<50x128xf32, #tpu.memory_space<vmem>>
      %dma_start3A_1160 = arith.constant 0 : i32
      %dma_start3A_1161 = arith.constant 0 : i32
      %dma_start3A_1162 = tpu.memref_slice %arg4[%add3A_1150, %dma_start3A_1160, %dma_start3A_1161] : memref<4096x50x128xf32, #tpu.memory_space<hbm>> -> memref<1x50x128xf32, #tpu.memory_space<hbm>>
      %dma_start3A_1163 = tpu.memref_squeeze %dma_start3A_1162 : memref<1x50x128xf32, #tpu.memory_space<hbm>> -> memref<50x128xf32, #tpu.memory_space<hbm>>
      %dma_start3A_1164 = tpu.memref_slice %arg8[%dma_start3A_1152] : memref<8x!tpu.dma_semaphore, #tpu.memory_space<semaphore_mem>> -> memref<1x!tpu.dma_semaphore, #tpu.memory_space<semaphore_mem>>
      %dma_start3A_1165 = tpu.memref_squeeze %dma_start3A_1164 : memref<1x!tpu.dma_semaphore, #tpu.memory_space<semaphore_mem>> -> memref<!tpu.dma_semaphore, #tpu.memory_space<semaphore_mem>>
      %dma_start3A_1166 = arith.constant 0 : i32
      %dma_start3A_1167 = arith.constant 0 : i32
      %dma_start3A_1168 = tpu.memref_slice %arg4[%add3A_1150, %dma_start3A_1166, %dma_start3A_1167] : memref<4096x50x128xf32, #tpu.memory_space<hbm>> -> memref<1x50x128xf32, #tpu.memory_space<hbm>>
      %dma_start3A_1169 = tpu.memref_squeeze %dma_start3A_1168 : memref<1x50x128xf32, #tpu.memory_space<hbm>> -> memref<50x128xf32, #tpu.memory_space<hbm>>
      %dma_start3A_1170 = arith.constant 0 : i32
      %dma_start3A_1171 = arith.constant 0 : i32
      %dma_start3A_1172 = tpu.memref_slice %arg6[%dma_start3A_1151, %dma_start3A_1170, %dma_start3A_1171] : memref<8x100x128xf32, #tpu.memory_space<vmem>> -> memref<1x100x128xf32, #tpu.memory_space<vmem>>
      %dma_start3A_1173 = tpu.memref_squeeze %dma_start3A_1172 : memref<1x100x128xf32, #tpu.memory_space<vmem>> -> memref<100x128xf32, #tpu.memory_space<vmem>>
      %dma_start3A_1174 = arith.constant 0 : i32
      %dma_start3A_1175 = arith.constant 0 : i32
      %dma_start3A_1176 = tpu.memref_slice %dma_start3A_1173[%dma_start3A_1174, %dma_start3A_1175] : memref<100x128xf32, #tpu.memory_space<vmem>> -> memref<50x128xf32, #tpu.memory_space<vmem>>
      tpu.enqueue_dma source(%dma_start3A_1176 : memref<50x128xf32, #tpu.memory_space<vmem>>) target(%dma_start3A_1169 : memref<50x128xf32, #tpu.memory_space<hbm>>) target_semaphore(%dma_start3A_1165 : memref<!tpu.dma_semaphore, #tpu.memory_space<semaphore_mem>>)
      %add3A_1177 = arith.addi %mul3A_2, %add3A_1124 : i32
      %mul3A_1178 = arith.constant 2 : i32
      %mul3A_1179 = arith.muli %mul3A_1178, %add3A_1177 : i32
      %add3A_1180 = arith.constant 1 : i32
      %add3A_1181 = arith.addi %mul3A_1179, %add3A_1180 : i32
      %dma_start3A_1182 = arith.constant 7 : i32
      %dma_start3A_1183 = arith.constant 7 : i32
      %dma_start3A_1184 = arith.constant 0 : i32
      %dma_start3A_1185 = arith.constant 0 : i32
      %dma_start3A_1186 = tpu.memref_slice %arg6[%dma_start3A_1182, %dma_start3A_1184, %dma_start3A_1185] : memref<8x100x128xf32, #tpu.memory_space<vmem>> -> memref<1x100x128xf32, #tpu.memory_space<vmem>>
      %dma_start3A_1187 = tpu.memref_squeeze %dma_start3A_1186 : memref<1x100x128xf32, #tpu.memory_space<vmem>> -> memref<100x128xf32, #tpu.memory_space<vmem>>
      %dma_start3A_1188 = arith.constant 50 : i32
      %dma_start3A_1189 = arith.constant 0 : i32
      %dma_start3A_1190 = tpu.memref_slice %dma_start3A_1187[%dma_start3A_1188, %dma_start3A_1189] : memref<100x128xf32, #tpu.memory_space<vmem>> -> memref<50x128xf32, #tpu.memory_space<vmem>>
      %dma_start3A_1191 = arith.constant 0 : i32
      %dma_start3A_1192 = arith.constant 0 : i32
      %dma_start3A_1193 = tpu.memref_slice %arg4[%add3A_1181, %dma_start3A_1191, %dma_start3A_1192] : memref<4096x50x128xf32, #tpu.memory_space<hbm>> -> memref<1x50x128xf32, #tpu.memory_space<hbm>>
      %dma_start3A_1194 = tpu.memref_squeeze %dma_start3A_1193 : memref<1x50x128xf32, #tpu.memory_space<hbm>> -> memref<50x128xf32, #tpu.memory_space<hbm>>
      %dma_start3A_1195 = tpu.memref_slice %arg8[%dma_start3A_1183] : memref<8x!tpu.dma_semaphore, #tpu.memory_space<semaphore_mem>> -> memref<1x!tpu.dma_semaphore, #tpu.memory_space<semaphore_mem>>
      %dma_start3A_1196 = tpu.memref_squeeze %dma_start3A_1195 : memref<1x!tpu.dma_semaphore, #tpu.memory_space<semaphore_mem>> -> memref<!tpu.dma_semaphore, #tpu.memory_space<semaphore_mem>>
      %dma_start3A_1197 = arith.constant 0 : i32
      %dma_start3A_1198 = arith.constant 0 : i32
      %dma_start3A_1199 = tpu.memref_slice %arg4[%add3A_1181, %dma_start3A_1197, %dma_start3A_1198] : memref<4096x50x128xf32, #tpu.memory_space<hbm>> -> memref<1x50x128xf32, #tpu.memory_space<hbm>>
      %dma_start3A_1200 = tpu.memref_squeeze %dma_start3A_1199 : memref<1x50x128xf32, #tpu.memory_space<hbm>> -> memref<50x128xf32, #tpu.memory_space<hbm>>
      %dma_start3A_1201 = arith.constant 0 : i32
      %dma_start3A_1202 = arith.constant 0 : i32
      %dma_start3A_1203 = tpu.memref_slice %arg6[%dma_start3A_1182, %dma_start3A_1201, %dma_start3A_1202] : memref<8x100x128xf32, #tpu.memory_space<vmem>> -> memref<1x100x128xf32, #tpu.memory_space<vmem>>
      %dma_start3A_1204 = tpu.memref_squeeze %dma_start3A_1203 : memref<1x100x128xf32, #tpu.memory_space<vmem>> -> memref<100x128xf32, #tpu.memory_space<vmem>>
      %dma_start3A_1205 = arith.constant 50 : i32
      %dma_start3A_1206 = arith.constant 0 : i32
      %dma_start3A_1207 = tpu.memref_slice %dma_start3A_1204[%dma_start3A_1205, %dma_start3A_1206] : memref<100x128xf32, #tpu.memory_space<vmem>> -> memref<50x128xf32, #tpu.memory_space<vmem>>
      tpu.enqueue_dma source(%dma_start3A_1207 : memref<50x128xf32, #tpu.memory_space<vmem>>) target(%dma_start3A_1200 : memref<50x128xf32, #tpu.memory_space<hbm>>) target_semaphore(%dma_start3A_1196 : memref<!tpu.dma_semaphore, #tpu.memory_space<semaphore_mem>>)
    }
    %scan3A_110 = arith.constant 8 : i32
    %dma_wait3A = arith.constant 0 : i32
    %dma_wait3A_111 = arith.constant 0 : i32
    %dma_wait3A_112 = arith.constant 0 : i32
    %dma_wait3A_113 = arith.constant 0 : i32
    %dma_wait3A_114 = tpu.memref_slice %arg6[%dma_wait3A, %dma_wait3A_112, %dma_wait3A_113] : memref<8x100x128xf32, #tpu.memory_space<vmem>> -> memref<1x100x128xf32, #tpu.memory_space<vmem>>
    %dma_wait3A_115 = tpu.memref_squeeze %dma_wait3A_114 : memref<1x100x128xf32, #tpu.memory_space<vmem>> -> memref<100x128xf32, #tpu.memory_space<vmem>>
    %dma_wait3A_116 = arith.constant 0 : i32
    %dma_wait3A_117 = arith.constant 0 : i32
    %dma_wait3A_118 = tpu.memref_slice %dma_wait3A_115[%dma_wait3A_116, %dma_wait3A_117] : memref<100x128xf32, #tpu.memory_space<vmem>> -> memref<50x128xf32, #tpu.memory_space<vmem>>
    %dma_wait3A_119 = arith.constant 0 : i32
    %dma_wait3A_120 = arith.constant 0 : i32
    %dma_wait3A_121 = tpu.memref_slice %arg4[%mul3A_2, %dma_wait3A_119, %dma_wait3A_120] : memref<4096x50x128xf32, #tpu.memory_space<hbm>> -> memref<1x50x128xf32, #tpu.memory_space<hbm>>
    %dma_wait3A_122 = tpu.memref_squeeze %dma_wait3A_121 : memref<1x50x128xf32, #tpu.memory_space<hbm>> -> memref<50x128xf32, #tpu.memory_space<hbm>>
    %dma_wait3A_123 = tpu.memref_slice %arg8[%dma_wait3A_111] : memref<8x!tpu.dma_semaphore, #tpu.memory_space<semaphore_mem>> -> memref<1x!tpu.dma_semaphore, #tpu.memory_space<semaphore_mem>>
    %dma_wait3A_124 = tpu.memref_squeeze %dma_wait3A_123 : memref<1x!tpu.dma_semaphore, #tpu.memory_space<semaphore_mem>> -> memref<!tpu.dma_semaphore, #tpu.memory_space<semaphore_mem>>
    %dma_wait3A_125 = arith.constant 0 : i32
    %dma_wait3A_126 = arith.constant 0 : i32
    %dma_wait3A_127 = tpu.memref_slice %arg4[%mul3A_2, %dma_wait3A_125, %dma_wait3A_126] : memref<4096x50x128xf32, #tpu.memory_space<hbm>> -> memref<1x50x128xf32, #tpu.memory_space<hbm>>
    %dma_wait3A_128 = tpu.memref_squeeze %dma_wait3A_127 : memref<1x50x128xf32, #tpu.memory_space<hbm>> -> memref<50x128xf32, #tpu.memory_space<hbm>>
    %dma_wait3A_129 = arith.constant 0 : i32
    %dma_wait3A_130 = arith.constant 0 : i32
    %dma_wait3A_131 = tpu.memref_slice %arg6[%dma_wait3A, %dma_wait3A_129, %dma_wait3A_130] : memref<8x100x128xf32, #tpu.memory_space<vmem>> -> memref<1x100x128xf32, #tpu.memory_space<vmem>>
    %dma_wait3A_132 = tpu.memref_squeeze %dma_wait3A_131 : memref<1x100x128xf32, #tpu.memory_space<vmem>> -> memref<100x128xf32, #tpu.memory_space<vmem>>
    %dma_wait3A_133 = arith.constant 0 : i32
    %dma_wait3A_134 = arith.constant 0 : i32
    %dma_wait3A_135 = tpu.memref_slice %dma_wait3A_132[%dma_wait3A_133, %dma_wait3A_134] : memref<100x128xf32, #tpu.memory_space<vmem>> -> memref<50x128xf32, #tpu.memory_space<vmem>>
    tpu.wait_dma2 semaphore(%dma_wait3A_124 : memref<!tpu.dma_semaphore, #tpu.memory_space<semaphore_mem>>) src(%dma_wait3A_135 : memref<50x128xf32, #tpu.memory_space<vmem>>) dst(%dma_wait3A_128 : memref<50x128xf32, #tpu.memory_space<hbm>>)
    %dma_wait3A_136 = arith.constant 0 : i32
    %dma_wait3A_137 = arith.constant 0 : i32
    %dma_wait3A_138 = arith.constant 0 : i32
    %dma_wait3A_139 = arith.constant 0 : i32
    %dma_wait3A_140 = tpu.memref_slice %arg6[%dma_wait3A_136, %dma_wait3A_138, %dma_wait3A_139] : memref<8x100x128xf32, #tpu.memory_space<vmem>> -> memref<1x100x128xf32, #tpu.memory_space<vmem>>
    %dma_wait3A_141 = tpu.memref_squeeze %dma_wait3A_140 : memref<1x100x128xf32, #tpu.memory_space<vmem>> -> memref<100x128xf32, #tpu.memory_space<vmem>>
    %dma_wait3A_142 = arith.constant 50 : i32
    %dma_wait3A_143 = arith.constant 0 : i32
    %dma_wait3A_144 = tpu.memref_slice %dma_wait3A_141[%dma_wait3A_142, %dma_wait3A_143] : memref<100x128xf32, #tpu.memory_space<vmem>> -> memref<50x128xf32, #tpu.memory_space<vmem>>
    %dma_wait3A_145 = arith.constant 0 : i32
    %dma_wait3A_146 = arith.constant 0 : i32
    %dma_wait3A_147 = tpu.memref_slice %arg4[%mul3A_2, %dma_wait3A_145, %dma_wait3A_146] : memref<4096x50x128xf32, #tpu.memory_space<hbm>> -> memref<1x50x128xf32, #tpu.memory_space<hbm>>
    %dma_wait3A_148 = tpu.memref_squeeze %dma_wait3A_147 : memref<1x50x128xf32, #tpu.memory_space<hbm>> -> memref<50x128xf32, #tpu.memory_space<hbm>>
    %dma_wait3A_149 = tpu.memref_slice %arg8[%dma_wait3A_137] : memref<8x!tpu.dma_semaphore, #tpu.memory_space<semaphore_mem>> -> memref<1x!tpu.dma_semaphore, #tpu.memory_space<semaphore_mem>>
    %dma_wait3A_150 = tpu.memref_squeeze %dma_wait3A_149 : memref<1x!tpu.dma_semaphore, #tpu.memory_space<semaphore_mem>> -> memref<!tpu.dma_semaphore, #tpu.memory_space<semaphore_mem>>
    %dma_wait3A_151 = arith.constant 0 : i32
    %dma_wait3A_152 = arith.constant 0 : i32
    %dma_wait3A_153 = tpu.memref_slice %arg4[%mul3A_2, %dma_wait3A_151, %dma_wait3A_152] : memref<4096x50x128xf32, #tpu.memory_space<hbm>> -> memref<1x50x128xf32, #tpu.memory_space<hbm>>
    %dma_wait3A_154 = tpu.memref_squeeze %dma_wait3A_153 : memref<1x50x128xf32, #tpu.memory_space<hbm>> -> memref<50x128xf32, #tpu.memory_space<hbm>>
    %dma_wait3A_155 = arith.constant 0 : i32
    %dma_wait3A_156 = arith.constant 0 : i32
    %dma_wait3A_157 = tpu.memref_slice %arg6[%dma_wait3A_136, %dma_wait3A_155, %dma_wait3A_156] : memref<8x100x128xf32, #tpu.memory_space<vmem>> -> memref<1x100x128xf32, #tpu.memory_space<vmem>>
    %dma_wait3A_158 = tpu.memref_squeeze %dma_wait3A_157 : memref<1x100x128xf32, #tpu.memory_space<vmem>> -> memref<100x128xf32, #tpu.memory_space<vmem>>
    %dma_wait3A_159 = arith.constant 50 : i32
    %dma_wait3A_160 = arith.constant 0 : i32
    %dma_wait3A_161 = tpu.memref_slice %dma_wait3A_158[%dma_wait3A_159, %dma_wait3A_160] : memref<100x128xf32, #tpu.memory_space<vmem>> -> memref<50x128xf32, #tpu.memory_space<vmem>>
    tpu.wait_dma2 semaphore(%dma_wait3A_150 : memref<!tpu.dma_semaphore, #tpu.memory_space<semaphore_mem>>) src(%dma_wait3A_161 : memref<50x128xf32, #tpu.memory_space<vmem>>) dst(%dma_wait3A_154 : memref<50x128xf32, #tpu.memory_space<hbm>>)
    %dma_wait3A_162 = arith.constant 1 : i32
    %dma_wait3A_163 = arith.constant 1 : i32
    %dma_wait3A_164 = arith.constant 0 : i32
    %dma_wait3A_165 = arith.constant 0 : i32
    %dma_wait3A_166 = tpu.memref_slice %arg6[%dma_wait3A_162, %dma_wait3A_164, %dma_wait3A_165] : memref<8x100x128xf32, #tpu.memory_space<vmem>> -> memref<1x100x128xf32, #tpu.memory_space<vmem>>
    %dma_wait3A_167 = tpu.memref_squeeze %dma_wait3A_166 : memref<1x100x128xf32, #tpu.memory_space<vmem>> -> memref<100x128xf32, #tpu.memory_space<vmem>>
    %dma_wait3A_168 = arith.constant 0 : i32
    %dma_wait3A_169 = arith.constant 0 : i32
    %dma_wait3A_170 = tpu.memref_slice %dma_wait3A_167[%dma_wait3A_168, %dma_wait3A_169] : memref<100x128xf32, #tpu.memory_space<vmem>> -> memref<50x128xf32, #tpu.memory_space<vmem>>
    %dma_wait3A_171 = arith.constant 0 : i32
    %dma_wait3A_172 = arith.constant 0 : i32
    %dma_wait3A_173 = tpu.memref_slice %arg4[%mul3A_2, %dma_wait3A_171, %dma_wait3A_172] : memref<4096x50x128xf32, #tpu.memory_space<hbm>> -> memref<1x50x128xf32, #tpu.memory_space<hbm>>
    %dma_wait3A_174 = tpu.memref_squeeze %dma_wait3A_173 : memref<1x50x128xf32, #tpu.memory_space<hbm>> -> memref<50x128xf32, #tpu.memory_space<hbm>>
    %dma_wait3A_175 = tpu.memref_slice %arg8[%dma_wait3A_163] : memref<8x!tpu.dma_semaphore, #tpu.memory_space<semaphore_mem>> -> memref<1x!tpu.dma_semaphore, #tpu.memory_space<semaphore_mem>>
    %dma_wait3A_176 = tpu.memref_squeeze %dma_wait3A_175 : memref<1x!tpu.dma_semaphore, #tpu.memory_space<semaphore_mem>> -> memref<!tpu.dma_semaphore, #tpu.memory_space<semaphore_mem>>
    %dma_wait3A_177 = arith.constant 0 : i32
    %dma_wait3A_178 = arith.constant 0 : i32
    %dma_wait3A_179 = tpu.memref_slice %arg4[%mul3A_2, %dma_wait3A_177, %dma_wait3A_178] : memref<4096x50x128xf32, #tpu.memory_space<hbm>> -> memref<1x50x128xf32, #tpu.memory_space<hbm>>
    %dma_wait3A_180 = tpu.memref_squeeze %dma_wait3A_179 : memref<1x50x128xf32, #tpu.memory_space<hbm>> -> memref<50x128xf32, #tpu.memory_space<hbm>>
    %dma_wait3A_181 = arith.constant 0 : i32
    %dma_wait3A_182 = arith.constant 0 : i32
    %dma_wait3A_183 = tpu.memref_slice %arg6[%dma_wait3A_162, %dma_wait3A_181, %dma_wait3A_182] : memref<8x100x128xf32, #tpu.memory_space<vmem>> -> memref<1x100x128xf32, #tpu.memory_space<vmem>>
    %dma_wait3A_184 = tpu.memref_squeeze %dma_wait3A_183 : memref<1x100x128xf32, #tpu.memory_space<vmem>> -> memref<100x128xf32, #tpu.memory_space<vmem>>
    %dma_wait3A_185 = arith.constant 0 : i32
    %dma_wait3A_186 = arith.constant 0 : i32
    %dma_wait3A_187 = tpu.memref_slice %dma_wait3A_184[%dma_wait3A_185, %dma_wait3A_186] : memref<100x128xf32, #tpu.memory_space<vmem>> -> memref<50x128xf32, #tpu.memory_space<vmem>>
    tpu.wait_dma2 semaphore(%dma_wait3A_176 : memref<!tpu.dma_semaphore, #tpu.memory_space<semaphore_mem>>) src(%dma_wait3A_187 : memref<50x128xf32, #tpu.memory_space<vmem>>) dst(%dma_wait3A_180 : memref<50x128xf32, #tpu.memory_space<hbm>>)
    %dma_wait3A_188 = arith.constant 1 : i32
    %dma_wait3A_189 = arith.constant 1 : i32
    %dma_wait3A_190 = arith.constant 0 : i32
    %dma_wait3A_191 = arith.constant 0 : i32
    %dma_wait3A_192 = tpu.memref_slice %arg6[%dma_wait3A_188, %dma_wait3A_190, %dma_wait3A_191] : memref<8x100x128xf32, #tpu.memory_space<vmem>> -> memref<1x100x128xf32, #tpu.memory_space<vmem>>
    %dma_wait3A_193 = tpu.memref_squeeze %dma_wait3A_192 : memref<1x100x128xf32, #tpu.memory_space<vmem>> -> memref<100x128xf32, #tpu.memory_space<vmem>>
    %dma_wait3A_194 = arith.constant 50 : i32
    %dma_wait3A_195 = arith.constant 0 : i32
    %dma_wait3A_196 = tpu.memref_slice %dma_wait3A_193[%dma_wait3A_194, %dma_wait3A_195] : memref<100x128xf32, #tpu.memory_space<vmem>> -> memref<50x128xf32, #tpu.memory_space<vmem>>
    %dma_wait3A_197 = arith.constant 0 : i32
    %dma_wait3A_198 = arith.constant 0 : i32
    %dma_wait3A_199 = tpu.memref_slice %arg4[%mul3A_2, %dma_wait3A_197, %dma_wait3A_198] : memref<4096x50x128xf32, #tpu.memory_space<hbm>> -> memref<1x50x128xf32, #tpu.memory_space<hbm>>
    %dma_wait3A_200 = tpu.memref_squeeze %dma_wait3A_199 : memref<1x50x128xf32, #tpu.memory_space<hbm>> -> memref<50x128xf32, #tpu.memory_space<hbm>>
    %dma_wait3A_201 = tpu.memref_slice %arg8[%dma_wait3A_189] : memref<8x!tpu.dma_semaphore, #tpu.memory_space<semaphore_mem>> -> memref<1x!tpu.dma_semaphore, #tpu.memory_space<semaphore_mem>>
    %dma_wait3A_202 = tpu.memref_squeeze %dma_wait3A_201 : memref<1x!tpu.dma_semaphore, #tpu.memory_space<semaphore_mem>> -> memref<!tpu.dma_semaphore, #tpu.memory_space<semaphore_mem>>
    %dma_wait3A_203 = arith.constant 0 : i32
    %dma_wait3A_204 = arith.constant 0 : i32
    %dma_wait3A_205 = tpu.memref_slice %arg4[%mul3A_2, %dma_wait3A_203, %dma_wait3A_204] : memref<4096x50x128xf32, #tpu.memory_space<hbm>> -> memref<1x50x128xf32, #tpu.memory_space<hbm>>
    %dma_wait3A_206 = tpu.memref_squeeze %dma_wait3A_205 : memref<1x50x128xf32, #tpu.memory_space<hbm>> -> memref<50x128xf32, #tpu.memory_space<hbm>>
    %dma_wait3A_207 = arith.constant 0 : i32
    %dma_wait3A_208 = arith.constant 0 : i32
    %dma_wait3A_209 = tpu.memref_slice %arg6[%dma_wait3A_188, %dma_wait3A_207, %dma_wait3A_208] : memref<8x100x128xf32, #tpu.memory_space<vmem>> -> memref<1x100x128xf32, #tpu.memory_space<vmem>>
    %dma_wait3A_210 = tpu.memref_squeeze %dma_wait3A_209 : memref<1x100x128xf32, #tpu.memory_space<vmem>> -> memref<100x128xf32, #tpu.memory_space<vmem>>
    %dma_wait3A_211 = arith.constant 50 : i32
    %dma_wait3A_212 = arith.constant 0 : i32
    %dma_wait3A_213 = tpu.memref_slice %dma_wait3A_210[%dma_wait3A_211, %dma_wait3A_212] : memref<100x128xf32, #tpu.memory_space<vmem>> -> memref<50x128xf32, #tpu.memory_space<vmem>>
    tpu.wait_dma2 semaphore(%dma_wait3A_202 : memref<!tpu.dma_semaphore, #tpu.memory_space<semaphore_mem>>) src(%dma_wait3A_213 : memref<50x128xf32, #tpu.memory_space<vmem>>) dst(%dma_wait3A_206 : memref<50x128xf32, #tpu.memory_space<hbm>>)
    %dma_wait3A_214 = arith.constant 2 : i32
    %dma_wait3A_215 = arith.constant 2 : i32
    %dma_wait3A_216 = arith.constant 0 : i32
    %dma_wait3A_217 = arith.constant 0 : i32
    %dma_wait3A_218 = tpu.memref_slice %arg6[%dma_wait3A_214, %dma_wait3A_216, %dma_wait3A_217] : memref<8x100x128xf32, #tpu.memory_space<vmem>> -> memref<1x100x128xf32, #tpu.memory_space<vmem>>
    %dma_wait3A_219 = tpu.memref_squeeze %dma_wait3A_218 : memref<1x100x128xf32, #tpu.memory_space<vmem>> -> memref<100x128xf32, #tpu.memory_space<vmem>>
    %dma_wait3A_220 = arith.constant 0 : i32
    %dma_wait3A_221 = arith.constant 0 : i32
    %dma_wait3A_222 = tpu.memref_slice %dma_wait3A_219[%dma_wait3A_220, %dma_wait3A_221] : memref<100x128xf32, #tpu.memory_space<vmem>> -> memref<50x128xf32, #tpu.memory_space<vmem>>
    %dma_wait3A_223 = arith.constant 0 : i32
    %dma_wait3A_224 = arith.constant 0 : i32
    %dma_wait3A_225 = tpu.memref_slice %arg4[%mul3A_2, %dma_wait3A_223, %dma_wait3A_224] : memref<4096x50x128xf32, #tpu.memory_space<hbm>> -> memref<1x50x128xf32, #tpu.memory_space<hbm>>
    %dma_wait3A_226 = tpu.memref_squeeze %dma_wait3A_225 : memref<1x50x128xf32, #tpu.memory_space<hbm>> -> memref<50x128xf32, #tpu.memory_space<hbm>>
    %dma_wait3A_227 = tpu.memref_slice %arg8[%dma_wait3A_215] : memref<8x!tpu.dma_semaphore, #tpu.memory_space<semaphore_mem>> -> memref<1x!tpu.dma_semaphore, #tpu.memory_space<semaphore_mem>>
    %dma_wait3A_228 = tpu.memref_squeeze %dma_wait3A_227 : memref<1x!tpu.dma_semaphore, #tpu.memory_space<semaphore_mem>> -> memref<!tpu.dma_semaphore, #tpu.memory_space<semaphore_mem>>
    %dma_wait3A_229 = arith.constant 0 : i32
    %dma_wait3A_230 = arith.constant 0 : i32
    %dma_wait3A_231 = tpu.memref_slice %arg4[%mul3A_2, %dma_wait3A_229, %dma_wait3A_230] : memref<4096x50x128xf32, #tpu.memory_space<hbm>> -> memref<1x50x128xf32, #tpu.memory_space<hbm>>
    %dma_wait3A_232 = tpu.memref_squeeze %dma_wait3A_231 : memref<1x50x128xf32, #tpu.memory_space<hbm>> -> memref<50x128xf32, #tpu.memory_space<hbm>>
    %dma_wait3A_233 = arith.constant 0 : i32
    %dma_wait3A_234 = arith.constant 0 : i32
    %dma_wait3A_235 = tpu.memref_slice %arg6[%dma_wait3A_214, %dma_wait3A_233, %dma_wait3A_234] : memref<8x100x128xf32, #tpu.memory_space<vmem>> -> memref<1x100x128xf32, #tpu.memory_space<vmem>>
    %dma_wait3A_236 = tpu.memref_squeeze %dma_wait3A_235 : memref<1x100x128xf32, #tpu.memory_space<vmem>> -> memref<100x128xf32, #tpu.memory_space<vmem>>
    %dma_wait3A_237 = arith.constant 0 : i32
    %dma_wait3A_238 = arith.constant 0 : i32
    %dma_wait3A_239 = tpu.memref_slice %dma_wait3A_236[%dma_wait3A_237, %dma_wait3A_238] : memref<100x128xf32, #tpu.memory_space<vmem>> -> memref<50x128xf32, #tpu.memory_space<vmem>>
    tpu.wait_dma2 semaphore(%dma_wait3A_228 : memref<!tpu.dma_semaphore, #tpu.memory_space<semaphore_mem>>) src(%dma_wait3A_239 : memref<50x128xf32, #tpu.memory_space<vmem>>) dst(%dma_wait3A_232 : memref<50x128xf32, #tpu.memory_space<hbm>>)
    %dma_wait3A_240 = arith.constant 2 : i32
    %dma_wait3A_241 = arith.constant 2 : i32
    %dma_wait3A_242 = arith.constant 0 : i32
    %dma_wait3A_243 = arith.constant 0 : i32
    %dma_wait3A_244 = tpu.memref_slice %arg6[%dma_wait3A_240, %dma_wait3A_242, %dma_wait3A_243] : memref<8x100x128xf32, #tpu.memory_space<vmem>> -> memref<1x100x128xf32, #tpu.memory_space<vmem>>
    %dma_wait3A_245 = tpu.memref_squeeze %dma_wait3A_244 : memref<1x100x128xf32, #tpu.memory_space<vmem>> -> memref<100x128xf32, #tpu.memory_space<vmem>>
    %dma_wait3A_246 = arith.constant 50 : i32
    %dma_wait3A_247 = arith.constant 0 : i32
    %dma_wait3A_248 = tpu.memref_slice %dma_wait3A_245[%dma_wait3A_246, %dma_wait3A_247] : memref<100x128xf32, #tpu.memory_space<vmem>> -> memref<50x128xf32, #tpu.memory_space<vmem>>
    %dma_wait3A_249 = arith.constant 0 : i32
    %dma_wait3A_250 = arith.constant 0 : i32
    %dma_wait3A_251 = tpu.memref_slice %arg4[%mul3A_2, %dma_wait3A_249, %dma_wait3A_250] : memref<4096x50x128xf32, #tpu.memory_space<hbm>> -> memref<1x50x128xf32, #tpu.memory_space<hbm>>
    %dma_wait3A_252 = tpu.memref_squeeze %dma_wait3A_251 : memref<1x50x128xf32, #tpu.memory_space<hbm>> -> memref<50x128xf32, #tpu.memory_space<hbm>>
    %dma_wait3A_253 = tpu.memref_slice %arg8[%dma_wait3A_241] : memref<8x!tpu.dma_semaphore, #tpu.memory_space<semaphore_mem>> -> memref<1x!tpu.dma_semaphore, #tpu.memory_space<semaphore_mem>>
    %dma_wait3A_254 = tpu.memref_squeeze %dma_wait3A_253 : memref<1x!tpu.dma_semaphore, #tpu.memory_space<semaphore_mem>> -> memref<!tpu.dma_semaphore, #tpu.memory_space<semaphore_mem>>
    %dma_wait3A_255 = arith.constant 0 : i32
    %dma_wait3A_256 = arith.constant 0 : i32
    %dma_wait3A_257 = tpu.memref_slice %arg4[%mul3A_2, %dma_wait3A_255, %dma_wait3A_256] : memref<4096x50x128xf32, #tpu.memory_space<hbm>> -> memref<1x50x128xf32, #tpu.memory_space<hbm>>
    %dma_wait3A_258 = tpu.memref_squeeze %dma_wait3A_257 : memref<1x50x128xf32, #tpu.memory_space<hbm>> -> memref<50x128xf32, #tpu.memory_space<hbm>>
    %dma_wait3A_259 = arith.constant 0 : i32
    %dma_wait3A_260 = arith.constant 0 : i32
    %dma_wait3A_261 = tpu.memref_slice %arg6[%dma_wait3A_240, %dma_wait3A_259, %dma_wait3A_260] : memref<8x100x128xf32, #tpu.memory_space<vmem>> -> memref<1x100x128xf32, #tpu.memory_space<vmem>>
    %dma_wait3A_262 = tpu.memref_squeeze %dma_wait3A_261 : memref<1x100x128xf32, #tpu.memory_space<vmem>> -> memref<100x128xf32, #tpu.memory_space<vmem>>
    %dma_wait3A_263 = arith.constant 50 : i32
    %dma_wait3A_264 = arith.constant 0 : i32
    %dma_wait3A_265 = tpu.memref_slice %dma_wait3A_262[%dma_wait3A_263, %dma_wait3A_264] : memref<100x128xf32, #tpu.memory_space<vmem>> -> memref<50x128xf32, #tpu.memory_space<vmem>>
    tpu.wait_dma2 semaphore(%dma_wait3A_254 : memref<!tpu.dma_semaphore, #tpu.memory_space<semaphore_mem>>) src(%dma_wait3A_265 : memref<50x128xf32, #tpu.memory_space<vmem>>) dst(%dma_wait3A_258 : memref<50x128xf32, #tpu.memory_space<hbm>>)
    %dma_wait3A_266 = arith.constant 3 : i32
    %dma_wait3A_267 = arith.constant 3 : i32
    %dma_wait3A_268 = arith.constant 0 : i32
    %dma_wait3A_269 = arith.constant 0 : i32
    %dma_wait3A_270 = tpu.memref_slice %arg6[%dma_wait3A_266, %dma_wait3A_268, %dma_wait3A_269] : memref<8x100x128xf32, #tpu.memory_space<vmem>> -> memref<1x100x128xf32, #tpu.memory_space<vmem>>
    %dma_wait3A_271 = tpu.memref_squeeze %dma_wait3A_270 : memref<1x100x128xf32, #tpu.memory_space<vmem>> -> memref<100x128xf32, #tpu.memory_space<vmem>>
    %dma_wait3A_272 = arith.constant 0 : i32
    %dma_wait3A_273 = arith.constant 0 : i32
    %dma_wait3A_274 = tpu.memref_slice %dma_wait3A_271[%dma_wait3A_272, %dma_wait3A_273] : memref<100x128xf32, #tpu.memory_space<vmem>> -> memref<50x128xf32, #tpu.memory_space<vmem>>
    %dma_wait3A_275 = arith.constant 0 : i32
    %dma_wait3A_276 = arith.constant 0 : i32
    %dma_wait3A_277 = tpu.memref_slice %arg4[%mul3A_2, %dma_wait3A_275, %dma_wait3A_276] : memref<4096x50x128xf32, #tpu.memory_space<hbm>> -> memref<1x50x128xf32, #tpu.memory_space<hbm>>
    %dma_wait3A_278 = tpu.memref_squeeze %dma_wait3A_277 : memref<1x50x128xf32, #tpu.memory_space<hbm>> -> memref<50x128xf32, #tpu.memory_space<hbm>>
    %dma_wait3A_279 = tpu.memref_slice %arg8[%dma_wait3A_267] : memref<8x!tpu.dma_semaphore, #tpu.memory_space<semaphore_mem>> -> memref<1x!tpu.dma_semaphore, #tpu.memory_space<semaphore_mem>>
    %dma_wait3A_280 = tpu.memref_squeeze %dma_wait3A_279 : memref<1x!tpu.dma_semaphore, #tpu.memory_space<semaphore_mem>> -> memref<!tpu.dma_semaphore, #tpu.memory_space<semaphore_mem>>
    %dma_wait3A_281 = arith.constant 0 : i32
    %dma_wait3A_282 = arith.constant 0 : i32
    %dma_wait3A_283 = tpu.memref_slice %arg4[%mul3A_2, %dma_wait3A_281, %dma_wait3A_282] : memref<4096x50x128xf32, #tpu.memory_space<hbm>> -> memref<1x50x128xf32, #tpu.memory_space<hbm>>
    %dma_wait3A_284 = tpu.memref_squeeze %dma_wait3A_283 : memref<1x50x128xf32, #tpu.memory_space<hbm>> -> memref<50x128xf32, #tpu.memory_space<hbm>>
    %dma_wait3A_285 = arith.constant 0 : i32
    %dma_wait3A_286 = arith.constant 0 : i32
    %dma_wait3A_287 = tpu.memref_slice %arg6[%dma_wait3A_266, %dma_wait3A_285, %dma_wait3A_286] : memref<8x100x128xf32, #tpu.memory_space<vmem>> -> memref<1x100x128xf32, #tpu.memory_space<vmem>>
    %dma_wait3A_288 = tpu.memref_squeeze %dma_wait3A_287 : memref<1x100x128xf32, #tpu.memory_space<vmem>> -> memref<100x128xf32, #tpu.memory_space<vmem>>
    %dma_wait3A_289 = arith.constant 0 : i32
    %dma_wait3A_290 = arith.constant 0 : i32
    %dma_wait3A_291 = tpu.memref_slice %dma_wait3A_288[%dma_wait3A_289, %dma_wait3A_290] : memref<100x128xf32, #tpu.memory_space<vmem>> -> memref<50x128xf32, #tpu.memory_space<vmem>>
    tpu.wait_dma2 semaphore(%dma_wait3A_280 : memref<!tpu.dma_semaphore, #tpu.memory_space<semaphore_mem>>) src(%dma_wait3A_291 : memref<50x128xf32, #tpu.memory_space<vmem>>) dst(%dma_wait3A_284 : memref<50x128xf32, #tpu.memory_space<hbm>>)
    %dma_wait3A_292 = arith.constant 3 : i32
    %dma_wait3A_293 = arith.constant 3 : i32
    %dma_wait3A_294 = arith.constant 0 : i32
    %dma_wait3A_295 = arith.constant 0 : i32
    %dma_wait3A_296 = tpu.memref_slice %arg6[%dma_wait3A_292, %dma_wait3A_294, %dma_wait3A_295] : memref<8x100x128xf32, #tpu.memory_space<vmem>> -> memref<1x100x128xf32, #tpu.memory_space<vmem>>
    %dma_wait3A_297 = tpu.memref_squeeze %dma_wait3A_296 : memref<1x100x128xf32, #tpu.memory_space<vmem>> -> memref<100x128xf32, #tpu.memory_space<vmem>>
    %dma_wait3A_298 = arith.constant 50 : i32
    %dma_wait3A_299 = arith.constant 0 : i32
    %dma_wait3A_300 = tpu.memref_slice %dma_wait3A_297[%dma_wait3A_298, %dma_wait3A_299] : memref<100x128xf32, #tpu.memory_space<vmem>> -> memref<50x128xf32, #tpu.memory_space<vmem>>
    %dma_wait3A_301 = arith.constant 0 : i32
    %dma_wait3A_302 = arith.constant 0 : i32
    %dma_wait3A_303 = tpu.memref_slice %arg4[%mul3A_2, %dma_wait3A_301, %dma_wait3A_302] : memref<4096x50x128xf32, #tpu.memory_space<hbm>> -> memref<1x50x128xf32, #tpu.memory_space<hbm>>
    %dma_wait3A_304 = tpu.memref_squeeze %dma_wait3A_303 : memref<1x50x128xf32, #tpu.memory_space<hbm>> -> memref<50x128xf32, #tpu.memory_space<hbm>>
    %dma_wait3A_305 = tpu.memref_slice %arg8[%dma_wait3A_293] : memref<8x!tpu.dma_semaphore, #tpu.memory_space<semaphore_mem>> -> memref<1x!tpu.dma_semaphore, #tpu.memory_space<semaphore_mem>>
    %dma_wait3A_306 = tpu.memref_squeeze %dma_wait3A_305 : memref<1x!tpu.dma_semaphore, #tpu.memory_space<semaphore_mem>> -> memref<!tpu.dma_semaphore, #tpu.memory_space<semaphore_mem>>
    %dma_wait3A_307 = arith.constant 0 : i32
    %dma_wait3A_308 = arith.constant 0 : i32
    %dma_wait3A_309 = tpu.memref_slice %arg4[%mul3A_2, %dma_wait3A_307, %dma_wait3A_308] : memref<4096x50x128xf32, #tpu.memory_space<hbm>> -> memref<1x50x128xf32, #tpu.memory_space<hbm>>
    %dma_wait3A_310 = tpu.memref_squeeze %dma_wait3A_309 : memref<1x50x128xf32, #tpu.memory_space<hbm>> -> memref<50x128xf32, #tpu.memory_space<hbm>>
    %dma_wait3A_311 = arith.constant 0 : i32
    %dma_wait3A_312 = arith.constant 0 : i32
    %dma_wait3A_313 = tpu.memref_slice %arg6[%dma_wait3A_292, %dma_wait3A_311, %dma_wait3A_312] : memref<8x100x128xf32, #tpu.memory_space<vmem>> -> memref<1x100x128xf32, #tpu.memory_space<vmem>>
    %dma_wait3A_314 = tpu.memref_squeeze %dma_wait3A_313 : memref<1x100x128xf32, #tpu.memory_space<vmem>> -> memref<100x128xf32, #tpu.memory_space<vmem>>
    %dma_wait3A_315 = arith.constant 50 : i32
    %dma_wait3A_316 = arith.constant 0 : i32
    %dma_wait3A_317 = tpu.memref_slice %dma_wait3A_314[%dma_wait3A_315, %dma_wait3A_316] : memref<100x128xf32, #tpu.memory_space<vmem>> -> memref<50x128xf32, #tpu.memory_space<vmem>>
    tpu.wait_dma2 semaphore(%dma_wait3A_306 : memref<!tpu.dma_semaphore, #tpu.memory_space<semaphore_mem>>) src(%dma_wait3A_317 : memref<50x128xf32, #tpu.memory_space<vmem>>) dst(%dma_wait3A_310 : memref<50x128xf32, #tpu.memory_space<hbm>>)
    %dma_wait3A_318 = arith.constant 4 : i32
    %dma_wait3A_319 = arith.constant 4 : i32
    %dma_wait3A_320 = arith.constant 0 : i32
    %dma_wait3A_321 = arith.constant 0 : i32
    %dma_wait3A_322 = tpu.memref_slice %arg6[%dma_wait3A_318, %dma_wait3A_320, %dma_wait3A_321] : memref<8x100x128xf32, #tpu.memory_space<vmem>> -> memref<1x100x128xf32, #tpu.memory_space<vmem>>
    %dma_wait3A_323 = tpu.memref_squeeze %dma_wait3A_322 : memref<1x100x128xf32, #tpu.memory_space<vmem>> -> memref<100x128xf32, #tpu.memory_space<vmem>>
    %dma_wait3A_324 = arith.constant 0 : i32
    %dma_wait3A_325 = arith.constant 0 : i32
    %dma_wait3A_326 = tpu.memref_slice %dma_wait3A_323[%dma_wait3A_324, %dma_wait3A_325] : memref<100x128xf32, #tpu.memory_space<vmem>> -> memref<50x128xf32, #tpu.memory_space<vmem>>
    %dma_wait3A_327 = arith.constant 0 : i32
    %dma_wait3A_328 = arith.constant 0 : i32
    %dma_wait3A_329 = tpu.memref_slice %arg4[%mul3A_2, %dma_wait3A_327, %dma_wait3A_328] : memref<4096x50x128xf32, #tpu.memory_space<hbm>> -> memref<1x50x128xf32, #tpu.memory_space<hbm>>
    %dma_wait3A_330 = tpu.memref_squeeze %dma_wait3A_329 : memref<1x50x128xf32, #tpu.memory_space<hbm>> -> memref<50x128xf32, #tpu.memory_space<hbm>>
    %dma_wait3A_331 = tpu.memref_slice %arg8[%dma_wait3A_319] : memref<8x!tpu.dma_semaphore, #tpu.memory_space<semaphore_mem>> -> memref<1x!tpu.dma_semaphore, #tpu.memory_space<semaphore_mem>>
    %dma_wait3A_332 = tpu.memref_squeeze %dma_wait3A_331 : memref<1x!tpu.dma_semaphore, #tpu.memory_space<semaphore_mem>> -> memref<!tpu.dma_semaphore, #tpu.memory_space<semaphore_mem>>
    %dma_wait3A_333 = arith.constant 0 : i32
    %dma_wait3A_334 = arith.constant 0 : i32
    %dma_wait3A_335 = tpu.memref_slice %arg4[%mul3A_2, %dma_wait3A_333, %dma_wait3A_334] : memref<4096x50x128xf32, #tpu.memory_space<hbm>> -> memref<1x50x128xf32, #tpu.memory_space<hbm>>
    %dma_wait3A_336 = tpu.memref_squeeze %dma_wait3A_335 : memref<1x50x128xf32, #tpu.memory_space<hbm>> -> memref<50x128xf32, #tpu.memory_space<hbm>>
    %dma_wait3A_337 = arith.constant 0 : i32
    %dma_wait3A_338 = arith.constant 0 : i32
    %dma_wait3A_339 = tpu.memref_slice %arg6[%dma_wait3A_318, %dma_wait3A_337, %dma_wait3A_338] : memref<8x100x128xf32, #tpu.memory_space<vmem>> -> memref<1x100x128xf32, #tpu.memory_space<vmem>>
    %dma_wait3A_340 = tpu.memref_squeeze %dma_wait3A_339 : memref<1x100x128xf32, #tpu.memory_space<vmem>> -> memref<100x128xf32, #tpu.memory_space<vmem>>
    %dma_wait3A_341 = arith.constant 0 : i32
    %dma_wait3A_342 = arith.constant 0 : i32
    %dma_wait3A_343 = tpu.memref_slice %dma_wait3A_340[%dma_wait3A_341, %dma_wait3A_342] : memref<100x128xf32, #tpu.memory_space<vmem>> -> memref<50x128xf32, #tpu.memory_space<vmem>>
    tpu.wait_dma2 semaphore(%dma_wait3A_332 : memref<!tpu.dma_semaphore, #tpu.memory_space<semaphore_mem>>) src(%dma_wait3A_343 : memref<50x128xf32, #tpu.memory_space<vmem>>) dst(%dma_wait3A_336 : memref<50x128xf32, #tpu.memory_space<hbm>>)
    %dma_wait3A_344 = arith.constant 4 : i32
    %dma_wait3A_345 = arith.constant 4 : i32
    %dma_wait3A_346 = arith.constant 0 : i32
    %dma_wait3A_347 = arith.constant 0 : i32
    %dma_wait3A_348 = tpu.memref_slice %arg6[%dma_wait3A_344, %dma_wait3A_346, %dma_wait3A_347] : memref<8x100x128xf32, #tpu.memory_space<vmem>> -> memref<1x100x128xf32, #tpu.memory_space<vmem>>
    %dma_wait3A_349 = tpu.memref_squeeze %dma_wait3A_348 : memref<1x100x128xf32, #tpu.memory_space<vmem>> -> memref<100x128xf32, #tpu.memory_space<vmem>>
    %dma_wait3A_350 = arith.constant 50 : i32
    %dma_wait3A_351 = arith.constant 0 : i32
    %dma_wait3A_352 = tpu.memref_slice %dma_wait3A_349[%dma_wait3A_350, %dma_wait3A_351] : memref<100x128xf32, #tpu.memory_space<vmem>> -> memref<50x128xf32, #tpu.memory_space<vmem>>
    %dma_wait3A_353 = arith.constant 0 : i32
    %dma_wait3A_354 = arith.constant 0 : i32
    %dma_wait3A_355 = tpu.memref_slice %arg4[%mul3A_2, %dma_wait3A_353, %dma_wait3A_354] : memref<4096x50x128xf32, #tpu.memory_space<hbm>> -> memref<1x50x128xf32, #tpu.memory_space<hbm>>
    %dma_wait3A_356 = tpu.memref_squeeze %dma_wait3A_355 : memref<1x50x128xf32, #tpu.memory_space<hbm>> -> memref<50x128xf32, #tpu.memory_space<hbm>>
    %dma_wait3A_357 = tpu.memref_slice %arg8[%dma_wait3A_345] : memref<8x!tpu.dma_semaphore, #tpu.memory_space<semaphore_mem>> -> memref<1x!tpu.dma_semaphore, #tpu.memory_space<semaphore_mem>>
    %dma_wait3A_358 = tpu.memref_squeeze %dma_wait3A_357 : memref<1x!tpu.dma_semaphore, #tpu.memory_space<semaphore_mem>> -> memref<!tpu.dma_semaphore, #tpu.memory_space<semaphore_mem>>
    %dma_wait3A_359 = arith.constant 0 : i32
    %dma_wait3A_360 = arith.constant 0 : i32
    %dma_wait3A_361 = tpu.memref_slice %arg4[%mul3A_2, %dma_wait3A_359, %dma_wait3A_360] : memref<4096x50x128xf32, #tpu.memory_space<hbm>> -> memref<1x50x128xf32, #tpu.memory_space<hbm>>
    %dma_wait3A_362 = tpu.memref_squeeze %dma_wait3A_361 : memref<1x50x128xf32, #tpu.memory_space<hbm>> -> memref<50x128xf32, #tpu.memory_space<hbm>>
    %dma_wait3A_363 = arith.constant 0 : i32
    %dma_wait3A_364 = arith.constant 0 : i32
    %dma_wait3A_365 = tpu.memref_slice %arg6[%dma_wait3A_344, %dma_wait3A_363, %dma_wait3A_364] : memref<8x100x128xf32, #tpu.memory_space<vmem>> -> memref<1x100x128xf32, #tpu.memory_space<vmem>>
    %dma_wait3A_366 = tpu.memref_squeeze %dma_wait3A_365 : memref<1x100x128xf32, #tpu.memory_space<vmem>> -> memref<100x128xf32, #tpu.memory_space<vmem>>
    %dma_wait3A_367 = arith.constant 50 : i32
    %dma_wait3A_368 = arith.constant 0 : i32
    %dma_wait3A_369 = tpu.memref_slice %dma_wait3A_366[%dma_wait3A_367, %dma_wait3A_368] : memref<100x128xf32, #tpu.memory_space<vmem>> -> memref<50x128xf32, #tpu.memory_space<vmem>>
    tpu.wait_dma2 semaphore(%dma_wait3A_358 : memref<!tpu.dma_semaphore, #tpu.memory_space<semaphore_mem>>) src(%dma_wait3A_369 : memref<50x128xf32, #tpu.memory_space<vmem>>) dst(%dma_wait3A_362 : memref<50x128xf32, #tpu.memory_space<hbm>>)
    %dma_wait3A_370 = arith.constant 5 : i32
    %dma_wait3A_371 = arith.constant 5 : i32
    %dma_wait3A_372 = arith.constant 0 : i32
    %dma_wait3A_373 = arith.constant 0 : i32
    %dma_wait3A_374 = tpu.memref_slice %arg6[%dma_wait3A_370, %dma_wait3A_372, %dma_wait3A_373] : memref<8x100x128xf32, #tpu.memory_space<vmem>> -> memref<1x100x128xf32, #tpu.memory_space<vmem>>
    %dma_wait3A_375 = tpu.memref_squeeze %dma_wait3A_374 : memref<1x100x128xf32, #tpu.memory_space<vmem>> -> memref<100x128xf32, #tpu.memory_space<vmem>>
    %dma_wait3A_376 = arith.constant 0 : i32
    %dma_wait3A_377 = arith.constant 0 : i32
    %dma_wait3A_378 = tpu.memref_slice %dma_wait3A_375[%dma_wait3A_376, %dma_wait3A_377] : memref<100x128xf32, #tpu.memory_space<vmem>> -> memref<50x128xf32, #tpu.memory_space<vmem>>
    %dma_wait3A_379 = arith.constant 0 : i32
    %dma_wait3A_380 = arith.constant 0 : i32
    %dma_wait3A_381 = tpu.memref_slice %arg4[%mul3A_2, %dma_wait3A_379, %dma_wait3A_380] : memref<4096x50x128xf32, #tpu.memory_space<hbm>> -> memref<1x50x128xf32, #tpu.memory_space<hbm>>
    %dma_wait3A_382 = tpu.memref_squeeze %dma_wait3A_381 : memref<1x50x128xf32, #tpu.memory_space<hbm>> -> memref<50x128xf32, #tpu.memory_space<hbm>>
    %dma_wait3A_383 = tpu.memref_slice %arg8[%dma_wait3A_371] : memref<8x!tpu.dma_semaphore, #tpu.memory_space<semaphore_mem>> -> memref<1x!tpu.dma_semaphore, #tpu.memory_space<semaphore_mem>>
    %dma_wait3A_384 = tpu.memref_squeeze %dma_wait3A_383 : memref<1x!tpu.dma_semaphore, #tpu.memory_space<semaphore_mem>> -> memref<!tpu.dma_semaphore, #tpu.memory_space<semaphore_mem>>
    %dma_wait3A_385 = arith.constant 0 : i32
    %dma_wait3A_386 = arith.constant 0 : i32
    %dma_wait3A_387 = tpu.memref_slice %arg4[%mul3A_2, %dma_wait3A_385, %dma_wait3A_386] : memref<4096x50x128xf32, #tpu.memory_space<hbm>> -> memref<1x50x128xf32, #tpu.memory_space<hbm>>
    %dma_wait3A_388 = tpu.memref_squeeze %dma_wait3A_387 : memref<1x50x128xf32, #tpu.memory_space<hbm>> -> memref<50x128xf32, #tpu.memory_space<hbm>>
    %dma_wait3A_389 = arith.constant 0 : i32
    %dma_wait3A_390 = arith.constant 0 : i32
    %dma_wait3A_391 = tpu.memref_slice %arg6[%dma_wait3A_370, %dma_wait3A_389, %dma_wait3A_390] : memref<8x100x128xf32, #tpu.memory_space<vmem>> -> memref<1x100x128xf32, #tpu.memory_space<vmem>>
    %dma_wait3A_392 = tpu.memref_squeeze %dma_wait3A_391 : memref<1x100x128xf32, #tpu.memory_space<vmem>> -> memref<100x128xf32, #tpu.memory_space<vmem>>
    %dma_wait3A_393 = arith.constant 0 : i32
    %dma_wait3A_394 = arith.constant 0 : i32
    %dma_wait3A_395 = tpu.memref_slice %dma_wait3A_392[%dma_wait3A_393, %dma_wait3A_394] : memref<100x128xf32, #tpu.memory_space<vmem>> -> memref<50x128xf32, #tpu.memory_space<vmem>>
    tpu.wait_dma2 semaphore(%dma_wait3A_384 : memref<!tpu.dma_semaphore, #tpu.memory_space<semaphore_mem>>) src(%dma_wait3A_395 : memref<50x128xf32, #tpu.memory_space<vmem>>) dst(%dma_wait3A_388 : memref<50x128xf32, #tpu.memory_space<hbm>>)
    %dma_wait3A_396 = arith.constant 5 : i32
    %dma_wait3A_397 = arith.constant 5 : i32
    %dma_wait3A_398 = arith.constant 0 : i32
    %dma_wait3A_399 = arith.constant 0 : i32
    %dma_wait3A_400 = tpu.memref_slice %arg6[%dma_wait3A_396, %dma_wait3A_398, %dma_wait3A_399] : memref<8x100x128xf32, #tpu.memory_space<vmem>> -> memref<1x100x128xf32, #tpu.memory_space<vmem>>
    %dma_wait3A_401 = tpu.memref_squeeze %dma_wait3A_400 : memref<1x100x128xf32, #tpu.memory_space<vmem>> -> memref<100x128xf32, #tpu.memory_space<vmem>>
    %dma_wait3A_402 = arith.constant 50 : i32
    %dma_wait3A_403 = arith.constant 0 : i32
    %dma_wait3A_404 = tpu.memref_slice %dma_wait3A_401[%dma_wait3A_402, %dma_wait3A_403] : memref<100x128xf32, #tpu.memory_space<vmem>> -> memref<50x128xf32, #tpu.memory_space<vmem>>
    %dma_wait3A_405 = arith.constant 0 : i32
    %dma_wait3A_406 = arith.constant 0 : i32
    %dma_wait3A_407 = tpu.memref_slice %arg4[%mul3A_2, %dma_wait3A_405, %dma_wait3A_406] : memref<4096x50x128xf32, #tpu.memory_space<hbm>> -> memref<1x50x128xf32, #tpu.memory_space<hbm>>
    %dma_wait3A_408 = tpu.memref_squeeze %dma_wait3A_407 : memref<1x50x128xf32, #tpu.memory_space<hbm>> -> memref<50x128xf32, #tpu.memory_space<hbm>>
    %dma_wait3A_409 = tpu.memref_slice %arg8[%dma_wait3A_397] : memref<8x!tpu.dma_semaphore, #tpu.memory_space<semaphore_mem>> -> memref<1x!tpu.dma_semaphore, #tpu.memory_space<semaphore_mem>>
    %dma_wait3A_410 = tpu.memref_squeeze %dma_wait3A_409 : memref<1x!tpu.dma_semaphore, #tpu.memory_space<semaphore_mem>> -> memref<!tpu.dma_semaphore, #tpu.memory_space<semaphore_mem>>
    %dma_wait3A_411 = arith.constant 0 : i32
    %dma_wait3A_412 = arith.constant 0 : i32
    %dma_wait3A_413 = tpu.memref_slice %arg4[%mul3A_2, %dma_wait3A_411, %dma_wait3A_412] : memref<4096x50x128xf32, #tpu.memory_space<hbm>> -> memref<1x50x128xf32, #tpu.memory_space<hbm>>
    %dma_wait3A_414 = tpu.memref_squeeze %dma_wait3A_413 : memref<1x50x128xf32, #tpu.memory_space<hbm>> -> memref<50x128xf32, #tpu.memory_space<hbm>>
    %dma_wait3A_415 = arith.constant 0 : i32
    %dma_wait3A_416 = arith.constant 0 : i32
    %dma_wait3A_417 = tpu.memref_slice %arg6[%dma_wait3A_396, %dma_wait3A_415, %dma_wait3A_416] : memref<8x100x128xf32, #tpu.memory_space<vmem>> -> memref<1x100x128xf32, #tpu.memory_space<vmem>>
    %dma_wait3A_418 = tpu.memref_squeeze %dma_wait3A_417 : memref<1x100x128xf32, #tpu.memory_space<vmem>> -> memref<100x128xf32, #tpu.memory_space<vmem>>
    %dma_wait3A_419 = arith.constant 50 : i32
    %dma_wait3A_420 = arith.constant 0 : i32
    %dma_wait3A_421 = tpu.memref_slice %dma_wait3A_418[%dma_wait3A_419, %dma_wait3A_420] : memref<100x128xf32, #tpu.memory_space<vmem>> -> memref<50x128xf32, #tpu.memory_space<vmem>>
    tpu.wait_dma2 semaphore(%dma_wait3A_410 : memref<!tpu.dma_semaphore, #tpu.memory_space<semaphore_mem>>) src(%dma_wait3A_421 : memref<50x128xf32, #tpu.memory_space<vmem>>) dst(%dma_wait3A_414 : memref<50x128xf32, #tpu.memory_space<hbm>>)
    %dma_wait3A_422 = arith.constant 6 : i32
    %dma_wait3A_423 = arith.constant 6 : i32
    %dma_wait3A_424 = arith.constant 0 : i32
    %dma_wait3A_425 = arith.constant 0 : i32
    %dma_wait3A_426 = tpu.memref_slice %arg6[%dma_wait3A_422, %dma_wait3A_424, %dma_wait3A_425] : memref<8x100x128xf32, #tpu.memory_space<vmem>> -> memref<1x100x128xf32, #tpu.memory_space<vmem>>
    %dma_wait3A_427 = tpu.memref_squeeze %dma_wait3A_426 : memref<1x100x128xf32, #tpu.memory_space<vmem>> -> memref<100x128xf32, #tpu.memory_space<vmem>>
    %dma_wait3A_428 = arith.constant 0 : i32
    %dma_wait3A_429 = arith.constant 0 : i32
    %dma_wait3A_430 = tpu.memref_slice %dma_wait3A_427[%dma_wait3A_428, %dma_wait3A_429] : memref<100x128xf32, #tpu.memory_space<vmem>> -> memref<50x128xf32, #tpu.memory_space<vmem>>
    %dma_wait3A_431 = arith.constant 0 : i32
    %dma_wait3A_432 = arith.constant 0 : i32
    %dma_wait3A_433 = tpu.memref_slice %arg4[%mul3A_2, %dma_wait3A_431, %dma_wait3A_432] : memref<4096x50x128xf32, #tpu.memory_space<hbm>> -> memref<1x50x128xf32, #tpu.memory_space<hbm>>
    %dma_wait3A_434 = tpu.memref_squeeze %dma_wait3A_433 : memref<1x50x128xf32, #tpu.memory_space<hbm>> -> memref<50x128xf32, #tpu.memory_space<hbm>>
    %dma_wait3A_435 = tpu.memref_slice %arg8[%dma_wait3A_423] : memref<8x!tpu.dma_semaphore, #tpu.memory_space<semaphore_mem>> -> memref<1x!tpu.dma_semaphore, #tpu.memory_space<semaphore_mem>>
    %dma_wait3A_436 = tpu.memref_squeeze %dma_wait3A_435 : memref<1x!tpu.dma_semaphore, #tpu.memory_space<semaphore_mem>> -> memref<!tpu.dma_semaphore, #tpu.memory_space<semaphore_mem>>
    %dma_wait3A_437 = arith.constant 0 : i32
    %dma_wait3A_438 = arith.constant 0 : i32
    %dma_wait3A_439 = tpu.memref_slice %arg4[%mul3A_2, %dma_wait3A_437, %dma_wait3A_438] : memref<4096x50x128xf32, #tpu.memory_space<hbm>> -> memref<1x50x128xf32, #tpu.memory_space<hbm>>
    %dma_wait3A_440 = tpu.memref_squeeze %dma_wait3A_439 : memref<1x50x128xf32, #tpu.memory_space<hbm>> -> memref<50x128xf32, #tpu.memory_space<hbm>>
    %dma_wait3A_441 = arith.constant 0 : i32
    %dma_wait3A_442 = arith.constant 0 : i32
    %dma_wait3A_443 = tpu.memref_slice %arg6[%dma_wait3A_422, %dma_wait3A_441, %dma_wait3A_442] : memref<8x100x128xf32, #tpu.memory_space<vmem>> -> memref<1x100x128xf32, #tpu.memory_space<vmem>>
    %dma_wait3A_444 = tpu.memref_squeeze %dma_wait3A_443 : memref<1x100x128xf32, #tpu.memory_space<vmem>> -> memref<100x128xf32, #tpu.memory_space<vmem>>
    %dma_wait3A_445 = arith.constant 0 : i32
    %dma_wait3A_446 = arith.constant 0 : i32
    %dma_wait3A_447 = tpu.memref_slice %dma_wait3A_444[%dma_wait3A_445, %dma_wait3A_446] : memref<100x128xf32, #tpu.memory_space<vmem>> -> memref<50x128xf32, #tpu.memory_space<vmem>>
    tpu.wait_dma2 semaphore(%dma_wait3A_436 : memref<!tpu.dma_semaphore, #tpu.memory_space<semaphore_mem>>) src(%dma_wait3A_447 : memref<50x128xf32, #tpu.memory_space<vmem>>) dst(%dma_wait3A_440 : memref<50x128xf32, #tpu.memory_space<hbm>>)
    %dma_wait3A_448 = arith.constant 6 : i32
    %dma_wait3A_449 = arith.constant 6 : i32
    %dma_wait3A_450 = arith.constant 0 : i32
    %dma_wait3A_451 = arith.constant 0 : i32
    %dma_wait3A_452 = tpu.memref_slice %arg6[%dma_wait3A_448, %dma_wait3A_450, %dma_wait3A_451] : memref<8x100x128xf32, #tpu.memory_space<vmem>> -> memref<1x100x128xf32, #tpu.memory_space<vmem>>
    %dma_wait3A_453 = tpu.memref_squeeze %dma_wait3A_452 : memref<1x100x128xf32, #tpu.memory_space<vmem>> -> memref<100x128xf32, #tpu.memory_space<vmem>>
    %dma_wait3A_454 = arith.constant 50 : i32
    %dma_wait3A_455 = arith.constant 0 : i32
    %dma_wait3A_456 = tpu.memref_slice %dma_wait3A_453[%dma_wait3A_454, %dma_wait3A_455] : memref<100x128xf32, #tpu.memory_space<vmem>> -> memref<50x128xf32, #tpu.memory_space<vmem>>
    %dma_wait3A_457 = arith.constant 0 : i32
    %dma_wait3A_458 = arith.constant 0 : i32
    %dma_wait3A_459 = tpu.memref_slice %arg4[%mul3A_2, %dma_wait3A_457, %dma_wait3A_458] : memref<4096x50x128xf32, #tpu.memory_space<hbm>> -> memref<1x50x128xf32, #tpu.memory_space<hbm>>
    %dma_wait3A_460 = tpu.memref_squeeze %dma_wait3A_459 : memref<1x50x128xf32, #tpu.memory_space<hbm>> -> memref<50x128xf32, #tpu.memory_space<hbm>>
    %dma_wait3A_461 = tpu.memref_slice %arg8[%dma_wait3A_449] : memref<8x!tpu.dma_semaphore, #tpu.memory_space<semaphore_mem>> -> memref<1x!tpu.dma_semaphore, #tpu.memory_space<semaphore_mem>>
    %dma_wait3A_462 = tpu.memref_squeeze %dma_wait3A_461 : memref<1x!tpu.dma_semaphore, #tpu.memory_space<semaphore_mem>> -> memref<!tpu.dma_semaphore, #tpu.memory_space<semaphore_mem>>
    %dma_wait3A_463 = arith.constant 0 : i32
    %dma_wait3A_464 = arith.constant 0 : i32
    %dma_wait3A_465 = tpu.memref_slice %arg4[%mul3A_2, %dma_wait3A_463, %dma_wait3A_464] : memref<4096x50x128xf32, #tpu.memory_space<hbm>> -> memref<1x50x128xf32, #tpu.memory_space<hbm>>
    %dma_wait3A_466 = tpu.memref_squeeze %dma_wait3A_465 : memref<1x50x128xf32, #tpu.memory_space<hbm>> -> memref<50x128xf32, #tpu.memory_space<hbm>>
    %dma_wait3A_467 = arith.constant 0 : i32
    %dma_wait3A_468 = arith.constant 0 : i32
    %dma_wait3A_469 = tpu.memref_slice %arg6[%dma_wait3A_448, %dma_wait3A_467, %dma_wait3A_468] : memref<8x100x128xf32, #tpu.memory_space<vmem>> -> memref<1x100x128xf32, #tpu.memory_space<vmem>>
    %dma_wait3A_470 = tpu.memref_squeeze %dma_wait3A_469 : memref<1x100x128xf32, #tpu.memory_space<vmem>> -> memref<100x128xf32, #tpu.memory_space<vmem>>
    %dma_wait3A_471 = arith.constant 50 : i32
    %dma_wait3A_472 = arith.constant 0 : i32
    %dma_wait3A_473 = tpu.memref_slice %dma_wait3A_470[%dma_wait3A_471, %dma_wait3A_472] : memref<100x128xf32, #tpu.memory_space<vmem>> -> memref<50x128xf32, #tpu.memory_space<vmem>>
    tpu.wait_dma2 semaphore(%dma_wait3A_462 : memref<!tpu.dma_semaphore, #tpu.memory_space<semaphore_mem>>) src(%dma_wait3A_473 : memref<50x128xf32, #tpu.memory_space<vmem>>) dst(%dma_wait3A_466 : memref<50x128xf32, #tpu.memory_space<hbm>>)
    %dma_wait3A_474 = arith.constant 7 : i32
    %dma_wait3A_475 = arith.constant 7 : i32
    %dma_wait3A_476 = arith.constant 0 : i32
    %dma_wait3A_477 = arith.constant 0 : i32
    %dma_wait3A_478 = tpu.memref_slice %arg6[%dma_wait3A_474, %dma_wait3A_476, %dma_wait3A_477] : memref<8x100x128xf32, #tpu.memory_space<vmem>> -> memref<1x100x128xf32, #tpu.memory_space<vmem>>
    %dma_wait3A_479 = tpu.memref_squeeze %dma_wait3A_478 : memref<1x100x128xf32, #tpu.memory_space<vmem>> -> memref<100x128xf32, #tpu.memory_space<vmem>>
    %dma_wait3A_480 = arith.constant 0 : i32
    %dma_wait3A_481 = arith.constant 0 : i32
    %dma_wait3A_482 = tpu.memref_slice %dma_wait3A_479[%dma_wait3A_480, %dma_wait3A_481] : memref<100x128xf32, #tpu.memory_space<vmem>> -> memref<50x128xf32, #tpu.memory_space<vmem>>
    %dma_wait3A_483 = arith.constant 0 : i32
    %dma_wait3A_484 = arith.constant 0 : i32
    %dma_wait3A_485 = tpu.memref_slice %arg4[%mul3A_2, %dma_wait3A_483, %dma_wait3A_484] : memref<4096x50x128xf32, #tpu.memory_space<hbm>> -> memref<1x50x128xf32, #tpu.memory_space<hbm>>
    %dma_wait3A_486 = tpu.memref_squeeze %dma_wait3A_485 : memref<1x50x128xf32, #tpu.memory_space<hbm>> -> memref<50x128xf32, #tpu.memory_space<hbm>>
    %dma_wait3A_487 = tpu.memref_slice %arg8[%dma_wait3A_475] : memref<8x!tpu.dma_semaphore, #tpu.memory_space<semaphore_mem>> -> memref<1x!tpu.dma_semaphore, #tpu.memory_space<semaphore_mem>>
    %dma_wait3A_488 = tpu.memref_squeeze %dma_wait3A_487 : memref<1x!tpu.dma_semaphore, #tpu.memory_space<semaphore_mem>> -> memref<!tpu.dma_semaphore, #tpu.memory_space<semaphore_mem>>
    %dma_wait3A_489 = arith.constant 0 : i32
    %dma_wait3A_490 = arith.constant 0 : i32
    %dma_wait3A_491 = tpu.memref_slice %arg4[%mul3A_2, %dma_wait3A_489, %dma_wait3A_490] : memref<4096x50x128xf32, #tpu.memory_space<hbm>> -> memref<1x50x128xf32, #tpu.memory_space<hbm>>
    %dma_wait3A_492 = tpu.memref_squeeze %dma_wait3A_491 : memref<1x50x128xf32, #tpu.memory_space<hbm>> -> memref<50x128xf32, #tpu.memory_space<hbm>>
    %dma_wait3A_493 = arith.constant 0 : i32
    %dma_wait3A_494 = arith.constant 0 : i32
    %dma_wait3A_495 = tpu.memref_slice %arg6[%dma_wait3A_474, %dma_wait3A_493, %dma_wait3A_494] : memref<8x100x128xf32, #tpu.memory_space<vmem>> -> memref<1x100x128xf32, #tpu.memory_space<vmem>>
    %dma_wait3A_496 = tpu.memref_squeeze %dma_wait3A_495 : memref<1x100x128xf32, #tpu.memory_space<vmem>> -> memref<100x128xf32, #tpu.memory_space<vmem>>
    %dma_wait3A_497 = arith.constant 0 : i32
    %dma_wait3A_498 = arith.constant 0 : i32
    %dma_wait3A_499 = tpu.memref_slice %dma_wait3A_496[%dma_wait3A_497, %dma_wait3A_498] : memref<100x128xf32, #tpu.memory_space<vmem>> -> memref<50x128xf32, #tpu.memory_space<vmem>>
    tpu.wait_dma2 semaphore(%dma_wait3A_488 : memref<!tpu.dma_semaphore, #tpu.memory_space<semaphore_mem>>) src(%dma_wait3A_499 : memref<50x128xf32, #tpu.memory_space<vmem>>) dst(%dma_wait3A_492 : memref<50x128xf32, #tpu.memory_space<hbm>>)
    %dma_wait3A_500 = arith.constant 7 : i32
    %dma_wait3A_501 = arith.constant 7 : i32
    %dma_wait3A_502 = arith.constant 0 : i32
    %dma_wait3A_503 = arith.constant 0 : i32
    %dma_wait3A_504 = tpu.memref_slice %arg6[%dma_wait3A_500, %dma_wait3A_502, %dma_wait3A_503] : memref<8x100x128xf32, #tpu.memory_space<vmem>> -> memref<1x100x128xf32, #tpu.memory_space<vmem>>
    %dma_wait3A_505 = tpu.memref_squeeze %dma_wait3A_504 : memref<1x100x128xf32, #tpu.memory_space<vmem>> -> memref<100x128xf32, #tpu.memory_space<vmem>>
    %dma_wait3A_506 = arith.constant 50 : i32
    %dma_wait3A_507 = arith.constant 0 : i32
    %dma_wait3A_508 = tpu.memref_slice %dma_wait3A_505[%dma_wait3A_506, %dma_wait3A_507] : memref<100x128xf32, #tpu.memory_space<vmem>> -> memref<50x128xf32, #tpu.memory_space<vmem>>
    %dma_wait3A_509 = arith.constant 0 : i32
    %dma_wait3A_510 = arith.constant 0 : i32
    %dma_wait3A_511 = tpu.memref_slice %arg4[%mul3A_2, %dma_wait3A_509, %dma_wait3A_510] : memref<4096x50x128xf32, #tpu.memory_space<hbm>> -> memref<1x50x128xf32, #tpu.memory_space<hbm>>
    %dma_wait3A_512 = tpu.memref_squeeze %dma_wait3A_511 : memref<1x50x128xf32, #tpu.memory_space<hbm>> -> memref<50x128xf32, #tpu.memory_space<hbm>>
    %dma_wait3A_513 = tpu.memref_slice %arg8[%dma_wait3A_501] : memref<8x!tpu.dma_semaphore, #tpu.memory_space<semaphore_mem>> -> memref<1x!tpu.dma_semaphore, #tpu.memory_space<semaphore_mem>>
    %dma_wait3A_514 = tpu.memref_squeeze %dma_wait3A_513 : memref<1x!tpu.dma_semaphore, #tpu.memory_space<semaphore_mem>> -> memref<!tpu.dma_semaphore, #tpu.memory_space<semaphore_mem>>
    %dma_wait3A_515 = arith.constant 0 : i32
    %dma_wait3A_516 = arith.constant 0 : i32
    %dma_wait3A_517 = tpu.memref_slice %arg4[%mul3A_2, %dma_wait3A_515, %dma_wait3A_516] : memref<4096x50x128xf32, #tpu.memory_space<hbm>> -> memref<1x50x128xf32, #tpu.memory_space<hbm>>
    %dma_wait3A_518 = tpu.memref_squeeze %dma_wait3A_517 : memref<1x50x128xf32, #tpu.memory_space<hbm>> -> memref<50x128xf32, #tpu.memory_space<hbm>>
    %dma_wait3A_519 = arith.constant 0 : i32
    %dma_wait3A_520 = arith.constant 0 : i32
    %dma_wait3A_521 = tpu.memref_slice %arg6[%dma_wait3A_500, %dma_wait3A_519, %dma_wait3A_520] : memref<8x100x128xf32, #tpu.memory_space<vmem>> -> memref<1x100x128xf32, #tpu.memory_space<vmem>>
    %dma_wait3A_522 = tpu.memref_squeeze %dma_wait3A_521 : memref<1x100x128xf32, #tpu.memory_space<vmem>> -> memref<100x128xf32, #tpu.memory_space<vmem>>
    %dma_wait3A_523 = arith.constant 50 : i32
    %dma_wait3A_524 = arith.constant 0 : i32
    %dma_wait3A_525 = tpu.memref_slice %dma_wait3A_522[%dma_wait3A_523, %dma_wait3A_524] : memref<100x128xf32, #tpu.memory_space<vmem>> -> memref<50x128xf32, #tpu.memory_space<vmem>>
    tpu.wait_dma2 semaphore(%dma_wait3A_514 : memref<!tpu.dma_semaphore, #tpu.memory_space<semaphore_mem>>) src(%dma_wait3A_525 : memref<50x128xf32, #tpu.memory_space<vmem>>) dst(%dma_wait3A_518 : memref<50x128xf32, #tpu.memory_space<hbm>>)
    return
  }
}

</mosaic_0001>

<sc_bundles>
// kernel: kernel.3.cloned.1.call-start
scs
__scs_entry_jumppad:
0x0: {  	(pc) =	sbr.rel $0x88, $3  }
0x1: {  	(tag) =	ssettag $0x0;
	lr =	simm.s32 $0x1  }
0x2: {  	[smem:$0x3F9F] =	sst lr;
	_ =	strace $0xD0000000  }
0x3: {  	_ = 	snop  }
0x4: {  	_ = 	snop  }
0x5: {  	_ = 	snop  }
0x6: {  	_ = 	snop  }
0x7: {  	_ = 	snop  }
__scs_overlays_trampoline_lowered:
0x8: {  	[smem:$0x3FAE] =	sst s0  }
0x9: {  	[smem:$0x3FAF] =	sst s1  }
0xa: {  	[smem:$0x3FB0] =	sst s2  }
0xb: {  	[smem:$0x3FB1] =	sst s3  }
0xc: {  	[smem:$0x3FB2] =	sst s4  }
0xd: {  	[smem:$0x3FB3] =	sst s5  }
0xe: {  	[smem:$0x3FB4] =	sst s6  }
0xf: {  	[smem:$0x3FB5] =	sst s7  }
0x10: {  	[smem:$0x3FB6] =	sst s8  }
0x11: {  	[smem:$0x3FB7] =	sst s9;
	s0 =	simm.s32 @!p0 $0x0  }
0x12: {  	s1 =	sld [smem:$0x3F9D];
	s0 =	simm.s32 @p0 $0x1  }
0x13: {  	[smem:$0x3FB8] =	sst s0;
	s0 =	simm.s32 @!p1 $0x0  }
0x14: {  	s2 =	sld [smem:$0x3F9C];
	s0 =	simm.s32 @p1 $0x1  }
0x15: {  	[smem:$0x3FB9] =	sst s0;
	s0 =	simm.s32 @!p2 $0x0  }
0x16: {  	s3 =	sld [smem:$0x3FDB];
	s0 =	simm.s32 @p2 $0x1  }
0x17: {  	s4 =	simm.s32 $0x1BF5;
	[smem:$0x3FBB] =	sst s0  }
0x18: {  	s0 =	sld [smem:$0x3F9E];
	_ =	swait.ge [sflag:s4], $0x0  }
0x19: {  	s7 =	sld [smem:$0x3F9F]  }
0x1a: {  	s8 =	sadd.s32 $0xFFFFE003, lr  }
0x1b: {  	s9 =	sadd.s32 $0xFFFFFEF7, lr;
	s5 =	simm.s32 $0xFFFFFFFF;
	p2 =	slt.u32 s8, $0xFFFFF086  }
0x1c: {  	p1 =	slt.u32 s9, $0xF7A;
	s5 =	simm.s32 @!p2 $0x0  }
0x1d: {  	s5 =	simm.s32 @p1 $0x1;
	p0 =	seq.s32 s7, s2  }
0x1e: {  	s7 =	smul.u32 @!p0 $0xF7A, s2;
	p2 =	seq.s32 @!p0 s5, $0x0  }
0x1f: {  	s9 =	smul.u32 $0xF7A, s1;
	s8 =	simm.s32 @!p0 $0x1BF5;
	p2 =	por !p2, p0  }
0x20: {  	[sflag:s8] =	ssyncset.s32 @!p0 $0xFFFFF086;
	s6 =	sadd.s32 @!p0 s3, s7;
	s7 =	simm.s32 @!p0 $0x108  }
0x21: {  	s3 =	sadd.s32 s3, s9;
	s6 =	sadd.s32 @!p0 $0x88, s6;
	s7 =	simm.s32 @p2 $0x1082  }
0x22: {  	[simem:s7], [sflag:s8] =	dma.local @!p0 [hbm:s6], $0xF7A  }
0x23: {  	s9 =	sor.u32 $0xD0000000, s2;
	s6 =	simm.s32 $0x108;
	_ =	swait.ge @!p0 [sflag:s8], $0x0  }
0x24: {  	s3 =	sadd.s32 $0x88, s3;
	s6 =	simm.s32 @!p1 $0x1082;
	[sflag:s4] =	ssyncset.s32 $0xFFFFF086  }
0x25: {  	[simem:s6], [sflag:s4] =	dma.local [hbm:s3], $0xF7A  }
0x26: {  	[smem:$0x3F9F] =	sst s1;
	(tag) =	ssettag s2;
	_ =	strace s9  }
0x27: {  	s1 =	sld [smem:$0x3FAF]  }
0x28: {  	s2 =	sld [smem:$0x3FB0]  }
0x29: {  	s4 =	sld [smem:$0x3FB2]  }
0x2a: {  	p0 =	seq.s32 s5, $0x0;
	s5 =	sld [smem:$0x3FB3]  }
0x2b: {  	s6 =	sld [smem:$0x3FB4]  }
0x2c: {  	s7 =	sld [smem:$0x3FB5]  }
0x2d: {  	s3 =	simm.s32 $0x108;
	s8 =	sld [smem:$0x3FB6]  }
0x2e: {  	s3 =	simm.s32 @!p0 $0x1082;
	s9 =	sld [smem:$0x3FB7]  }
0x2f: {  	lr =	sadd.s32 s0, s3;
	s0 =	sld [smem:$0x3FAE]  }
0x30: {  	s3 =	sld [smem:$0x3FB1]  }
0x31: {  	[smem:$0x3FBA] =	sst s10  }
0x32: {  	s10 =	sld [smem:$0x3FB8];
	_ =	sdelay $0x3  }
0x33: {  	p0 =	seq.s32 s10, $0x1;
	s10 =	sld [smem:$0x3FBA];
	_ =	sdelay $0x3  }
0x34: {  	[smem:$0x3FBA] =	sst s10  }
0x35: {  	s10 =	sld [smem:$0x3FB9];
	_ =	sdelay $0x3  }
0x36: {  	p1 =	seq.s32 s10, $0x1;
	s10 =	sld [smem:$0x3FBA];
	_ =	sdelay $0x3  }
0x37: {  	[smem:$0x3FBA] =	sst s10  }
0x38: {  	s10 =	sld [smem:$0x3FBB]  }
0x39: {  	_ = 	snop;
	(pc) =	sbr.ind lr, $3  }
0x3a: {  	_ = 	snop  }
0x3b: {  	_ = 	snop  }
0x3c: {  	p2 =	seq.s32 s10, $0x1;
	s10 =	sld [smem:$0x3FBA]  }
0x3d: {  	_ =	shalt  }
0x3e: {  	_ =	shalt  }
0x3f: {  	_ =	shalt  }
0x40: {  	_ =	shalt  }
0x41: {  	_ =	shalt  }
0x42: {  	_ =	shalt  }
0x43: {  	_ =	shalt  }
0x44: {  	_ =	shalt  }
0x45: {  	_ =	shalt  }
0x46: {  	_ =	shalt  }
0x47: {  	_ =	shalt  }
0x48: {  	_ =	shalt  }
0x49: {  	_ =	shalt  }
0x4a: {  	_ =	shalt  }
0x4b: {  	_ =	shalt  }
0x4c: {  	_ =	shalt  }
0x4d: {  	_ =	shalt  }
0x4e: {  	_ =	shalt  }
0x4f: {  	_ =	shalt  }
0x50: {  	_ =	shalt  }
0x51: {  	_ =	shalt  }
0x52: {  	_ =	shalt  }
0x53: {  	_ =	shalt  }
0x54: {  	_ =	shalt  }
0x55: {  	_ =	shalt  }
0x56: {  	_ =	shalt  }
0x57: {  	_ =	shalt  }
0x58: {  	_ =	shalt  }
0x59: {  	_ =	shalt  }
0x5a: {  	_ =	shalt  }
0x5b: {  	_ =	shalt  }
0x5c: {  	_ =	shalt  }
0x5d: {  	_ =	shalt  }
0x5e: {  	_ =	shalt  }
0x5f: {  	_ =	shalt  }
0x60: {  	_ =	shalt  }
0x61: {  	_ =	shalt  }
0x62: {  	_ =	shalt  }
0x63: {  	_ =	shalt  }
0x64: {  	_ =	shalt  }
0x65: {  	_ =	shalt  }
0x66: {  	_ =	shalt  }
0x67: {  	_ =	shalt  }
0x68: {  	_ =	shalt  }
0x69: {  	_ =	shalt  }
0x6a: {  	_ =	shalt  }
0x6b: {  	_ =	shalt  }
0x6c: {  	_ =	shalt  }
0x6d: {  	_ =	shalt  }
0x6e: {  	_ =	shalt  }
0x6f: {  	_ =	shalt  }
0x70: {  	_ =	shalt  }
0x71: {  	_ =	shalt  }
0x72: {  	_ =	shalt  }
0x73: {  	_ =	shalt  }
0x74: {  	_ =	shalt  }
0x75: {  	_ =	shalt  }
0x76: {  	_ =	shalt  }
0x77: {  	_ =	shalt  }
0x78: {  	_ =	shalt  }
0x79: {  	_ =	shalt  }
0x7a: {  	_ =	shalt  }
0x7b: {  	_ =	shalt  }
0x7c: {  	_ =	shalt  }
0x7d: {  	_ =	shalt  }
0x7e: {  	_ =	shalt  }
0x7f: {  	_ =	shalt  }
0x80: {  	_ =	shalt  }
0x81: {  	_ =	shalt  }
0x82: {  	_ =	shalt  }
0x83: {  	_ =	shalt  }
0x84: {  	_ =	shalt  }
0x85: {  	_ =	shalt  }
0x86: {  	_ =	shalt  }
0x87: {  	_ =	shalt  }
.Lfunc_end0:
.L_simem_size_0:
called_computation_lowered:
.L_overlay_start_0:
0x88: {  	s2 =	sld [smem:$0x3FD9]  }
0x89: {  	s3 =	sld [smem:$0x3FFE];
	_ =	sdelay $0x1  }
0x8a: {  	s1 =	srdreg.scid  }
0x8b: {  	s0 =	sand.u32 $0x1, s1  }
0x8c: {  	s17 =	sshll.u32 s0, $0xA;
	s2 =	sadd.s32 s3, s2  }
0x8d: {  	s2 =	sadd.s32 s2, s17  }
0x8e: {  	[smem:$0x3FC6] =	sst s2  }
0x8f: {  	_ = 	snop  }
0x90: {  	s2 =	sld [smem:$0x3FC8]  }
0x91: {  	s18 =	sld [smem:$0x3FD0];
	(tm) =	ssettm $0x1  }
0x92: {  	s4 =	sld [smem:$0x3FFB];
	_ =	sdelay $0x3  }
0x93: {  	_ =	strace s4  }
0x94: {  	s4 =	sld [smem:$0x3FFC];
	_ =	sdelay $0x3  }
0x95: {  	_ =	strace s4  }
0x96: {  	s4 =	sld [smem:$0x3FFD];
	_ =	sdelay $0x3  }
0x97: {  	_ =	strace s4  }
0x98: {  	_ =	strace $0x8FFFFFFF  }
0x99: {  	s19 =	sld [smem:$0x3FDB];
	_ =	sdelay $0x1  }
0x9a: {  	s5 =	simm.s32 $_scs_section_size  }
0x9b: {  	s6 =	simm.s32 $_size__tile_overlayer_lowered;
	s7 =	simm.s32 $_tile_overlayer_lowered  }
0x9c: {  	s22 =	simm.s32 $0x1BFF;
	s21 =	sshll.u32 s7, $0x1;
	s4 =	sadd.s32 s5, s19  }
0x9d: {  	s8 =	simm.s32 $0x0;
	s20 =	sshll.u32 s6, $0x1;
	s6 =	sadd.s32 s21, s4  }
0x9e: {  	[timem:s8], [sflag:s22] =	dma.local [hbm:s6], s20  }
0x9f: {  	_ =	swait.ge [sflag:s22], s20  }
0xa0: {  	s5 =	ssub.s32 $0x0, s20;
	[sflag:s22] =	ssyncset.done $0x0  }
0xa1: {  	[sflag:s22] =	ssyncadd.s32 s5;
	_ =	sdelay $0x1  }
0xa2: {  	s23 =	simm.s32 $0x1B8B  }
0xa3: {  	_ =	swait.ge [sflag:s23], $0x1  }
0xa4: {  	[sflag:s23] =	ssyncset.done $0x0  }
0xa5: {  	s25 =	simm.s32 $0x1B8E;
	s24 =	sld [smem:$0x3FFE];
	[sflag:s23] =	ssyncadd.s32 $0xFFFFFFFF  }
0xa6: {  	s26 =	simm.s32 $execute0_lowered;
	[smem:$0x3FD2] =	sst s25  }
0xa7: {  	s6 =	sshll.u32 s26, $0x1;
	_ =	strace $0x80000046;
	[dreg:$0x1] =	wrdreg $0xFFFFFFFF  }
0xa8: {  	s28 =	simm.s32 $_size_execute0_lowered;
	s4 =	sadd.s32 s4, s6;
	[dreg:$0x0] =	wrdreg $0x0  }
0xa9: {  	s6 =	sshll.u32 s28, $0x1;
	[dreg:$0x2] =	wrdreg s4  }
0xaa: {  	[dreg:$0x3] =	wrdreg s6  }
0xab: {  	[dreg:$0x4] =	wrdreg $0xC0  }
0xac: {  	_ =	task [dreg:s8], $0x5FFFF  }
0xad: {  	[dreg:$0x1] =	wrdreg $0xFFFFFFFF  }
0xae: {  	[dreg:$0x0] =	wrdreg $0x60  }
0xaf: {  	[dreg:$0x2] =	wrdreg s2  }
0xb0: {  	[dreg:$0x3] =	wrdreg s18  }
0xb1: {  	[dreg:$0x4] =	wrdreg s24  }
0xb2: {  	[dreg:$0x5] =	wrdreg $0x9  }
0xb3: {  	_ =	task.clear_ibuf [dreg:s8], $0x6FFFF;
	_ =	strace $0x90000046  }
0xb4: {  	s29 =	simm.s32 $0x9;
	_ =	strace $0x80000048  }
0xb5: {  	_ =	swait.ge [sflag:s29], $0x1  }
0xb6: {  	[sflag:s29] =	ssyncadd.s32 $0xFFFFFFFF  }
0xb7: {  	_ =	strace $0x90000048  }
0xb8: {  	_ =	sfence  }
0xb9: {  	s30 =	sld [smem:$0x0];
	_ =	sdelay $0x2  }
0xba: {  	s31 =	sshll.u32 s1, $0xD;
	s1 =	sshrl.u32 s1, $0x2  }
0xbb: {  	s3 =	sand.u32 $0x4000, s31;
	s1 =	sadd.s32 s1, s30  }
0xbc: {  	s0 =	sor.u32 s3, s0;
	s1 =	sshll.u32 s1, $0x11  }
0xbd: {  	s0 =	sor.u32 s1, s0  }
0xbe: {  	s0 =	sadd.s32 $0x8F2B, s0  }
0xbf: {  	[sflag:s0] =	ssyncadd.remote.s32 $0x1  }
0xc0: {  	_ =	sfence.sel $0xFFFF  }
0xc1: {  	[dreg:$0x0] =	wrdreg $0xFFFFFFFF;
	(pc) =	sbr.abs _section_cstart, $3  }
0xc2: {  	[dreg:$0x1] =	wrdreg $0xFFFFFFFF  }
0xc3: {  	_ =	task.clear_ibuf [dreg:s8], $0x2FFFF;
	_ =	strace $0x9FFFFFFF  }
0xc4: {  	(tm) =	ssettm $0x7FFFFFFF  }
0xc5: {  	_ =	shalt  }
tec
execute0_lowered:
.L_overlay_start_1:
0x0: {  	(tag) =	ssettag $0x1  }
0x1: {  	s1 =	rddreg [dreg:$0x0]  }
0x2: {  	s0 =	rddreg [dreg:$0x1]  }
0x3: {  	s2 =	rddreg [dreg:$0x2];
	s4 =	srdreg.scid  }
0x4: {  	s10 =	stileid.u32;
	s3 =	simm.s32 $0x0;
	s20 =	simm.s32 $0x3900  }
0x5: {  	s21 =	simm.s32 $0x6D00;
	s22 =	simm.s32 $0xA100;
	s28 =	simm.s32 $0x6  }
0x6: {  	s29 =	simm.s32 $0x7;
	s30 =	simm.s32 $0x8;
	s5 =	smul.u32 $0x1C0000, s10  }
0x7: {  	s4 =	sand.u32 $0x1, s4;
	s24 =	sshll.u32 s10, $0xB;
	s10 =	smul.u32 $0x38000, s10  }
0x8: {  	[smem:$0x7FF] =	sst s3;
	s2 =	sadd.s32 $0x400, s2;
	s6 =	smul.u32 $0xE0000, s4  }
0x9: {  	_ =	strace $0x80000047;
	s7 =	ssub.s32 $0x2, s4;
	[dreg:$0xb] =	wrdreg s20  }
0xa: {  	s9 =	sshll.u32 s4, $0xA;
	s4 =	smul.u32 $0x1C000, s4;
	[dreg:$0xc] =	wrdreg s21  }
0xb: {  	s20 =	simm.s32 $0x15800;
	[dreg:$0xd] =	wrdreg s22;
	s21 =	simm.s32 $0x18C00  }
0xc: {  	s22 =	simm.s32 $0x1;
	s8 =	sshrl.u32 s7, $0x1;
	s26 =	sadd.s32 s10, s2  }
0xd: {  	s5 =	sadd.s32 s6, s5;
	s23 =	ssub.s32 s7, s8;
	s7 =	sor.u32 s9, s24  }
0xe: {  	s4 =	sadd.s32 s4, s26;
	s24 =	simm.s32 $0x10900;
	s26 =	simm.s32 $0x17100  }
0xf: {  	s25 =	sor.u32 $0x16C00, s5;
	s31 =	sor.u32 $0x13400, s5;
	s10 =	sor.u32 $0xC400, s5  }
0x10: {  	[dreg:$0x5] =	wrdreg s4;
	s14 =	sor.u32 $0x8C00, s5;
	s16 =	sor.u32 $0x5400, s5  }
0x11: {  	s5 =	sor.u32 $0x1A400, s5;
	s0 =	sadd.s32 s0, s7;
	s19 =	smax.u32 s23, $0x1  }
0x12: {  	s7 =	simm.s32 $0x64;
	s23 =	simm.s32 $0xD500;
	[dreg:$0xf] =	wrdreg s24  }
0x13: {  	s24 =	simm.s32 $0x3;
	[dreg:$0x11] =	wrdreg s26;
	s26 =	simm.s32 $0x5  }
0x14: {  	s8 =	sshrl.u32 s25, $0x3;
	s9 =	sshrl.u32 s31, $0x3;
	[dreg:$0x13] =	wrdreg s0  }
0x15: {  	s12 =	sshrl.u32 s10, $0x3;
	s15 =	sshrl.u32 s14, $0x3;
	[dreg:$0x14] =	wrdreg s19  }
0x16: {  	s5 =	sshrl.u32 s5, $0x3;
	[dreg:$0xe] =	wrdreg s23;
	s25 =	simm.s32 $0x13D00  }
0x17: {  	s10 =	simm.s32 $0x5400;
	s31 =	simm.s32 $0x1A500;
	[dreg:$0x10] =	wrdreg s25  }
0x18: {  	s14 =	simm.s32 $0xBC00;
	s8 =	sadd.s32 s8, s2;
	[dreg:$0x12] =	wrdreg s31  }
0x19: {  	s23 =	simm.s32 $0x2;
	s11 =	sadd.s32 s9, s2;
	[dreg:$0x4] =	wrdreg s8  }
0x1a: {  	s19 =	simm.s32 $0x0;
	s13 =	sadd.s32 s12, s2;
	[dreg:$0x6] =	wrdreg s11  }
0x1b: {  	s4 =	sadd.s32 s15, s2;
	s18 =	sadd.s32 s5, s2;
	[dreg:$0x7] =	wrdreg s13  }
0x1c: {  	s12 =	simm.s32 $0x8800;
	s25 =	simm.s32 $0x4;
	[dreg:$0x8] =	wrdreg s4  }
0x1d: {  	s15 =	simm.s32 $0xF;
	s8 =	sshrl.u32 s16, $0x3;
	[dreg:$0xa] =	wrdreg s18  }
0x1e: {  	s16 =	simm.s32 $0xF000;
	s18 =	simm.s32 $0x12400;
	s17 =	sadd.s32 s8, s2  }
0x1f: {  	s8 =	simm.s32 $0x2000;
	[dreg:$0x9] =	wrdreg s17;
	s17 =	simm.s32 $0x10  }
.LBB2_1:
0x20: {  	s0 =	rddreg [dreg:$0x13];
	s5 =	simm.s32 $0x11  }
0x21: {  	[tilespmem:s3], [sflag:$0x11] =	stream.linear.gather [hbm4b:s0+s3], $0x2000, $0x38;
	[tilespmem:$0x1C000] =	vst v63  }
0x22: {  	_ =	swait.ge [sflag:s5], $0x2000  }
0x23: {  	[sflag:s5] =	ssyncset.done $0x0  }
0x24: {  	[sflag:s5] =	ssyncadd.s32 $0xFFFFE000  }
0x25: {  	[tilespmem:s8], [sflag:$0x1] =	stream.indirect.gather [hbm4b:s1+s7], $0x80, s3, s7, $0xb8;
	[tilespmem:$0x1C000] =	vst v63  }
0x26: {  	s6 =	simm.s32 $0x80  }
0x27: {  	[tilespmem:s10], [sflag:$0x2] =	stream.indirect.gather [hbm4b:s1+s7], $0x80, s6, s7, $0xb8;
	[tilespmem:$0x1C000] =	vst v63  }
0x28: {  	s9 =	simm.s32 $0x100  }
0x29: {  	[tilespmem:s12], [sflag:$0x3] =	stream.indirect.gather [hbm4b:s1+s7], $0x80, s9, s7, $0xb8;
	[tilespmem:$0x1C000] =	vst v63  }
0x2a: {  	s11 =	simm.s32 $0x180  }
0x2b: {  	[tilespmem:s14], [sflag:$0x4] =	stream.indirect.gather [hbm4b:s1+s7], $0x80, s11, s7, $0xb8;
	[tilespmem:$0x1C000] =	vst v63  }
0x2c: {  	s13 =	simm.s32 $0x200;
	p0 =	por $0x1, $0x1  }
0x2d: {  	[tilespmem:s16], [sflag:$0x5] =	stream.indirect.gather [hbm4b:s1+s7], $0x80, s13, s7, $0xb8;
	[tilespmem:$0x1C000] =	vst v63  }
0x2e: {  	s2 =	simm.s32 $0x280;
	p0 =	por p0, p0  }
0x2f: {  	[tilespmem:s18], [sflag:$0x6] =	stream.indirect.gather [hbm4b:s1+s7], $0x80, s2, s7, $0xb8;
	[tilespmem:$0x1C000] =	vst v63  }
0x30: {  	s4 =	simm.s32 $0x300;
	s0 =	simm.s32 @!p0 $0x10  }
0x31: {  	[tilespmem:s20], [sflag:$0x7] =	stream.indirect.gather [hbm4b:s1+s7], $0x80, s4, s7, $0xb8;
	[tilespmem:$0x1C000] =	vst v63  }
0x32: {  	_ =	swait.ge @!p0 [sflag:s0], $0x1900  }
0x33: {  	[sflag:s0] =	ssyncset.done @!p0 $0x0  }
0x34: {  	[sflag:s0] =	ssyncadd.s32 @!p0 $0xFFFFE700  }
0x35: {  	_ =	swait.ge @!p0 [sflag:s0], $0x1900  }
0x36: {  	[sflag:s0] =	ssyncset.done @!p0 $0x0  }
0x37: {  	s5 =	simm.s32 $0x380;
	[sflag:s0] =	ssyncadd.s32 @!p0 $0xFFFFE700  }
0x38: {  	[tilespmem:s21], [sflag:$0x8] =	stream.indirect.gather [hbm4b:s1+s7], $0x80, s5, s7, $0xb8;
	[tilespmem:$0x1C000] =	vst v63  }
0x39: {  	_ =	swait.ge [sflag:s22], $0x3200  }
0x3a: {  	s6 =	rddreg [dreg:$0x5];
	[sflag:s22] =	ssyncset.done $0x0  }
0x3b: {  	[sflag:s22] =	ssyncadd.s32 $0xFFFFCE00;
	s0 =	sadd.s32 $0x0, s6  }
0x3c: {  	[hbm4b:s0+s3] =	stream.linear.scatter [tilespmem:s8], [sflag:$0x9], $0x1900, $0x38;
	[tilespmem:$0x1C000] =	vst v63  }
0x3d: {  	p0 =	por $0x0, $0x0;
	s2 =	rddreg [dreg:$0xb];
	s4 =	sadd.s32 $0x380, s0  }
0x3e: {  	[hbm4b:s4+s3] =	stream.linear.scatter [tilespmem:s2], [sflag:$0x9], $0x1900, $0x38;
	[tilespmem:$0x1C000] =	vst v63  }
0x3f: {  	s4 =	simm.s32 @!p0 $0x9  }
0x40: {  	_ =	swait.ge @!p0 [sflag:s4], $0x1900  }
0x41: {  	[sflag:s4] =	ssyncset.done @!p0 $0x0  }
0x42: {  	[sflag:s4] =	ssyncadd.s32 @!p0 $0xFFFFE700  }
0x43: {  	_ =	swait.ge @!p0 [sflag:s4], $0x1900  }
0x44: {  	s5 =	simm.s32 @!p0 $0x2000;
	[sflag:s4] =	ssyncset.done @!p0 $0x0  }
0x45: {  	s6 =	simm.s32 @!p0 $0x400;
	s2 =	simm.s32 @!p0 $0x64;
	[sflag:s4] =	ssyncadd.s32 @!p0 $0xFFFFE700  }
0x46: {  	[tilespmem:s5], [sflag:$0x1] =	stream.indirect.gather @!p0 [hbm4b:s1+s2], $0x80, s6, s2, $0xb8;
	[tilespmem:$0x1C000] =	vst v63  }
0x47: {  	_ =	swait.ge [sflag:s23], $0x3200  }
0x48: {  	[sflag:s23] =	ssyncset.done $0x0  }
0x49: {  	s11 =	sadd.s32 $0x700, s0;
	s9 =	rddreg [dreg:$0x9];
	[sflag:s23] =	ssyncadd.s32 $0xFFFFCE00  }
0x4a: {  	[hbm4b:s11+s3] =	stream.linear.scatter [tilespmem:s10], [sflag:$0xA], $0x1900, $0x38;
	[tilespmem:$0x1C000] =	vst v63  }
0x4b: {  	s5 =	simm.s32 @!p0 $0xA;
	s13 =	rddreg [dreg:$0xc];
	s4 =	sadd.s32 $0x0, s9  }
0x4c: {  	[hbm4b:s4+s3] =	stream.linear.scatter [tilespmem:s13], [sflag:$0xA], $0x1900, $0x38;
	[tilespmem:$0x1C000] =	vst v63  }
0x4d: {  	_ =	swait.ge @!p0 [sflag:s5], $0x1900  }
0x4e: {  	[sflag:s5] =	ssyncset.done @!p0 $0x0  }
0x4f: {  	[sflag:s5] =	ssyncadd.s32 @!p0 $0xFFFFE700  }
0x50: {  	_ =	swait.ge @!p0 [sflag:s5], $0x1900  }
0x51: {  	[sflag:s5] =	ssyncset.done @!p0 $0x0  }
0x52: {  	s6 =	simm.s32 @!p0 $0x5400;
	s4 =	simm.s32 @!p0 $0x480;
	[sflag:s5] =	ssyncadd.s32 @!p0 $0xFFFFE700  }
0x53: {  	[tilespmem:s6], [sflag:$0x2] =	stream.indirect.gather @!p0 [hbm4b:s1+s2], $0x80, s4, s2, $0xb8;
	[tilespmem:$0x1C000] =	vst v63  }
0x54: {  	_ =	swait.ge [sflag:s24], $0x3200  }
0x55: {  	[sflag:s24] =	ssyncset.done $0x0  }
0x56: {  	s11 =	sadd.s32 $0xE00, s0;
	s9 =	rddreg [dreg:$0x8];
	[sflag:s24] =	ssyncadd.s32 $0xFFFFCE00  }
0x57: {  	[hbm4b:s11+s3] =	stream.linear.scatter [tilespmem:s12], [sflag:$0xB], $0x1900, $0x38;
	[tilespmem:$0x1C000] =	vst v63  }
0x58: {  	s5 =	simm.s32 @!p0 $0xB;
	s13 =	rddreg [dreg:$0xd];
	s4 =	sadd.s32 $0x0, s9  }
0x59: {  	[hbm4b:s4+s3] =	stream.linear.scatter [tilespmem:s13], [sflag:$0xB], $0x1900, $0x38;
	[tilespmem:$0x1C000] =	vst v63  }
0x5a: {  	_ =	swait.ge @!p0 [sflag:s5], $0x1900  }
0x5b: {  	[sflag:s5] =	ssyncset.done @!p0 $0x0  }
0x5c: {  	[sflag:s5] =	ssyncadd.s32 @!p0 $0xFFFFE700  }
0x5d: {  	_ =	swait.ge @!p0 [sflag:s5], $0x1900  }
0x5e: {  	[sflag:s5] =	ssyncset.done @!p0 $0x0  }
0x5f: {  	s6 =	simm.s32 @!p0 $0x8800;
	s4 =	simm.s32 @!p0 $0x500;
	[sflag:s5] =	ssyncadd.s32 @!p0 $0xFFFFE700  }
0x60: {  	[tilespmem:s6], [sflag:$0x3] =	stream.indirect.gather @!p0 [hbm4b:s1+s2], $0x80, s4, s2, $0xb8;
	[tilespmem:$0x1C000] =	vst v63  }
0x61: {  	_ =	swait.ge [sflag:s25], $0x3200  }
0x62: {  	[sflag:s25] =	ssyncset.done $0x0  }
0x63: {  	s11 =	sadd.s32 $0x1500, s0;
	s9 =	rddreg [dreg:$0x7];
	[sflag:s25] =	ssyncadd.s32 $0xFFFFCE00  }
0x64: {  	[hbm4b:s11+s3] =	stream.linear.scatter [tilespmem:s14], [sflag:$0xC], $0x1900, $0x38;
	[tilespmem:$0x1C000] =	vst v63  }
0x65: {  	s5 =	simm.s32 @!p0 $0xC;
	s13 =	rddreg [dreg:$0xe];
	s4 =	sadd.s32 $0x0, s9  }
0x66: {  	[hbm4b:s4+s3] =	stream.linear.scatter [tilespmem:s13], [sflag:$0xC], $0x1900, $0x38;
	[tilespmem:$0x1C000] =	vst v63  }
0x67: {  	_ =	swait.ge @!p0 [sflag:s5], $0x1900  }
0x68: {  	[sflag:s5] =	ssyncset.done @!p0 $0x0  }
0x69: {  	[sflag:s5] =	ssyncadd.s32 @!p0 $0xFFFFE700  }
0x6a: {  	_ =	swait.ge @!p0 [sflag:s5], $0x1900  }
0x6b: {  	[sflag:s5] =	ssyncset.done @!p0 $0x0  }
0x6c: {  	s6 =	simm.s32 @!p0 $0xBC00;
	s4 =	simm.s32 @!p0 $0x580;
	[sflag:s5] =	ssyncadd.s32 @!p0 $0xFFFFE700  }
0x6d: {  	[tilespmem:s6], [sflag:$0x4] =	stream.indirect.gather @!p0 [hbm4b:s1+s2], $0x80, s4, s2, $0xb8;
	[tilespmem:$0x1C000] =	vst v63  }
0x6e: {  	_ =	swait.ge [sflag:s26], $0x3200  }
0x6f: {  	[sflag:s26] =	ssyncset.done $0x0  }
0x70: {  	s9 =	sadd.s32 $0x1C00, s0;
	[sflag:s26] =	ssyncadd.s32 $0xFFFFCE00  }
0x71: {  	[hbm4b:s9+s3] =	stream.linear.scatter [tilespmem:s16], [sflag:$0xD], $0x1900, $0x38;
	[tilespmem:$0x1C000] =	vst v63  }
0x72: {  	s13 =	sadd.s32 $0x1F80, s0;
	s6 =	simm.s32 @!p0 $0xD;
	s11 =	rddreg [dreg:$0xf]  }
0x73: {  	[hbm4b:s13+s3] =	stream.linear.scatter [tilespmem:s11], [sflag:$0xD], $0x1900, $0x38;
	[tilespmem:$0x1C000] =	vst v63  }
0x74: {  	_ =	swait.ge @!p0 [sflag:s6], $0x1900  }
0x75: {  	[sflag:s6] =	ssyncset.done @!p0 $0x0  }
0x76: {  	[sflag:s6] =	ssyncadd.s32 @!p0 $0xFFFFE700  }
0x77: {  	_ =	swait.ge @!p0 [sflag:s6], $0x1900  }
0x78: {  	[sflag:s6] =	ssyncset.done @!p0 $0x0  }
0x79: {  	s5 =	simm.s32 @!p0 $0xF000;
	s4 =	simm.s32 @!p0 $0x600;
	[sflag:s6] =	ssyncadd.s32 @!p0 $0xFFFFE700  }
0x7a: {  	[tilespmem:s5], [sflag:$0x5] =	stream.indirect.gather @!p0 [hbm4b:s1+s2], $0x80, s4, s2, $0xb8;
	[tilespmem:$0x1C000] =	vst v63  }
0x7b: {  	_ =	swait.ge [sflag:s28], $0x3200  }
0x7c: {  	[sflag:s28] =	ssyncset.done $0x0  }
0x7d: {  	s11 =	sadd.s32 $0x2300, s0;
	s9 =	rddreg [dreg:$0x6];
	[sflag:s28] =	ssyncadd.s32 $0xFFFFCE00  }
0x7e: {  	[hbm4b:s11+s3] =	stream.linear.scatter [tilespmem:s18], [sflag:$0xE], $0x1900, $0x38;
	[tilespmem:$0x1C000] =	vst v63  }
0x7f: {  	s5 =	simm.s32 @!p0 $0xE;
	s13 =	rddreg [dreg:$0x10];
	s4 =	sadd.s32 $0x0, s9  }
0x80: {  	[hbm4b:s4+s3] =	stream.linear.scatter [tilespmem:s13], [sflag:$0xE], $0x1900, $0x38;
	[tilespmem:$0x1C000] =	vst v63  }
0x81: {  	_ =	swait.ge @!p0 [sflag:s5], $0x1900  }
0x82: {  	[sflag:s5] =	ssyncset.done @!p0 $0x0  }
0x83: {  	[sflag:s5] =	ssyncadd.s32 @!p0 $0xFFFFE700  }
0x84: {  	_ =	swait.ge @!p0 [sflag:s5], $0x1900  }
0x85: {  	[sflag:s5] =	ssyncset.done @!p0 $0x0  }
0x86: {  	s6 =	simm.s32 @!p0 $0x12400;
	s4 =	simm.s32 @!p0 $0x680;
	[sflag:s5] =	ssyncadd.s32 @!p0 $0xFFFFE700  }
0x87: {  	[tilespmem:s6], [sflag:$0x6] =	stream.indirect.gather @!p0 [hbm4b:s1+s2], $0x80, s4, s2, $0xb8;
	[tilespmem:$0x1C000] =	vst v63  }
0x88: {  	_ =	swait.ge [sflag:s29], $0x3200  }
0x89: {  	[sflag:s29] =	ssyncset.done $0x0  }
0x8a: {  	s11 =	sadd.s32 $0x2A00, s0;
	s9 =	rddreg [dreg:$0x4];
	[sflag:s29] =	ssyncadd.s32 $0xFFFFCE00  }
0x8b: {  	[hbm4b:s11+s3] =	stream.linear.scatter [tilespmem:s20], [sflag:$0xF], $0x1900, $0x38;
	[tilespmem:$0x1C000] =	vst v63  }
0x8c: {  	s5 =	simm.s32 @!p0 $0xF;
	s13 =	rddreg [dreg:$0x11];
	s4 =	sadd.s32 $0x0, s9  }
0x8d: {  	[hbm4b:s4+s3] =	stream.linear.scatter [tilespmem:s13], [sflag:$0xF], $0x1900, $0x38;
	[tilespmem:$0x1C000] =	vst v63  }
0x8e: {  	_ =	swait.ge @!p0 [sflag:s5], $0x1900  }
0x8f: {  	[sflag:s5] =	ssyncset.done @!p0 $0x0  }
0x90: {  	[sflag:s5] =	ssyncadd.s32 @!p0 $0xFFFFE700  }
0x91: {  	_ =	swait.ge @!p0 [sflag:s5], $0x1900  }
0x92: {  	p6 =	por $0x0, $0x0;
	[sflag:s5] =	ssyncset.done @!p0 $0x0  }
0x93: {  	s6 =	simm.s32 @!p0 $0x15800;
	s4 =	simm.s32 $0x700;
	[sflag:s5] =	ssyncadd.s32 @!p0 $0xFFFFE700  }
0x94: {  	[tilespmem:s6], [sflag:$0x7] =	stream.indirect.gather @!p0 [hbm4b:s1+s2], $0x80, s4, s2, $0xb8;
	[tilespmem:$0x1C000] =	vst v63  }
0x95: {  	s31 =	simm.s32 $0x0;
	s0 =	sadd.s32 $0x3100, s0;
	_ =	swait.ge [sflag:s30], $0x3200  }
0x96: {  	s5 =	simm.s32 $0xB00;
	s4 =	simm.s32 $0x3800;
	[sflag:s30] =	ssyncset.done $0x0  }
0x97: {  	p0 =	por p6, p6;
	s2 =	rddreg [dreg:$0xa];
	[sflag:s30] =	ssyncadd.s32 $0xFFFFCE00  }
0x98: {  	[hbm4b:s0+s3] =	stream.linear.scatter [tilespmem:s21], [sflag:$0x10], $0x1900, $0x38;
	[tilespmem:$0x1C000] =	vst v63  }
0x99: {  	s6 =	simm.s32 $0x7000;
	s9 =	rddreg [dreg:$0x12];
	s0 =	simm.s32 @!p0 $0x10  }
.LBB2_2:
0x9a: {  	s2 =	sadd.s32 s31, s2  }
0x9b: {  	[hbm4b:s2+s3] =	stream.linear.scatter [tilespmem:s9], [sflag:$0x10], $0x1900, $0x38;
	[tilespmem:$0x1C000] =	vst v63  }
0x9c: {  	_ =	swait.ge @!p0 [sflag:s0], $0x1900  }
0x9d: {  	[sflag:s0] =	ssyncset.done @!p0 $0x0  }
0x9e: {  	[sflag:s0] =	ssyncadd.s32 @!p0 $0xFFFFE700  }
0x9f: {  	_ =	swait.ge @!p0 [sflag:s0], $0x1900  }
0xa0: {  	[sflag:s0] =	ssyncset.done @!p0 $0x0  }
0xa1: {  	s13 =	sadd.s32 $0xFFFFFC80, s5;
	[sflag:s0] =	ssyncadd.s32 @!p0 $0xFFFFE700  }
0xa2: {  	[tilespmem:s21], [sflag:$0x8] =	stream.indirect.gather [hbm4b:s1+s7], $0x80, s13, s7, $0xb8;
	[tilespmem:$0x1C000] =	vst v63  }
0xa3: {  	p2 =	seq.s32 s6, $0x0;
	_ =	swait.ge [sflag:s22], $0x3200  }
0xa4: {  	s31 =	smov.u32 s4;
	s2 =	rddreg [dreg:$0x5];
	[sflag:s22] =	ssyncset.done $0x0  }
0xa5: {  	p0 =	por p2, p2;
	[sflag:s22] =	ssyncadd.s32 $0xFFFFCE00;
	s0 =	sadd.s32 s31, s2  }
0xa6: {  	[hbm4b:s0+s3] =	stream.linear.scatter [tilespmem:s8], [sflag:$0x9], $0x1900, $0x38;
	[tilespmem:$0x1C000] =	vst v63  }
0xa7: {  	p2 =	seq.s32 s31, $0x18800;
	s9 =	rddreg [dreg:$0xb];
	s11 =	sadd.s32 $0x380, s0  }
0xa8: {  	[hbm4b:s11+s3] =	stream.linear.scatter [tilespmem:s9], [sflag:$0x9], $0x1900, $0x38;
	[tilespmem:$0x1C000] =	vst v63  }
0xa9: {  	s9 =	simm.s32 @!p2 $0x9  }
0xaa: {  	_ =	swait.ge @!p2 [sflag:s9], $0x1900  }
0xab: {  	[sflag:s9] =	ssyncset.done @!p2 $0x0  }
0xac: {  	[sflag:s9] =	ssyncadd.s32 @!p2 $0xFFFFE700  }
0xad: {  	_ =	swait.ge @!p2 [sflag:s9], $0x1900  }
0xae: {  	s13 =	sadd.s32 @!p2 $0xFFFFFD00, s5;
	[sflag:s9] =	ssyncset.done @!p2 $0x0  }
0xaf: {  	s2 =	simm.s32 @!p2 $0x64;
	s11 =	simm.s32 @!p2 $0x2000;
	[sflag:s9] =	ssyncadd.s32 @!p2 $0xFFFFE700  }
0xb0: {  	[tilespmem:s11], [sflag:$0x1] =	stream.indirect.gather @!p2 [hbm4b:s1+s2], $0x80, s13, s2, $0xb8;
	[tilespmem:$0x1C000] =	vst v63  }
0xb1: {  	_ =	swait.ge [sflag:s23], $0x3200  }
0xb2: {  	[sflag:s23] =	ssyncset.done $0x0  }
0xb3: {  	s9 =	sadd.s32 $0x700, s0;
	s11 =	rddreg [dreg:$0x9];
	[sflag:s23] =	ssyncadd.s32 $0xFFFFCE00  }
0xb4: {  	[hbm4b:s9+s3] =	stream.linear.scatter [tilespmem:s10], [sflag:$0xA], $0x1900, $0x38;
	[tilespmem:$0x1C000] =	vst v63  }
0xb5: {  	s13 =	rddreg [dreg:$0xc];
	s9 =	sadd.s32 s31, s11;
	s11 =	simm.s32 @!p2 $0xA  }
0xb6: {  	[hbm4b:s9+s3] =	stream.linear.scatter [tilespmem:s13], [sflag:$0xA], $0x1900, $0x38;
	[tilespmem:$0x1C000] =	vst v63  }
0xb7: {  	_ =	swait.ge @!p2 [sflag:s11], $0x1900  }
0xb8: {  	[sflag:s11] =	ssyncset.done @!p2 $0x0  }
0xb9: {  	[sflag:s11] =	ssyncadd.s32 @!p2 $0xFFFFE700  }
0xba: {  	_ =	swait.ge @!p2 [sflag:s11], $0x1900  }
0xbb: {  	[sflag:s11] =	ssyncset.done @!p2 $0x0  }
0xbc: {  	s9 =	sadd.s32 @!p2 $0xFFFFFD80, s5;
	s13 =	simm.s32 @!p2 $0x5400;
	[sflag:s11] =	ssyncadd.s32 @!p2 $0xFFFFE700  }
0xbd: {  	[tilespmem:s13], [sflag:$0x2] =	stream.indirect.gather @!p2 [hbm4b:s1+s2], $0x80, s9, s2, $0xb8;
	[tilespmem:$0x1C000] =	vst v63  }
0xbe: {  	_ =	swait.ge [sflag:s24], $0x3200  }
0xbf: {  	[sflag:s24] =	ssyncset.done $0x0  }
0xc0: {  	s9 =	sadd.s32 $0xE00, s0;
	s11 =	rddreg [dreg:$0x8];
	[sflag:s24] =	ssyncadd.s32 $0xFFFFCE00  }
0xc1: {  	[hbm4b:s9+s3] =	stream.linear.scatter [tilespmem:s12], [sflag:$0xB], $0x1900, $0x38;
	[tilespmem:$0x1C000] =	vst v63  }
0xc2: {  	s13 =	rddreg [dreg:$0xd];
	s9 =	sadd.s32 s31, s11;
	s11 =	simm.s32 @!p2 $0xB  }
0xc3: {  	[hbm4b:s9+s3] =	stream.linear.scatter [tilespmem:s13], [sflag:$0xB], $0x1900, $0x38;
	[tilespmem:$0x1C000] =	vst v63  }
0xc4: {  	_ =	swait.ge @!p2 [sflag:s11], $0x1900  }
0xc5: {  	[sflag:s11] =	ssyncset.done @!p2 $0x0  }
0xc6: {  	[sflag:s11] =	ssyncadd.s32 @!p2 $0xFFFFE700  }
0xc7: {  	_ =	swait.ge @!p2 [sflag:s11], $0x1900  }
0xc8: {  	[sflag:s11] =	ssyncset.done @!p2 $0x0  }
0xc9: {  	s9 =	sadd.s32 @!p2 $0xFFFFFE00, s5;
	s13 =	simm.s32 @!p2 $0x8800;
	[sflag:s11] =	ssyncadd.s32 @!p2 $0xFFFFE700  }
0xca: {  	[tilespmem:s13], [sflag:$0x3] =	stream.indirect.gather @!p2 [hbm4b:s1+s2], $0x80, s9, s2, $0xb8;
	[tilespmem:$0x1C000] =	vst v63  }
0xcb: {  	_ =	swait.ge [sflag:s25], $0x3200  }
0xcc: {  	[sflag:s25] =	ssyncset.done $0x0  }
0xcd: {  	s9 =	sadd.s32 $0x1500, s0;
	s11 =	rddreg [dreg:$0x7];
	[sflag:s25] =	ssyncadd.s32 $0xFFFFCE00  }
0xce: {  	[hbm4b:s9+s3] =	stream.linear.scatter [tilespmem:s14], [sflag:$0xC], $0x1900, $0x38;
	[tilespmem:$0x1C000] =	vst v63  }
0xcf: {  	s13 =	rddreg [dreg:$0xe];
	s9 =	sadd.s32 s31, s11;
	s11 =	simm.s32 @!p2 $0xC  }
0xd0: {  	[hbm4b:s9+s3] =	stream.linear.scatter [tilespmem:s13], [sflag:$0xC], $0x1900, $0x38;
	[tilespmem:$0x1C000] =	vst v63  }
0xd1: {  	_ =	swait.ge @!p2 [sflag:s11], $0x1900  }
0xd2: {  	[sflag:s11] =	ssyncset.done @!p2 $0x0  }
0xd3: {  	[sflag:s11] =	ssyncadd.s32 @!p2 $0xFFFFE700  }
0xd4: {  	_ =	swait.ge @!p2 [sflag:s11], $0x1900  }
0xd5: {  	[sflag:s11] =	ssyncset.done @!p2 $0x0  }
0xd6: {  	s9 =	sadd.s32 @!p2 $0xFFFFFE80, s5;
	s13 =	simm.s32 @!p2 $0xBC00;
	[sflag:s11] =	ssyncadd.s32 @!p2 $0xFFFFE700  }
0xd7: {  	[tilespmem:s13], [sflag:$0x4] =	stream.indirect.gather @!p2 [hbm4b:s1+s2], $0x80, s9, s2, $0xb8;
	[tilespmem:$0x1C000] =	vst v63  }
0xd8: {  	_ =	swait.ge [sflag:s26], $0x3200  }
0xd9: {  	[sflag:s26] =	ssyncset.done $0x0  }
0xda: {  	s13 =	sadd.s32 $0x1C00, s0;
	[sflag:s26] =	ssyncadd.s32 $0xFFFFCE00  }
0xdb: {  	[hbm4b:s13+s3] =	stream.linear.scatter [tilespmem:s16], [sflag:$0xD], $0x1900, $0x38;
	[tilespmem:$0x1C000] =	vst v63  }
0xdc: {  	s9 =	sadd.s32 $0x1F80, s0;
	s11 =	rddreg [dreg:$0xf];
	s13 =	simm.s32 @!p2 $0xD  }
0xdd: {  	[hbm4b:s9+s3] =	stream.linear.scatter [tilespmem:s11], [sflag:$0xD], $0x1900, $0x38;
	[tilespmem:$0x1C000] =	vst v63  }
0xde: {  	_ =	swait.ge @!p2 [sflag:s13], $0x1900  }
0xdf: {  	[sflag:s13] =	ssyncset.done @!p2 $0x0  }
0xe0: {  	[sflag:s13] =	ssyncadd.s32 @!p2 $0xFFFFE700  }
0xe1: {  	_ =	swait.ge @!p2 [sflag:s13], $0x1900  }
0xe2: {  	[sflag:s13] =	ssyncset.done @!p2 $0x0  }
0xe3: {  	s9 =	sadd.s32 @!p2 $0xFFFFFF00, s5;
	s11 =	simm.s32 @!p2 $0xF000;
	[sflag:s13] =	ssyncadd.s32 @!p2 $0xFFFFE700  }
0xe4: {  	[tilespmem:s11], [sflag:$0x5] =	stream.indirect.gather @!p2 [hbm4b:s1+s2], $0x80, s9, s2, $0xb8;
	[tilespmem:$0x1C000] =	vst v63  }
0xe5: {  	_ =	swait.ge [sflag:s28], $0x3200  }
0xe6: {  	[sflag:s28] =	ssyncset.done $0x0  }
0xe7: {  	s9 =	sadd.s32 $0x2300, s0;
	s11 =	rddreg [dreg:$0x6];
	[sflag:s28] =	ssyncadd.s32 $0xFFFFCE00  }
0xe8: {  	[hbm4b:s9+s3] =	stream.linear.scatter [tilespmem:s18], [sflag:$0xE], $0x1900, $0x38;
	[tilespmem:$0x1C000] =	vst v63  }
0xe9: {  	s13 =	rddreg [dreg:$0x10];
	s9 =	sadd.s32 s31, s11;
	s11 =	simm.s32 @!p2 $0xE  }
0xea: {  	[hbm4b:s9+s3] =	stream.linear.scatter [tilespmem:s13], [sflag:$0xE], $0x1900, $0x38;
	[tilespmem:$0x1C000] =	vst v63  }
0xeb: {  	_ =	swait.ge @!p2 [sflag:s11], $0x1900  }
0xec: {  	[sflag:s11] =	ssyncset.done @!p2 $0x0  }
0xed: {  	[sflag:s11] =	ssyncadd.s32 @!p2 $0xFFFFE700  }
0xee: {  	_ =	swait.ge @!p2 [sflag:s11], $0x1900  }
0xef: {  	[sflag:s11] =	ssyncset.done @!p2 $0x0  }
0xf0: {  	s9 =	sadd.s32 @!p2 $0xFFFFFF80, s5;
	s13 =	simm.s32 @!p2 $0x12400;
	[sflag:s11] =	ssyncadd.s32 @!p2 $0xFFFFE700  }
0xf1: {  	[tilespmem:s13], [sflag:$0x6] =	stream.indirect.gather @!p2 [hbm4b:s1+s2], $0x80, s9, s2, $0xb8;
	[tilespmem:$0x1C000] =	vst v63  }
0xf2: {  	_ =	swait.ge [sflag:s29], $0x3200  }
0xf3: {  	[sflag:s29] =	ssyncset.done $0x0  }
0xf4: {  	s9 =	sadd.s32 $0x2A00, s0;
	s11 =	rddreg [dreg:$0x4];
	[sflag:s29] =	ssyncadd.s32 $0xFFFFCE00  }
0xf5: {  	[hbm4b:s9+s3] =	stream.linear.scatter [tilespmem:s20], [sflag:$0xF], $0x1900, $0x38;
	[tilespmem:$0x1C000] =	vst v63  }
0xf6: {  	s13 =	rddreg [dreg:$0x11];
	s9 =	sadd.s32 s31, s11;
	s11 =	simm.s32 @!p2 $0xF  }
0xf7: {  	[hbm4b:s9+s3] =	stream.linear.scatter [tilespmem:s13], [sflag:$0xF], $0x1900, $0x38;
	[tilespmem:$0x1C000] =	vst v63  }
0xf8: {  	_ =	swait.ge @!p2 [sflag:s11], $0x1900  }
0xf9: {  	[sflag:s11] =	ssyncset.done @!p2 $0x0  }
0xfa: {  	[sflag:s11] =	ssyncadd.s32 @!p2 $0xFFFFE700  }
0xfb: {  	_ =	swait.ge @!p2 [sflag:s11], $0x1900  }
0xfc: {  	s4 =	smov.u32 s6;
	s6 =	sadd.s32 $0x3800, s6;
	[sflag:s11] =	ssyncset.done @!p2 $0x0  }
0xfd: {  	p1 =	sne.s32 s6, $0x1C000;
	s9 =	simm.s32 @!p2 $0x15800;
	[sflag:s11] =	ssyncadd.s32 @!p2 $0xFFFFE700  }
0xfe: {  	[tilespmem:s9], [sflag:$0x7] =	stream.indirect.gather @!p2 [hbm4b:s1+s2], $0x80, s5, s2, $0xb8;
	[tilespmem:$0x1C000] =	vst v63  }
.Ltmp0:
0xff: {  	_ = 	snop;
	(pc) =	sbr.rel @p1 .LBB2_2-.Ltmp0, $4  }
0x100: {  	s13 =	sadd.s32 $0x3100, s0;
	_ =	swait.ge [sflag:s30], $0x3200  }
0x101: {  	s0 =	simm.s32 @!p0 $0x10;
	[sflag:s30] =	ssyncset.done $0x0;
	s2 =	rddreg [dreg:$0xa]  }
0x102: {  	s5 =	sadd.s32 $0x400, s5;
	s9 =	rddreg [dreg:$0x12];
	[sflag:s30] =	ssyncadd.s32 $0xFFFFCE00  }
0x103: {  	[hbm4b:s13+s3] =	stream.linear.scatter [tilespmem:s21], [sflag:$0x10], $0x1900, $0x38;
	[tilespmem:$0x1C000] =	vst v63  }
0x104: {  	s2 =	sadd.s32 s31, s2  }
0x105: {  	[hbm4b:s2+s3] =	stream.linear.scatter [tilespmem:s9], [sflag:$0x10], $0x1900, $0x38;
	[tilespmem:$0x1C000] =	vst v63  }
0x106: {  	_ =	swait.ge @!p0 [sflag:s0], $0x1900  }
0x107: {  	[sflag:s0] =	ssyncset.done @!p0 $0x0  }
0x108: {  	[sflag:s0] =	ssyncadd.s32 @!p0 $0xFFFFE700  }
0x109: {  	_ =	swait.ge @!p0 [sflag:s0], $0x1900  }
0x10a: {  	[sflag:s0] =	ssyncset.done @!p0 $0x0  }
0x10b: {  	s2 =	sadd.s32 $0xFFFFFC80, s5;
	[sflag:s0] =	ssyncadd.s32 @!p0 $0xFFFFE700  }
0x10c: {  	[tilespmem:s21], [sflag:$0x8] =	stream.indirect.gather [hbm4b:s1+s7], $0x80, s2, s7, $0xb8;
	[tilespmem:$0x1C000] =	vst v63  }
0x10d: {  	_ =	swait.ge [sflag:s22], $0x3200  }
0x10e: {  	s6 =	rddreg [dreg:$0x5];
	[sflag:s22] =	ssyncset.done $0x0  }
0x10f: {  	[sflag:s22] =	ssyncadd.s32 $0xFFFFCE00;
	s0 =	sadd.s32 s4, s6  }
0x110: {  	[hbm4b:s0+s3] =	stream.linear.scatter [tilespmem:s8], [sflag:$0x9], $0x1900, $0x38;
	[tilespmem:$0x1C000] =	vst v63  }
0x111: {  	p0 =	seq.s32 s4, $0x18800;
	s9 =	rddreg [dreg:$0xb];
	s6 =	sadd.s32 $0x380, s0  }
0x112: {  	[hbm4b:s6+s3] =	stream.linear.scatter [tilespmem:s9], [sflag:$0x9], $0x1900, $0x38;
	[tilespmem:$0x1C000] =	vst v63  }
0x113: {  	s6 =	simm.s32 @!p0 $0x9  }
0x114: {  	_ =	swait.ge @!p0 [sflag:s6], $0x1900  }
0x115: {  	[sflag:s6] =	ssyncset.done @!p0 $0x0  }
0x116: {  	[sflag:s6] =	ssyncadd.s32 @!p0 $0xFFFFE700  }
0x117: {  	_ =	swait.ge @!p0 [sflag:s6], $0x1900  }
0x118: {  	s11 =	sadd.s32 @!p0 $0xFFFFFD00, s5;
	[sflag:s6] =	ssyncset.done @!p0 $0x0  }
0x119: {  	s2 =	simm.s32 @!p0 $0x64;
	s9 =	simm.s32 @!p0 $0x2000;
	[sflag:s6] =	ssyncadd.s32 @!p0 $0xFFFFE700  }
0x11a: {  	[tilespmem:s9], [sflag:$0x1] =	stream.indirect.gather @!p0 [hbm4b:s1+s2], $0x80, s11, s2, $0xb8;
	[tilespmem:$0x1C000] =	vst v63  }
0x11b: {  	_ =	swait.ge [sflag:s23], $0x3200  }
0x11c: {  	[sflag:s23] =	ssyncset.done $0x0  }
0x11d: {  	s13 =	sadd.s32 $0x700, s0;
	s11 =	rddreg [dreg:$0x9];
	[sflag:s23] =	ssyncadd.s32 $0xFFFFCE00  }
0x11e: {  	[hbm4b:s13+s3] =	stream.linear.scatter [tilespmem:s10], [sflag:$0xA], $0x1900, $0x38;
	[tilespmem:$0x1C000] =	vst v63  }
0x11f: {  	s9 =	simm.s32 @!p0 $0xA;
	s31 =	rddreg [dreg:$0xc];
	s6 =	sadd.s32 s4, s11  }
0x120: {  	[hbm4b:s6+s3] =	stream.linear.scatter [tilespmem:s31], [sflag:$0xA], $0x1900, $0x38;
	[tilespmem:$0x1C000] =	vst v63  }
0x121: {  	_ =	swait.ge @!p0 [sflag:s9], $0x1900  }
0x122: {  	[sflag:s9] =	ssyncset.done @!p0 $0x0  }
0x123: {  	[sflag:s9] =	ssyncadd.s32 @!p0 $0xFFFFE700  }
0x124: {  	_ =	swait.ge @!p0 [sflag:s9], $0x1900  }
0x125: {  	[sflag:s9] =	ssyncset.done @!p0 $0x0  }
0x126: {  	s11 =	simm.s32 @!p0 $0x5400;
	s6 =	sadd.s32 @!p0 $0xFFFFFD80, s5;
	[sflag:s9] =	ssyncadd.s32 @!p0 $0xFFFFE700  }
0x127: {  	[tilespmem:s11], [sflag:$0x2] =	stream.indirect.gather @!p0 [hbm4b:s1+s2], $0x80, s6, s2, $0xb8;
	[tilespmem:$0x1C000] =	vst v63  }
0x128: {  	_ =	swait.ge [sflag:s24], $0x3200  }
0x129: {  	[sflag:s24] =	ssyncset.done $0x0  }
0x12a: {  	s13 =	sadd.s32 $0xE00, s0;
	s11 =	rddreg [dreg:$0x8];
	[sflag:s24] =	ssyncadd.s32 $0xFFFFCE00  }
0x12b: {  	[hbm4b:s13+s3] =	stream.linear.scatter [tilespmem:s12], [sflag:$0xB], $0x1900, $0x38;
	[tilespmem:$0x1C000] =	vst v63  }
0x12c: {  	s9 =	simm.s32 @!p0 $0xB;
	s31 =	rddreg [dreg:$0xd];
	s6 =	sadd.s32 s4, s11  }
0x12d: {  	[hbm4b:s6+s3] =	stream.linear.scatter [tilespmem:s31], [sflag:$0xB], $0x1900, $0x38;
	[tilespmem:$0x1C000] =	vst v63  }
0x12e: {  	_ =	swait.ge @!p0 [sflag:s9], $0x1900  }
0x12f: {  	[sflag:s9] =	ssyncset.done @!p0 $0x0  }
0x130: {  	[sflag:s9] =	ssyncadd.s32 @!p0 $0xFFFFE700  }
0x131: {  	_ =	swait.ge @!p0 [sflag:s9], $0x1900  }
0x132: {  	[sflag:s9] =	ssyncset.done @!p0 $0x0  }
0x133: {  	s11 =	simm.s32 @!p0 $0x8800;
	s6 =	sadd.s32 @!p0 $0xFFFFFE00, s5;
	[sflag:s9] =	ssyncadd.s32 @!p0 $0xFFFFE700  }
0x134: {  	[tilespmem:s11], [sflag:$0x3] =	stream.indirect.gather @!p0 [hbm4b:s1+s2], $0x80, s6, s2, $0xb8;
	[tilespmem:$0x1C000] =	vst v63  }
0x135: {  	_ =	swait.ge [sflag:s25], $0x3200  }
0x136: {  	[sflag:s25] =	ssyncset.done $0x0  }
0x137: {  	s13 =	sadd.s32 $0x1500, s0;
	s11 =	rddreg [dreg:$0x7];
	[sflag:s25] =	ssyncadd.s32 $0xFFFFCE00  }
0x138: {  	[hbm4b:s13+s3] =	stream.linear.scatter [tilespmem:s14], [sflag:$0xC], $0x1900, $0x38;
	[tilespmem:$0x1C000] =	vst v63  }
0x139: {  	s9 =	simm.s32 @!p0 $0xC;
	s31 =	rddreg [dreg:$0xe];
	s6 =	sadd.s32 s4, s11  }
0x13a: {  	[hbm4b:s6+s3] =	stream.linear.scatter [tilespmem:s31], [sflag:$0xC], $0x1900, $0x38;
	[tilespmem:$0x1C000] =	vst v63  }
0x13b: {  	_ =	swait.ge @!p0 [sflag:s9], $0x1900  }
0x13c: {  	[sflag:s9] =	ssyncset.done @!p0 $0x0  }
0x13d: {  	[sflag:s9] =	ssyncadd.s32 @!p0 $0xFFFFE700  }
0x13e: {  	_ =	swait.ge @!p0 [sflag:s9], $0x1900  }
0x13f: {  	[sflag:s9] =	ssyncset.done @!p0 $0x0  }
0x140: {  	s11 =	simm.s32 @!p0 $0xBC00;
	s6 =	sadd.s32 @!p0 $0xFFFFFE80, s5;
	[sflag:s9] =	ssyncadd.s32 @!p0 $0xFFFFE700  }
0x141: {  	[tilespmem:s11], [sflag:$0x4] =	stream.indirect.gather @!p0 [hbm4b:s1+s2], $0x80, s6, s2, $0xb8;
	[tilespmem:$0x1C000] =	vst v63  }
0x142: {  	_ =	swait.ge [sflag:s26], $0x3200  }
0x143: {  	[sflag:s26] =	ssyncset.done $0x0  }
0x144: {  	s11 =	sadd.s32 $0x1C00, s0;
	[sflag:s26] =	ssyncadd.s32 $0xFFFFCE00  }
0x145: {  	[hbm4b:s11+s3] =	stream.linear.scatter [tilespmem:s16], [sflag:$0xD], $0x1900, $0x38;
	[tilespmem:$0x1C000] =	vst v63  }
0x146: {  	s31 =	sadd.s32 $0x1F80, s0;
	s13 =	rddreg [dreg:$0xf];
	s11 =	simm.s32 @!p0 $0xD  }
0x147: {  	[hbm4b:s31+s3] =	stream.linear.scatter [tilespmem:s13], [sflag:$0xD], $0x1900, $0x38;
	[tilespmem:$0x1C000] =	vst v63  }
0x148: {  	_ =	swait.ge @!p0 [sflag:s11], $0x1900  }
0x149: {  	[sflag:s11] =	ssyncset.done @!p0 $0x0  }
0x14a: {  	[sflag:s11] =	ssyncadd.s32 @!p0 $0xFFFFE700  }
0x14b: {  	_ =	swait.ge @!p0 [sflag:s11], $0x1900  }
0x14c: {  	[sflag:s11] =	ssyncset.done @!p0 $0x0  }
0x14d: {  	s9 =	simm.s32 @!p0 $0xF000;
	s6 =	sadd.s32 @!p0 $0xFFFFFF00, s5;
	[sflag:s11] =	ssyncadd.s32 @!p0 $0xFFFFE700  }
0x14e: {  	[tilespmem:s9], [sflag:$0x5] =	stream.indirect.gather @!p0 [hbm4b:s1+s2], $0x80, s6, s2, $0xb8;
	[tilespmem:$0x1C000] =	vst v63  }
0x14f: {  	_ =	swait.ge [sflag:s28], $0x3200  }
0x150: {  	[sflag:s28] =	ssyncset.done $0x0  }
0x151: {  	s13 =	sadd.s32 $0x2300, s0;
	s11 =	rddreg [dreg:$0x6];
	[sflag:s28] =	ssyncadd.s32 $0xFFFFCE00  }
0x152: {  	[hbm4b:s13+s3] =	stream.linear.scatter [tilespmem:s18], [sflag:$0xE], $0x1900, $0x38;
	[tilespmem:$0x1C000] =	vst v63  }
0x153: {  	s9 =	simm.s32 @!p0 $0xE;
	s31 =	rddreg [dreg:$0x10];
	s6 =	sadd.s32 s4, s11  }
0x154: {  	[hbm4b:s6+s3] =	stream.linear.scatter [tilespmem:s31], [sflag:$0xE], $0x1900, $0x38;
	[tilespmem:$0x1C000] =	vst v63  }
0x155: {  	_ =	swait.ge @!p0 [sflag:s9], $0x1900  }
0x156: {  	[sflag:s9] =	ssyncset.done @!p0 $0x0  }
0x157: {  	[sflag:s9] =	ssyncadd.s32 @!p0 $0xFFFFE700  }
0x158: {  	_ =	swait.ge @!p0 [sflag:s9], $0x1900  }
0x159: {  	[sflag:s9] =	ssyncset.done @!p0 $0x0  }
0x15a: {  	s11 =	simm.s32 @!p0 $0x12400;
	s6 =	sadd.s32 @!p0 $0xFFFFFF80, s5;
	[sflag:s9] =	ssyncadd.s32 @!p0 $0xFFFFE700  }
0x15b: {  	[tilespmem:s11], [sflag:$0x6] =	stream.indirect.gather @!p0 [hbm4b:s1+s2], $0x80, s6, s2, $0xb8;
	[tilespmem:$0x1C000] =	vst v63  }
0x15c: {  	_ =	swait.ge [sflag:s29], $0x3200  }
0x15d: {  	[sflag:s29] =	ssyncset.done $0x0  }
0x15e: {  	s13 =	sadd.s32 $0x2A00, s0;
	s11 =	rddreg [dreg:$0x4];
	[sflag:s29] =	ssyncadd.s32 $0xFFFFCE00  }
0x15f: {  	[hbm4b:s13+s3] =	stream.linear.scatter [tilespmem:s20], [sflag:$0xF], $0x1900, $0x38;
	[tilespmem:$0x1C000] =	vst v63  }
0x160: {  	s31 =	rddreg [dreg:$0x11];
	s6 =	sadd.s32 s4, s11  }
0x161: {  	[hbm4b:s6+s3] =	stream.linear.scatter [tilespmem:s31], [sflag:$0xF], $0x1900, $0x38;
	[tilespmem:$0x1C000] =	vst v63  }
0x162: {  	s6 =	simm.s32 @!p0 $0xF  }
0x163: {  	_ =	swait.ge @!p0 [sflag:s6], $0x1900  }
0x164: {  	[sflag:s6] =	ssyncset.done @!p0 $0x0  }
0x165: {  	[sflag:s6] =	ssyncadd.s32 @!p0 $0xFFFFE700  }
0x166: {  	_ =	swait.ge @!p0 [sflag:s6], $0x1900  }
0x167: {  	[sflag:s6] =	ssyncset.done @!p0 $0x0  }
0x168: {  	[sflag:s6] =	ssyncadd.s32 @!p0 $0xFFFFE700;
	s6 =	simm.s32 @!p0 $0x15800  }
0x169: {  	[tilespmem:s6], [sflag:$0x7] =	stream.indirect.gather @!p0 [hbm4b:s1+s2], $0x80, s5, s2, $0xb8;
	[tilespmem:$0x1C000] =	vst v63  }
0x16a: {  	_ =	swait.ge [sflag:s30], $0x3200  }
0x16b: {  	[sflag:s30] =	ssyncset.done $0x0  }
0x16c: {  	s0 =	sadd.s32 $0x3100, s0;
	s13 =	rddreg [dreg:$0xa];
	[sflag:s30] =	ssyncadd.s32 $0xFFFFCE00  }
0x16d: {  	[hbm4b:s0+s3] =	stream.linear.scatter [tilespmem:s21], [sflag:$0x10], $0x1900, $0x38;
	[tilespmem:$0x1C000] =	vst v63  }
0x16e: {  	s31 =	rddreg [dreg:$0x12];
	s2 =	sadd.s32 s4, s13;
	s4 =	simm.s32 $0x9  }
0x16f: {  	[hbm4b:s2+s3] =	stream.linear.scatter [tilespmem:s31], [sflag:$0x10], $0x1900, $0x38;
	[tilespmem:$0x1C000] =	vst v63  }
0x170: {  	_ =	swait.ge [sflag:s4], $0x1900  }
0x171: {  	[sflag:s4] =	ssyncset.done $0x0  }
0x172: {  	[sflag:s4] =	ssyncadd.s32 $0xFFFFE700  }
0x173: {  	_ =	swait.ge [sflag:s4], $0x1900  }
0x174: {  	[sflag:s4] =	ssyncset.done $0x0  }
0x175: {  	s5 =	simm.s32 $0xA;
	[sflag:s4] =	ssyncadd.s32 $0xFFFFE700  }
0x176: {  	_ =	swait.ge [sflag:s5], $0x1900  }
0x177: {  	[sflag:s5] =	ssyncset.done $0x0  }
0x178: {  	[sflag:s5] =	ssyncadd.s32 $0xFFFFE700  }
0x179: {  	_ =	swait.ge [sflag:s5], $0x1900  }
0x17a: {  	[sflag:s5] =	ssyncset.done $0x0  }
0x17b: {  	s6 =	simm.s32 $0xB;
	[sflag:s5] =	ssyncadd.s32 $0xFFFFE700  }
0x17c: {  	_ =	swait.ge [sflag:s6], $0x1900  }
0x17d: {  	[sflag:s6] =	ssyncset.done $0x0  }
0x17e: {  	[sflag:s6] =	ssyncadd.s32 $0xFFFFE700  }
0x17f: {  	_ =	swait.ge [sflag:s6], $0x1900  }
0x180: {  	[sflag:s6] =	ssyncset.done $0x0  }
0x181: {  	s9 =	simm.s32 $0xC;
	[sflag:s6] =	ssyncadd.s32 $0xFFFFE700  }
0x182: {  	_ =	swait.ge [sflag:s9], $0x1900  }
0x183: {  	[sflag:s9] =	ssyncset.done $0x0  }
0x184: {  	[sflag:s9] =	ssyncadd.s32 $0xFFFFE700  }
0x185: {  	_ =	swait.ge [sflag:s9], $0x1900  }
0x186: {  	[sflag:s9] =	ssyncset.done $0x0  }
0x187: {  	s11 =	simm.s32 $0xD;
	[sflag:s9] =	ssyncadd.s32 $0xFFFFE700  }
0x188: {  	_ =	swait.ge [sflag:s11], $0x1900  }
0x189: {  	[sflag:s11] =	ssyncset.done $0x0  }
0x18a: {  	[sflag:s11] =	ssyncadd.s32 $0xFFFFE700  }
0x18b: {  	_ =	swait.ge [sflag:s11], $0x1900  }
0x18c: {  	[sflag:s11] =	ssyncset.done $0x0  }
0x18d: {  	s13 =	simm.s32 $0xE;
	[sflag:s11] =	ssyncadd.s32 $0xFFFFE700  }
0x18e: {  	_ =	swait.ge [sflag:s13], $0x1900  }
0x18f: {  	[sflag:s13] =	ssyncset.done $0x0  }
0x190: {  	[sflag:s13] =	ssyncadd.s32 $0xFFFFE700  }
0x191: {  	_ =	swait.ge [sflag:s13], $0x1900  }
0x192: {  	[sflag:s13] =	ssyncset.done $0x0  }
0x193: {  	[sflag:s13] =	ssyncadd.s32 $0xFFFFE700  }
0x194: {  	_ =	swait.ge [sflag:s15], $0x1900  }
0x195: {  	[sflag:s15] =	ssyncset.done $0x0  }
0x196: {  	[sflag:s15] =	ssyncadd.s32 $0xFFFFE700  }
0x197: {  	_ =	swait.ge [sflag:s15], $0x1900  }
0x198: {  	[sflag:s15] =	ssyncset.done $0x0  }
0x199: {  	[sflag:s15] =	ssyncadd.s32 $0xFFFFE700  }
0x19a: {  	_ =	swait.ge [sflag:s17], $0x1900  }
0x19b: {  	[sflag:s17] =	ssyncset.done $0x0  }
0x19c: {  	[sflag:s17] =	ssyncadd.s32 $0xFFFFE700  }
0x19d: {  	_ =	swait.ge [sflag:s17], $0x1900  }
0x19e: {  	s19 =	sadd.s32 $0x1, s19;
	s31 =	rddreg [dreg:$0x14]  }
0x19f: {  	p0 =	sne.s32 s19, s31  }
.Ltmp1:
0x1a0: {  	_ = 	snop;
	(pc) =	sbr.rel @p0 .LBB2_1-.Ltmp1, $3  }
0x1a1: {  	_ =	sdelay $0x1  }
0x1a2: {  	[sflag:s17] =	ssyncset.done $0x0  }
0x1a3: {  	[sflag:s17] =	ssyncadd.s32 $0xFFFFE700  }
0x1a4: {  	_ =	sfence.sel $0x180000  }
0x1a5: {  	[bflag:$0x0] =	sbarrier.arrive $0xFFFF  }
0x1a6: {  	_ =	strace $0x90000047  }
0x1a7: {  	s0 =	stileid.u32;
	[bflag:$0x2] =	sbarrier.arrive $0xFFFF  }
0x1a8: {  	p0 =	sne.s32 s0, $0x0;
	s0 =	rddreg [dreg:$0x3]  }
0x1a9: {  	s0 =	sadd.s32 @!p0 $0x100000, s0  }
0x1aa: {  	[sflag:s0] =	ssyncadd.tile.s32 @!p0 $0x1;
	_ =	shalt  }
.Lfunc_end2:
_tile_overlayer_lowered:
.L_overlay_start_2:
0x1ab: {  	(tag) =	ssettag $0x2  }
0x1ac: {  	s0 =	rddreg [dreg:$0x0];
	s2 =	stileid.u32  }
0x1ad: {  	s1 =	rddreg [dreg:$0x1];
	p0 =	sne.s32 s2, $0x0  }
0x1ae: {  	s3 =	rddreg [dreg:$0x2];
	[bflag:$0x3] =	sbarrier.arrive $0xFFFF;
	s2 =	simm.s32 @!p0 $0x1C11  }
0x1af: {  	[timem:s3], [sflag:s2] =	dma.local @!p0 [hbm:s0], s1  }
0x1b0: {  	s0 =	simm.s32 @!p0 $0x11  }
0x1b1: {  	_ =	swait.ge @!p0 [sflag:s0], s1  }
0x1b2: {  	s1 =	ssub.s32 @!p0 $0x0, s1;
	[sflag:s0] =	ssyncset.done @!p0 $0x0  }
0x1b3: {  	[sflag:s0] =	ssyncadd.s32 @!p0 s1  }
0x1b4: {  	[bflag:$0x3] =	sbarrier.arrive $0xFFFF  }
0x1b5: {  	_ =	shalt  }

</sc_bundles>
